<compile_context>
chip_gen: v7x
topology: tpu7x:2x2x1
jax: 0.10.2.dev20260603
libtpu: 0.0.44.dev20260713+nightly
codegen_flags: <defaults>
</compile_context>

<pallas_src>
import math

import jax
import jax.numpy as jnp
from jax import lax
from jax.experimental import pallas as pl
from jax.experimental.pallas import tpu as pltpu
from jax.experimental.pallas import tpu_sc as plsc

_B, _S, _D = 16, 2048, 1024
_TEMP = 0.07
_P = 64
_BETA = 0.4
_TS = 1024
_NST = _S // _TS

_SC_INFO = plsc.get_sparse_core_info()
_NW = _SC_INFO.num_cores * _SC_INFO.num_subcores
_BP = _B * _P
_BPW = _BP // _NW


def _main_body(xt_ref, xr_ref, xh_ref, xi_ref, maskt_ref,
               w1t_ref, w1r_ref, b1_ref, wiq_ref, biq_ref, whq_ref, bhq_ref,
               wk_ref, wfc2_ref,
               idx_ref, w_ref, qtp_scr, up_scr, scores_scr):
    f32 = jnp.float32
    bf16 = jnp.bfloat16
    b = pl.program_id(0)
    st = pl.program_id(1)

    @pl.when(jnp.logical_and(b == 0, st == 0))
    def _init():
        scores_scr[...] = jnp.full((_S, 128), -jnp.inf, f32)

    @pl.when(st == 0)
    def _prep():
        img_q = jnp.dot(xi_ref[0], wiq_ref[...], preferred_element_type=f32) + biq_ref[...]
        head_q = jnp.dot(xh_ref[0], whq_ref[...], preferred_element_type=f32) + bhq_ref[...]
        qc = img_q * _BETA + head_q * (1.0 - _BETA)
        scale = 1.0 / (math.sqrt(_D) * _TEMP)
        qt_row = jax.lax.dot_general(qc, wk_ref[...], (((1,), (1,)), ((), ())),
                                     preferred_element_type=f32) * scale
        u_row = jax.lax.dot_general(qt_row, wfc2_ref[...], (((1,), (1,)), ((), ())),
                                    preferred_element_type=f32)
        qtp_scr[...] = qt_row
        up_scr[...] = u_row

    hh = _TS // 2
    lane128 = jax.lax.broadcasted_iota(jnp.int32, (hh, 128), 1)
    qt = qtp_scr[...]
    u = up_scr[...]
    for half in range(2):
        sl = slice(half * hh, (half + 1) * hh)
        xt_f = xt_ref[0, sl]
        xr = xr_ref[0, sl].astype(bf16)
        z = (jnp.dot(xt_f.astype(bf16), w1t_ref[...], preferred_element_type=f32)
             + jnp.dot(xr, w1r_ref[...], preferred_element_type=f32)
             + b1_ref[...])
        h = jnp.where(z >= 0.0, z, 0.01 * z)
        s_col = (jnp.sum(xt_f * qt, axis=1, keepdims=True)
                 + jnp.sum(h * u, axis=1, keepdims=True))
        rows = pl.ds(st * _TS + half * hh, hh)
        scores_scr[rows, :] = jnp.where(lane128 == b,
                                        jnp.broadcast_to(s_col, (hh, 128)),
                                        scores_scr[rows, :])

    @pl.when(jnp.logical_and(b == _B - 1, st == _NST - 1))
    def _topk():
        sc_cols = scores_scr[...]
        sc_cols = jnp.where(maskt_ref[...] < 0.01, -jnp.inf, sc_cols)
        sc = jnp.transpose(sc_cols)[:_B]
        m = jnp.max(sc, axis=1, keepdims=True)
        denom = jnp.sum(jnp.exp(sc - m), axis=1, keepdims=True)
        cur = sc
        col = jax.lax.broadcasted_iota(jnp.int32, (_B, _S), 1)
        lane = jax.lax.broadcasted_iota(jnp.int32, (_B, _P), 1)
        row_off = jax.lax.broadcasted_iota(jnp.int32, (_B, _P), 0) * _S
        idx_acc = jnp.zeros((_B, _P), jnp.int32)
        val_acc = jnp.zeros((_B, _P), f32)
        for i in range(_P):
            mx = jnp.max(cur, axis=1, keepdims=True)
            first = jnp.min(jnp.where(cur == mx, col, _S), axis=1, keepdims=True)
            idx_acc = jnp.where(lane == i, first, idx_acc)
            val_acc = jnp.where(lane == i, jnp.exp(mx - m), val_acc)
            cur = jnp.where(col == first, -jnp.inf, cur)
        idx_ref[...] = idx_acc + row_off
        w_ref[:, 0, :] = val_acc / denom


def _sc_gather_body(xt_hbm, xr_hbm, idx_hbm, outt_hbm, outr_hbm,
                    idx_v, rows_t, rows_r, sem_t, sem_r):
    nc = _SC_INFO.num_cores
    wid = lax.axis_index("s") * nc + lax.axis_index("c")
    base = wid * _BPW
    pltpu.sync_copy(idx_hbm.at[pl.ds(base, _BPW)], idx_v)
    ct = pltpu.async_copy(xt_hbm.at[idx_v], rows_t, sem_t)
    cr = pltpu.async_copy(xr_hbm.at[idx_v], rows_r, sem_r)
    ct.wait()
    pltpu.sync_copy(rows_t, outt_hbm.at[pl.ds(base, _BPW)])
    cr.wait()
    pltpu.sync_copy(rows_r, outr_hbm.at[pl.ds(base, _BPW)])


def _epi_body(xt_ref, xr_ref, w_ref, wfull_ref, xh_ref, xi_ref,
              w1t_ref, w1r_ref, b1_ref, wfc2_ref, bfc2_ref, wv_ref, bv_ref,
              wproj_ref, bproj_ref, wft_ref, bft_ref, wfi_ref, bfi_ref,
              wftr_ref, bftr_ref, wgt_ref, bgt_ref, wgi_ref, bgi_ref,
              out_ref, t1_scr, t2_scr):
    f32 = jnp.float32
    b = pl.program_id(0)
    xt = xt_ref[0]
    xr = xr_ref[0]
    z = (jnp.dot(xt, w1t_ref[...], preferred_element_type=f32)
         + jnp.dot(xr, w1r_ref[...], preferred_element_type=f32)
         + b1_ref[...])
    h = jnp.where(z >= 0.0, z, 0.01 * z)
    w = w_ref[0]
    t1_scr[pl.ds(b, 1)] = jnp.dot(w, xt, preferred_element_type=f32)
    t2_scr[pl.ds(b, 1)] = jnp.dot(w, h, preferred_element_type=f32)

    @pl.when(b == _B - 1)
    def _finale():
        t1 = t1_scr[...]
        t2 = t2_scr[...]
        sw_col = jnp.sum(wfull_ref[:, 0, :], axis=1, keepdims=True)
        reltail = (t1 + jnp.dot(t2, wfc2_ref[...], preferred_element_type=f32)
                   + sw_col * bfc2_ref[...])
        ctx = jnp.dot(reltail, wv_ref[...], preferred_element_type=f32) + sw_col * bv_ref[...]
        x_triple = jnp.dot(ctx, wproj_ref[...], preferred_element_type=f32) + bproj_ref[...]
        triple_out = jnp.dot(x_triple, wftr_ref[...], preferred_element_type=f32) + bftr_ref[...]
        xh = xh_ref[...]
        xi = xi_ref[...]
        text_out = jnp.dot(xh, wft_ref[...], preferred_element_type=f32) + bft_ref[...]
        img_out = jnp.dot(xi, wfi_ref[...], preferred_element_type=f32) + bfi_ref[...]
        tg = jax.nn.sigmoid(jnp.dot(xh, wgt_ref[...], preferred_element_type=f32) + bgt_ref[...])
        ig = jax.nn.sigmoid(jnp.dot(xi, wgi_ref[...], preferred_element_type=f32) + bgi_ref[...])
        out_ref[...] = triple_out + text_out * tg + img_out * ig


def kernel(x_head, x_rel, x_tail, x_mask, x_img, W_fc1, b_fc1, W_fc2, b_fc2,
           W_k, b_k, W_v, b_v, W_proj, b_proj, W_iq, b_iq, W_hq, b_hq,
           W_ft, b_ft, W_fi, b_fi, W_ftr, b_ftr, W_gt, b_gt, W_gi, b_gi):
    f32 = jnp.float32
    bf16 = jnp.bfloat16
    r2 = lambda b: b.reshape(1, _D)
    w1t = W_fc1[:_D]
    w1r = W_fc1[_D:]
    w1t_b = w1t.astype(bf16)
    w1r_b = w1r.astype(bf16)
    xh3 = x_head.reshape(_B, 1, _D)
    xi3 = x_img.reshape(_B, 1, _D)
    maskt = jnp.pad(x_mask.T, ((0, 0), (0, 128 - _B)), constant_values=1.0)

    full2 = lambda a, c: pl.BlockSpec((a, c), lambda b, s: (0, 0))

    idx, w = pl.pallas_call(
        _main_body,
        grid=(_B, _NST),
        in_specs=[
            pl.BlockSpec((1, _TS, _D), lambda b, s: (b, s, 0)),
            pl.BlockSpec((1, _TS, _D), lambda b, s: (b, s, 0)),
            pl.BlockSpec((1, 1, _D), lambda b, s: (b, 0, 0)),
            pl.BlockSpec((1, 1, _D), lambda b, s: (b, 0, 0)),
            full2(_S, 128),
            full2(_D, _D), full2(_D, _D), full2(1, _D),
            full2(_D, _D), full2(1, _D), full2(_D, _D), full2(1, _D),
            full2(_D, _D), full2(_D, _D),
        ],
        out_specs=[
            pl.BlockSpec((_B, _P), lambda b, s: (0, 0)),
            pl.BlockSpec((_B, 1, _P), lambda b, s: (0, 0, 0)),
        ],
        out_shape=[
            jax.ShapeDtypeStruct((_B, _P), jnp.int32),
            jax.ShapeDtypeStruct((_B, 1, _P), f32),
        ],
        scratch_shapes=[
            pltpu.VMEM((1, _D), f32),
            pltpu.VMEM((1, _D), f32),
            pltpu.VMEM((_S, 128), f32),
        ],
    )(x_tail, x_rel, xh3, xi3, maskt,
      w1t_b, w1r_b, r2(b_fc1), W_iq, r2(b_iq), W_hq, r2(b_hq), W_k, W_fc2)

    xt_flat = x_tail.reshape(_B * _S, _D)
    xr_flat = x_rel.reshape(_B * _S, _D)
    gidx = idx.reshape(_BP)
    sc_gather = pl.kernel(
        _sc_gather_body,
        mesh=plsc.VectorSubcoreMesh(core_axis_name="c", subcore_axis_name="s"),
        out_type=[jax.ShapeDtypeStruct((_BP, _D), f32)] * 2,
        scratch_types=[
            pltpu.VMEM((_BPW,), jnp.int32),
            pltpu.VMEM((_BPW, _D), f32),
            pltpu.VMEM((_BPW, _D), f32),
            pltpu.SemaphoreType.DMA,
            pltpu.SemaphoreType.DMA,
        ],
    )
    xt_top, xr_top = sc_gather(xt_flat, xr_flat, gidx)

    out = pl.pallas_call(
        _epi_body,
        grid=(_B,),
        in_specs=[
            pl.BlockSpec((1, _P, _D), lambda b: (b, 0, 0)),
            pl.BlockSpec((1, _P, _D), lambda b: (b, 0, 0)),
            pl.BlockSpec((1, 1, _P), lambda b: (b, 0, 0)),
            pl.BlockSpec((_B, 1, _P), lambda b: (0, 0, 0)),
            pl.BlockSpec((_B, _D), lambda b: (0, 0)),
            pl.BlockSpec((_B, _D), lambda b: (0, 0)),
            pl.BlockSpec((_D, _D), lambda b: (0, 0)),
            pl.BlockSpec((_D, _D), lambda b: (0, 0)),
            pl.BlockSpec((1, _D), lambda b: (0, 0)),
            pl.BlockSpec((_D, _D), lambda b: (0, 0)),
            pl.BlockSpec((1, _D), lambda b: (0, 0)),
            pl.BlockSpec((_D, _D), lambda b: (0, 0)),
            pl.BlockSpec((1, _D), lambda b: (0, 0)),
            pl.BlockSpec((_D, _D), lambda b: (0, 0)),
            pl.BlockSpec((1, _D), lambda b: (0, 0)),
            pl.BlockSpec((_D, _D), lambda b: (0, 0)),
            pl.BlockSpec((1, _D), lambda b: (0, 0)),
            pl.BlockSpec((_D, _D), lambda b: (0, 0)),
            pl.BlockSpec((1, _D), lambda b: (0, 0)),
            pl.BlockSpec((_D, _D), lambda b: (0, 0)),
            pl.BlockSpec((1, _D), lambda b: (0, 0)),
            pl.BlockSpec((_D, _D), lambda b: (0, 0)),
            pl.BlockSpec((1, _D), lambda b: (0, 0)),
            pl.BlockSpec((_D, _D), lambda b: (0, 0)),
            pl.BlockSpec((1, _D), lambda b: (0, 0)),
        ],
        out_specs=pl.BlockSpec((_B, _D), lambda b: (0, 0)),
        out_shape=jax.ShapeDtypeStruct((_B, _D), f32),
        scratch_shapes=[
            pltpu.VMEM((_B, _D), f32),
            pltpu.VMEM((_B, _D), f32),
        ],
    )(xt_top.reshape(_B, _P, _D), xr_top.reshape(_B, _P, _D), w, w,
      x_head, x_img,
      w1t, w1r, r2(b_fc1), W_fc2, r2(b_fc2), W_v, r2(b_v),
      W_proj, r2(b_proj), W_ft, r2(b_ft), W_fi, r2(b_fi),
      W_ftr, r2(b_ftr), W_gt, r2(b_gt), W_gi, r2(b_gi))
    return out

# --- scband reference (transcript-rebuilt; emitter-appended) ---
"""Pipeline reference for scband-retrieval-model-16217796510376 (READ-ONLY COPY).

The authoritative reference and input builder live on the scoring server;
editing this copy changes nothing except your own understanding.
"""

import jax, jax.numpy as jnp
import numpy as np
import math

B, S, D = 16, 2048, 1024
TEMP = 0.07
P = 64
BETA = 0.4


def _lin(key, din, dout):
    k1, k2 = jax.random.split(key)
    lim = 1.0 / math.sqrt(din)
    W = jax.random.uniform(k1, (din, dout), minval=-lim, maxval=lim, dtype=jnp.float32)
    b = jax.random.uniform(k2, (dout,), minval=-lim, maxval=lim, dtype=jnp.float32)
    return W, b


def setup_inputs(seed: int = 0) -> dict:
    key = jax.random.key(seed)
    ks = jax.random.split(key, 20)
    inp = {}
    inp['x_head'] = jax.random.normal(ks[0], (B, D), dtype=jnp.float32)
    inp['x_rel'] = jax.random.normal(ks[1], (B, S, D), dtype=jnp.float32)
    inp['x_tail'] = jax.random.normal(ks[2], (B, S, D), dtype=jnp.float32)
    inp['x_mask'] = jnp.ones((B, S), dtype=jnp.float32)
    inp['x_img'] = jax.random.normal(ks[3], (B, D), dtype=jnp.float32)
    inp['W_fc1'], inp['b_fc1'] = _lin(ks[4], 2 * D, D)
    inp['W_fc2'], inp['b_fc2'] = _lin(ks[5], D, D)
    inp['W_k'], inp['b_k'] = _lin(ks[6], D, D)
    inp['W_v'], inp['b_v'] = _lin(ks[7], D, D)
    inp['W_proj'], inp['b_proj'] = _lin(ks[8], D, D)
    inp['W_iq'], inp['b_iq'] = _lin(ks[9], D, D)
    inp['W_hq'], inp['b_hq'] = _lin(ks[10], D, D)
    inp['W_ft'], inp['b_ft'] = _lin(ks[11], D, D)
    inp['W_fi'], inp['b_fi'] = _lin(ks[12], D, D)
    inp['W_ftr'], inp['b_ftr'] = _lin(ks[13], D, D)
    inp['W_gt'], inp['b_gt'] = _lin(ks[14], D, D)
    inp['W_gi'], inp['b_gi'] = _lin(ks[15], D, D)
    return inp


def reference(x_head, x_rel, x_tail, x_mask, x_img,
              W_fc1, b_fc1, W_fc2, b_fc2,
              W_k, b_k, W_v, b_v, W_proj, b_proj,
              W_iq, b_iq, W_hq, b_hq,
              W_ft, b_ft, W_fi, b_fi, W_ftr, b_ftr,
              W_gt, b_gt, W_gi, b_gi):
    d = x_head.shape[-1]
    mask = x_mask[:, None, :]
    seq_len = x_mask.shape[-1]
    p = min(P, seq_len)
    # reltail feature combine (MLP, eval mode -> dropout is identity)
    feat = jnp.concatenate([x_tail, x_rel], axis=-1)
    h = jax.nn.leaky_relu(feat @ W_fc1 + b_fc1, negative_slope=0.01)
    x_reltail = x_tail + (h @ W_fc2 + b_fc2)
    keys = x_reltail @ W_k + b_k
    values = x_reltail @ W_v + b_v
    img_q = (x_img @ W_iq + b_iq)[:, None, :]
    head_q = (x_head @ W_hq + b_hq)[:, None, :]
    s1 = jnp.einsum('bqd,bsd->bqs', img_q, keys) / math.sqrt(d)
    s2 = jnp.einsum('bqd,bsd->bqs', head_q, keys) / math.sqrt(d)
    neg = jnp.float32(-jnp.inf)
    s1 = jnp.where(mask < 0.01, neg, s1)
    s2 = jnp.where(mask < 0.01, neg, s2)
    scores = (s1 * BETA + s2 * (1.0 - BETA)) / TEMP
    attn = jax.nn.softmax(scores, axis=-1)
    _, idx = jax.lax.top_k(attn, p)
    top_mask = jnp.sum(jax.nn.one_hot(idx, attn.shape[-1], dtype=attn.dtype), axis=-2)
    attn = attn * top_mask
    ctx = jnp.einsum('bqs,bsd->bqd', attn, values)
    x_triple = (ctx @ W_proj + b_proj)[:, 0, :]
    text_out = x_head @ W_ft + b_ft
    img_out = x_img @ W_fi + b_fi
    triple_out = x_triple @ W_ftr + b_ftr
    tg = jax.nn.sigmoid(x_head @ W_gt + b_gt)
    ig = jax.nn.sigmoid(x_img @ W_gi + b_gi)
    return triple_out + text_out * tg + img_out * ig

if __name__ == "__main__":
    import jax
    _d = setup_inputs()
    print(jax.jit(kernel)(*tuple(_d.values())))

</pallas_src>

<mosaic_0001>
#map = affine_map<(d0, d1) -> (0, 0)>
#map1 = affine_map<(d0, d1) -> (0)>
module attributes {stable_mosaic.version = 14 : i64} {
  func.func @_sc_gather_body(%arg0: i32, %arg1: i32, %arg2: memref<32768x1024xf32, #tpu.memory_space<hbm>>, %arg3: memref<32768x1024xf32, #tpu.memory_space<hbm>>, %arg4: memref<1024xi32, #tpu.memory_space<hbm>>, %arg5: memref<1024x1024xf32, #tpu.memory_space<hbm>>, %arg6: memref<1024x1024xf32, #tpu.memory_space<hbm>>, %arg7: memref<32xi32, #tpu.memory_space<vmem>>, %arg8: memref<32x1024xf32, #tpu.memory_space<vmem>>, %arg9: memref<32x1024xf32, #tpu.memory_space<vmem>>, %arg10: memref<!tpu.dma_semaphore, #tpu.memory_space<semaphore_mem>>, %arg11: memref<!tpu.dma_semaphore, #tpu.memory_space<semaphore_mem>>) attributes {dimension_semantics = [#tpu.dimension_semantics<core_parallel>, #tpu.dimension_semantics<subcore_parallel>], iteration_bounds = array<i64: 2, 16>, scalar_prefetch = 0 : i64, scratch_operands = 5 : i64, tpu.core_type = #tpu.core_type<sc_vector_subcore>, window_params = [{transform_indices = #map}, {transform_indices = #map}, {transform_indices = #map1}, {transform_indices = #map}, {transform_indices = #map}]} {
    %mul3A = arith.constant 2 : i32
    %mul3A_0 = arith.muli %arg1, %mul3A : i32
    %add3A = arith.addi %mul3A_0, %arg0 : i32
    %mul3A_1 = arith.constant 32 : i32
    %mul3A_2 = arith.muli %add3A, %mul3A_1 : i32
    "tpu.region"() ({
      %run_scoped3A = tpu.sem_alloc : memref<!tpu.dma_semaphore, #tpu.memory_space<semaphore_mem>>
      %dma_start3A_13 = tpu.memref_slice %arg4[%mul3A_2] : memref<1024xi32, #tpu.memory_space<hbm>> -> memref<32xi32, #tpu.memory_space<hbm>>
      %dma_start3A_14 = tpu.memref_slice %arg4[%mul3A_2] : memref<1024xi32, #tpu.memory_space<hbm>> -> memref<32xi32, #tpu.memory_space<hbm>>
      tpu.enqueue_dma source(%dma_start3A_14 : memref<32xi32, #tpu.memory_space<hbm>>) target(%arg7 : memref<32xi32, #tpu.memory_space<vmem>>) target_semaphore(%run_scoped3A : memref<!tpu.dma_semaphore, #tpu.memory_space<semaphore_mem>>)
      %dma_wait3A_15 = tpu.memref_slice %arg4[%mul3A_2] : memref<1024xi32, #tpu.memory_space<hbm>> -> memref<32xi32, #tpu.memory_space<hbm>>
      %dma_wait3A_16 = tpu.memref_slice %arg4[%mul3A_2] : memref<1024xi32, #tpu.memory_space<hbm>> -> memref<32xi32, #tpu.memory_space<hbm>>
      tpu.wait_dma2 semaphore(%run_scoped3A : memref<!tpu.dma_semaphore, #tpu.memory_space<semaphore_mem>>) src(%dma_wait3A_16 : memref<32xi32, #tpu.memory_space<hbm>>) dst(%arg7 : memref<32xi32, #tpu.memory_space<vmem>>)
      tpu.yield
    }) : () -> ()
    %dma_start3A = arith.constant 0 : i32
    %dma_start3A_3 = arith.constant 0 : i32
    %dma_start3A_4 = tpu.memref_slice %arg2[%dma_start3A, %dma_start3A_3] : memref<32768x1024xf32, #tpu.memory_space<hbm>> -> memref<32768x1024xf32, #tpu.memory_space<hbm>>
    tpu.enqueue_indirect_dma source(%dma_start3A_4 : memref<32768x1024xf32, #tpu.memory_space<hbm>>) target(%arg8 : memref<32x1024xf32, #tpu.memory_space<vmem>>) offsets(%arg7 : memref<32xi32, #tpu.memory_space<vmem>>) semaphore(%arg10 : memref<!tpu.dma_semaphore, #tpu.memory_space<semaphore_mem>>)
    %dma_start3A_5 = arith.constant 0 : i32
    %dma_start3A_6 = arith.constant 0 : i32
    %dma_start3A_7 = tpu.memref_slice %arg3[%dma_start3A_5, %dma_start3A_6] : memref<32768x1024xf32, #tpu.memory_space<hbm>> -> memref<32768x1024xf32, #tpu.memory_space<hbm>>
    tpu.enqueue_indirect_dma source(%dma_start3A_7 : memref<32768x1024xf32, #tpu.memory_space<hbm>>) target(%arg9 : memref<32x1024xf32, #tpu.memory_space<vmem>>) offsets(%arg7 : memref<32xi32, #tpu.memory_space<vmem>>) semaphore(%arg11 : memref<!tpu.dma_semaphore, #tpu.memory_space<semaphore_mem>>)
    %dma_wait3A = arith.constant 0 : i32
    %dma_wait3A_8 = arith.constant 0 : i32
    %dma_wait3A_9 = tpu.memref_slice %arg2[%dma_wait3A, %dma_wait3A_8] : memref<32768x1024xf32, #tpu.memory_space<hbm>> -> memref<32768x1024xf32, #tpu.memory_space<hbm>>
    tpu.wait_indirect_dma semaphore(%arg10 : memref<!tpu.dma_semaphore, #tpu.memory_space<semaphore_mem>>) src(%dma_wait3A_9 : memref<32768x1024xf32, #tpu.memory_space<hbm>>) dst(%arg8 : memref<32x1024xf32, #tpu.memory_space<vmem>>)
    "tpu.region"() ({
      %run_scoped3A = tpu.sem_alloc : memref<!tpu.dma_semaphore, #tpu.memory_space<semaphore_mem>>
      %dma_start3A_13 = arith.constant 0 : i32
      %dma_start3A_14 = tpu.memref_slice %arg5[%mul3A_2, %dma_start3A_13] : memref<1024x1024xf32, #tpu.memory_space<hbm>> -> memref<32x1024xf32, #tpu.memory_space<hbm>>
      %dma_start3A_15 = arith.constant 0 : i32
      %dma_start3A_16 = tpu.memref_slice %arg5[%mul3A_2, %dma_start3A_15] : memref<1024x1024xf32, #tpu.memory_space<hbm>> -> memref<32x1024xf32, #tpu.memory_space<hbm>>
      tpu.enqueue_dma source(%arg8 : memref<32x1024xf32, #tpu.memory_space<vmem>>) target(%dma_start3A_16 : memref<32x1024xf32, #tpu.memory_space<hbm>>) target_semaphore(%run_scoped3A : memref<!tpu.dma_semaphore, #tpu.memory_space<semaphore_mem>>)
      %dma_wait3A_17 = arith.constant 0 : i32
      %dma_wait3A_18 = tpu.memref_slice %arg5[%mul3A_2, %dma_wait3A_17] : memref<1024x1024xf32, #tpu.memory_space<hbm>> -> memref<32x1024xf32, #tpu.memory_space<hbm>>
      %dma_wait3A_19 = arith.constant 0 : i32
      %dma_wait3A_20 = tpu.memref_slice %arg5[%mul3A_2, %dma_wait3A_19] : memref<1024x1024xf32, #tpu.memory_space<hbm>> -> memref<32x1024xf32, #tpu.memory_space<hbm>>
      tpu.wait_dma2 semaphore(%run_scoped3A : memref<!tpu.dma_semaphore, #tpu.memory_space<semaphore_mem>>) src(%arg8 : memref<32x1024xf32, #tpu.memory_space<vmem>>) dst(%dma_wait3A_20 : memref<32x1024xf32, #tpu.memory_space<hbm>>)
      tpu.yield
    }) : () -> ()
    %dma_wait3A_10 = arith.constant 0 : i32
    %dma_wait3A_11 = arith.constant 0 : i32
    %dma_wait3A_12 = tpu.memref_slice %arg3[%dma_wait3A_10, %dma_wait3A_11] : memref<32768x1024xf32, #tpu.memory_space<hbm>> -> memref<32768x1024xf32, #tpu.memory_space<hbm>>
    tpu.wait_indirect_dma semaphore(%arg11 : memref<!tpu.dma_semaphore, #tpu.memory_space<semaphore_mem>>) src(%dma_wait3A_12 : memref<32768x1024xf32, #tpu.memory_space<hbm>>) dst(%arg9 : memref<32x1024xf32, #tpu.memory_space<vmem>>)
    "tpu.region"() ({
      %run_scoped3A = tpu.sem_alloc : memref<!tpu.dma_semaphore, #tpu.memory_space<semaphore_mem>>
      %dma_start3A_13 = arith.constant 0 : i32
      %dma_start3A_14 = tpu.memref_slice %arg6[%mul3A_2, %dma_start3A_13] : memref<1024x1024xf32, #tpu.memory_space<hbm>> -> memref<32x1024xf32, #tpu.memory_space<hbm>>
      %dma_start3A_15 = arith.constant 0 : i32
      %dma_start3A_16 = tpu.memref_slice %arg6[%mul3A_2, %dma_start3A_15] : memref<1024x1024xf32, #tpu.memory_space<hbm>> -> memref<32x1024xf32, #tpu.memory_space<hbm>>
      tpu.enqueue_dma source(%arg9 : memref<32x1024xf32, #tpu.memory_space<vmem>>) target(%dma_start3A_16 : memref<32x1024xf32, #tpu.memory_space<hbm>>) target_semaphore(%run_scoped3A : memref<!tpu.dma_semaphore, #tpu.memory_space<semaphore_mem>>)
      %dma_wait3A_17 = arith.constant 0 : i32
      %dma_wait3A_18 = tpu.memref_slice %arg6[%mul3A_2, %dma_wait3A_17] : memref<1024x1024xf32, #tpu.memory_space<hbm>> -> memref<32x1024xf32, #tpu.memory_space<hbm>>
      %dma_wait3A_19 = arith.constant 0 : i32
      %dma_wait3A_20 = tpu.memref_slice %arg6[%mul3A_2, %dma_wait3A_19] : memref<1024x1024xf32, #tpu.memory_space<hbm>> -> memref<32x1024xf32, #tpu.memory_space<hbm>>
      tpu.wait_dma2 semaphore(%run_scoped3A : memref<!tpu.dma_semaphore, #tpu.memory_space<semaphore_mem>>) src(%arg9 : memref<32x1024xf32, #tpu.memory_space<vmem>>) dst(%dma_wait3A_20 : memref<32x1024xf32, #tpu.memory_space<hbm>>)
      tpu.yield
    }) : () -> ()
    return
  }
}

module attributes {stable_mosaic.version = 14 : i64} {
  func.func @_epi_body(%arg0: i32, %arg1: memref<1x64x1024xf32, #tpu.memory_space<vmem>>, %arg2: memref<1x64x1024xf32, #tpu.memory_space<vmem>>, %arg3: memref<1x1x64xf32, #tpu.memory_space<vmem>>, %arg4: memref<16x1x64xf32, #tpu.memory_space<vmem>>, %arg5: memref<16x1024xf32, #tpu.memory_space<vmem>>, %arg6: memref<16x1024xf32, #tpu.memory_space<vmem>>, %arg7: memref<1024x1024xf32, #tpu.memory_space<vmem>>, %arg8: memref<1024x1024xf32, #tpu.memory_space<vmem>>, %arg9: memref<1x1024xf32, #tpu.memory_space<vmem>>, %arg10: memref<1024x1024xf32, #tpu.memory_space<vmem>>, %arg11: memref<1x1024xf32, #tpu.memory_space<vmem>>, %arg12: memref<1024x1024xf32, #tpu.memory_space<vmem>>, %arg13: memref<1x1024xf32, #tpu.memory_space<vmem>>, %arg14: memref<1024x1024xf32, #tpu.memory_space<vmem>>, %arg15: memref<1x1024xf32, #tpu.memory_space<vmem>>, %arg16: memref<1024x1024xf32, #tpu.memory_space<vmem>>, %arg17: memref<1x1024xf32, #tpu.memory_space<vmem>>, %arg18: memref<1024x1024xf32, #tpu.memory_space<vmem>>, %arg19: memref<1x1024xf32, #tpu.memory_space<vmem>>, %arg20: memref<1024x1024xf32, #tpu.memory_space<vmem>>, %arg21: memref<1x1024xf32, #tpu.memory_space<vmem>>, %arg22: memref<1024x1024xf32, #tpu.memory_space<vmem>>, %arg23: memref<1x1024xf32, #tpu.memory_space<vmem>>, %arg24: memref<1024x1024xf32, #tpu.memory_space<vmem>>, %arg25: memref<1x1024xf32, #tpu.memory_space<vmem>>, %arg26: memref<16x1024xf32, #tpu.memory_space<vmem>>, %arg27: memref<16x1024xf32, #tpu.memory_space<vmem>>, %arg28: memref<16x1024xf32, #tpu.memory_space<vmem>>) attributes {dimension_semantics = [#tpu.dimension_semantics<arbitrary>], iteration_bounds = array<i64: 16>, scalar_prefetch = 0 : i64, scratch_operands = 2 : i64, tpu.core_type = #tpu.core_type<tc>, window_params = [{transform_indices = @transform_0, window_bounds = array<i64: 1, 64, 1024>}, {transform_indices = @transform_1, window_bounds = array<i64: 1, 64, 1024>}, {transform_indices = @transform_2, window_bounds = array<i64: 1, 1, 64>}, {pipeline_mode = #tpu.pipeline_mode<synchronous>, transform_indices = @transform_3, window_bounds = array<i64: 16, 1, 64>}, {pipeline_mode = #tpu.pipeline_mode<synchronous>, transform_indices = @transform_4, window_bounds = array<i64: 16, 1024>}, {pipeline_mode = #tpu.pipeline_mode<synchronous>, transform_indices = @transform_5, window_bounds = array<i64: 16, 1024>}, {pipeline_mode = #tpu.pipeline_mode<synchronous>, transform_indices = @transform_6, window_bounds = array<i64: 1024, 1024>}, {pipeline_mode = #tpu.pipeline_mode<synchronous>, transform_indices = @transform_7, window_bounds = array<i64: 1024, 1024>}, {pipeline_mode = #tpu.pipeline_mode<synchronous>, transform_indices = @transform_8, window_bounds = array<i64: 1, 1024>}, {pipeline_mode = #tpu.pipeline_mode<synchronous>, transform_indices = @transform_9, window_bounds = array<i64: 1024, 1024>}, {pipeline_mode = #tpu.pipeline_mode<synchronous>, transform_indices = @transform_10, window_bounds = array<i64: 1, 1024>}, {pipeline_mode = #tpu.pipeline_mode<synchronous>, transform_indices = @transform_11, window_bounds = array<i64: 1024, 1024>}, {pipeline_mode = #tpu.pipeline_mode<synchronous>, transform_indices = @transform_12, window_bounds = array<i64: 1, 1024>}, {pipeline_mode = #tpu.pipeline_mode<synchronous>, transform_indices = @transform_13, window_bounds = array<i64: 1024, 1024>}, {pipeline_mode = #tpu.pipeline_mode<synchronous>, transform_indices = @transform_14, window_bounds = array<i64: 1, 1024>}, {pipeline_mode = #tpu.pipeline_mode<synchronous>, transform_indices = @transform_15, window_bounds = array<i64: 1024, 1024>}, {pipeline_mode = #tpu.pipeline_mode<synchronous>, transform_indices = @transform_16, window_bounds = array<i64: 1, 1024>}, {pipeline_mode = #tpu.pipeline_mode<synchronous>, transform_indices = @transform_17, window_bounds = array<i64: 1024, 1024>}, {pipeline_mode = #tpu.pipeline_mode<synchronous>, transform_indices = @transform_18, window_bounds = array<i64: 1, 1024>}, {pipeline_mode = #tpu.pipeline_mode<synchronous>, transform_indices = @transform_19, window_bounds = array<i64: 1024, 1024>}, {pipeline_mode = #tpu.pipeline_mode<synchronous>, transform_indices = @transform_20, window_bounds = array<i64: 1, 1024>}, {pipeline_mode = #tpu.pipeline_mode<synchronous>, transform_indices = @transform_21, window_bounds = array<i64: 1024, 1024>}, {pipeline_mode = #tpu.pipeline_mode<synchronous>, transform_indices = @transform_22, window_bounds = array<i64: 1, 1024>}, {pipeline_mode = #tpu.pipeline_mode<synchronous>, transform_indices = @transform_23, window_bounds = array<i64: 1024, 1024>}, {pipeline_mode = #tpu.pipeline_mode<synchronous>, transform_indices = @transform_24, window_bounds = array<i64: 1, 1024>}, {pipeline_mode = #tpu.pipeline_mode<synchronous>, transform_indices = @transform_25, window_bounds = array<i64: 16, 1024>}]} {
    %get3A = arith.constant 0 : index
    %get3A_0 = arith.constant 0 : index
    %get3A_1 = arith.constant 0 : index
    %get3A_2 = vector.load %arg1[%get3A, %get3A_0, %get3A_1] : memref<1x64x1024xf32, #tpu.memory_space<vmem>>, vector<1x64x1024xf32>
    %get3A_3 = vector.shape_cast %get3A_2 : vector<1x64x1024xf32> to vector<64x1024xf32>
    %get3A_4 = arith.constant 0 : index
    %get3A_5 = arith.constant 0 : index
    %get3A_6 = arith.constant 0 : index
    %get3A_7 = vector.load %arg2[%get3A_4, %get3A_5, %get3A_6] : memref<1x64x1024xf32, #tpu.memory_space<vmem>>, vector<1x64x1024xf32>
    %get3A_8 = vector.shape_cast %get3A_7 : vector<1x64x1024xf32> to vector<64x1024xf32>
    %get3A_9 = arith.constant 0 : index
    %get3A_10 = arith.constant 0 : index
    %get3A_11 = vector.load %arg7[%get3A_9, %get3A_10] : memref<1024x1024xf32, #tpu.memory_space<vmem>>, vector<1024x1024xf32>
    %dot_general3A = arith.constant dense<0.000000e+00> : vector<64x1024xf32>
    %dot_general3A_12 = tpu.matmul %get3A_3, %get3A_11, %dot_general3A {dimension_numbers = #tpu.dot_dimension_numbers<[1], [0], [0], [1], [0, 0, 1, 1], [], []>, transpose_lhs_hint = false} : vector<64x1024xf32>, vector<1024x1024xf32>, vector<64x1024xf32> -> vector<64x1024xf32>
    %get3A_13 = arith.constant 0 : index
    %get3A_14 = arith.constant 0 : index
    %get3A_15 = vector.load %arg8[%get3A_13, %get3A_14] : memref<1024x1024xf32, #tpu.memory_space<vmem>>, vector<1024x1024xf32>
    %dot_general3A_16 = arith.constant dense<0.000000e+00> : vector<64x1024xf32>
    %dot_general3A_17 = tpu.matmul %get3A_8, %get3A_15, %dot_general3A_16 {dimension_numbers = #tpu.dot_dimension_numbers<[1], [0], [0], [1], [0, 0, 1, 1], [], []>, transpose_lhs_hint = false} : vector<64x1024xf32>, vector<1024x1024xf32>, vector<64x1024xf32> -> vector<64x1024xf32>
    %add3A = arith.addf %dot_general3A_12, %dot_general3A_17 : vector<64x1024xf32>
    %get3A_18 = arith.constant 0 : index
    %get3A_19 = arith.constant 0 : index
    %get3A_20 = vector.load %arg9[%get3A_18, %get3A_19] : memref<1x1024xf32, #tpu.memory_space<vmem>>, vector<1x1024xf32>
    %add3A_21 = vector.broadcast %get3A_20 : vector<1x1024xf32> to vector<64x1024xf32>
    %add3A_22 = arith.addf %add3A, %add3A_21 : vector<64x1024xf32>
    %ge3A = arith.constant 0.000000e+00 : f32
    %ge3A_23 = vector.broadcast %ge3A : f32 to vector<64x1024xf32>
    %ge3A_24 = arith.cmpf oge, %add3A_22, %ge3A_23 : vector<64x1024xf32>
    %mul3A = arith.constant 0.00999999977 : f32
    %mul3A_25 = vector.broadcast %mul3A : f32 to vector<64x1024xf32>
    %mul3A_26 = arith.mulf %mul3A_25, %add3A_22 : vector<64x1024xf32>
    %select_n3A = arith.select %ge3A_24, %add3A_22, %mul3A_26 : vector<64x1024xi1>, vector<64x1024xf32>
    %get3A_27 = arith.constant 0 : index
    %get3A_28 = arith.constant 0 : index
    %get3A_29 = arith.constant 0 : index
    %get3A_30 = vector.load %arg3[%get3A_27, %get3A_28, %get3A_29] : memref<1x1x64xf32, #tpu.memory_space<vmem>>, vector<1x1x64xf32>
    %get3A_31 = vector.shape_cast %get3A_30 : vector<1x1x64xf32> to vector<1x64xf32>
    %dot_general3A_32 = arith.constant dense<0.000000e+00> : vector<1x1024xf32>
    %dot_general3A_33 = tpu.matmul %get3A_31, %get3A_3, %dot_general3A_32 {dimension_numbers = #tpu.dot_dimension_numbers<[1], [0], [0], [1], [0, 0, 1, 1], [], []>, transpose_lhs_hint = false} : vector<1x64xf32>, vector<64x1024xf32>, vector<1x1024xf32> -> vector<1x1024xf32>
    %swap3A = arith.index_cast %arg0 : i32 to index
    %swap3A_34 = arith.constant 0 : index
    %swap3A_35 = vector.load %arg27[%swap3A, %swap3A_34] : memref<16x1024xf32, #tpu.memory_space<vmem>>, vector<1x1024xf32>
    tpu.vector_store %arg27[%swap3A, %swap3A_34], %dot_general3A_33 {strides = array<i32>} : memref<16x1024xf32, #tpu.memory_space<vmem>>, vector<1x1024xf32>,
    %dot_general3A_36 = arith.constant dense<0.000000e+00> : vector<1x1024xf32>
    %dot_general3A_37 = tpu.matmul %get3A_31, %select_n3A, %dot_general3A_36 {dimension_numbers = #tpu.dot_dimension_numbers<[1], [0], [0], [1], [0, 0, 1, 1], [], []>, transpose_lhs_hint = false} : vector<1x64xf32>, vector<64x1024xf32>, vector<1x1024xf32> -> vector<1x1024xf32>
    %swap3A_38 = arith.index_cast %arg0 : i32 to index
    %swap3A_39 = arith.constant 0 : index
    %swap3A_40 = vector.load %arg28[%swap3A_38, %swap3A_39] : memref<16x1024xf32, #tpu.memory_space<vmem>>, vector<1x1024xf32>
    tpu.vector_store %arg28[%swap3A_38, %swap3A_39], %dot_general3A_37 {strides = array<i32>} : memref<16x1024xf32, #tpu.memory_space<vmem>>, vector<1x1024xf32>,
    %eq3A = arith.constant 15 : i32
    %eq3A_41 = arith.cmpi eq, %arg0, %eq3A : i32
    %convert_element_type3A = arith.extui %eq3A_41 : i1 to i32
    %cond3A = arith.constant 0 : i32
    %cond3A_42 = arith.cmpi ne, %convert_element_type3A, %cond3A : i32
    scf.if %cond3A_42 {
      %get3A_43 = arith.constant 0 : index
      %get3A_44 = arith.constant 0 : index
      %get3A_45 = vector.load %arg27[%get3A_43, %get3A_44] : memref<16x1024xf32, #tpu.memory_space<vmem>>, vector<16x1024xf32>
      %get3A_46 = arith.constant 0 : index
      %get3A_47 = arith.constant 0 : index
      %get3A_48 = vector.load %arg28[%get3A_46, %get3A_47] : memref<16x1024xf32, #tpu.memory_space<vmem>>, vector<16x1024xf32>
      %get3A_49 = arith.constant 0 : index
      %get3A_50 = arith.constant 0 : index
      %get3A_51 = arith.constant 0 : index
      %get3A_52 = vector.load %arg4[%get3A_49, %get3A_50, %get3A_51] : memref<16x1x64xf32, #tpu.memory_space<vmem>>, vector<16x1x64xf32>
      %get3A_53 = vector.shape_cast %get3A_52 : vector<16x1x64xf32> to vector<16x64xf32>
      %reduce_sum3A = arith.constant dense<0.000000e+00> : vector<16xf32>
      %reduce_sum3A_54 = vector.multi_reduction <add>, %get3A_53, %reduce_sum3A [1] : vector<16x64xf32> to vector<16xf32>
      %broadcast_in_dim3A = vector.shape_cast %reduce_sum3A_54 : vector<16xf32> to vector<16x1xf32>
      %get3A_55 = arith.constant 0 : index
      %get3A_56 = arith.constant 0 : index
      %get3A_57 = vector.load %arg10[%get3A_55, %get3A_56] : memref<1024x1024xf32, #tpu.memory_space<vmem>>, vector<1024x1024xf32>
      %dot_general3A_58 = arith.constant dense<0.000000e+00> : vector<16x1024xf32>
      %dot_general3A_59 = tpu.matmul %get3A_48, %get3A_57, %dot_general3A_58 {dimension_numbers = #tpu.dot_dimension_numbers<[1], [0], [0], [1], [0, 0, 1, 1], [], []>, transpose_lhs_hint = false} : vector<16x1024xf32>, vector<1024x1024xf32>, vector<16x1024xf32> -> vector<16x1024xf32>
      %add3A_60 = arith.addf %get3A_45, %dot_general3A_59 : vector<16x1024xf32>
      %get3A_61 = arith.constant 0 : index
      %get3A_62 = arith.constant 0 : index
      %get3A_63 = vector.load %arg11[%get3A_61, %get3A_62] : memref<1x1024xf32, #tpu.memory_space<vmem>>, vector<1x1024xf32>
      %mul3A_64 = vector.broadcast %broadcast_in_dim3A : vector<16x1xf32> to vector<16x1024xf32>
      %mul3A_65 = vector.broadcast %get3A_63 : vector<1x1024xf32> to vector<16x1024xf32>
      %mul3A_66 = arith.mulf %mul3A_64, %mul3A_65 : vector<16x1024xf32>
      %add3A_67 = arith.addf %add3A_60, %mul3A_66 : vector<16x1024xf32>
      %get3A_68 = arith.constant 0 : index
      %get3A_69 = arith.constant 0 : index
      %get3A_70 = vector.load %arg12[%get3A_68, %get3A_69] : memref<1024x1024xf32, #tpu.memory_space<vmem>>, vector<1024x1024xf32>
      %dot_general3A_71 = arith.constant dense<0.000000e+00> : vector<16x1024xf32>
      %dot_general3A_72 = tpu.matmul %add3A_67, %get3A_70, %dot_general3A_71 {dimension_numbers = #tpu.dot_dimension_numbers<[1], [0], [0], [1], [0, 0, 1, 1], [], []>, transpose_lhs_hint = false} : vector<16x1024xf32>, vector<1024x1024xf32>, vector<16x1024xf32> -> vector<16x1024xf32>
      %get3A_73 = arith.constant 0 : index
      %get3A_74 = arith.constant 0 : index
      %get3A_75 = vector.load %arg13[%get3A_73, %get3A_74] : memref<1x1024xf32, #tpu.memory_space<vmem>>, vector<1x1024xf32>
      %mul3A_76 = vector.broadcast %broadcast_in_dim3A : vector<16x1xf32> to vector<16x1024xf32>
      %mul3A_77 = vector.broadcast %get3A_75 : vector<1x1024xf32> to vector<16x1024xf32>
      %mul3A_78 = arith.mulf %mul3A_76, %mul3A_77 : vector<16x1024xf32>
      %add3A_79 = arith.addf %dot_general3A_72, %mul3A_78 : vector<16x1024xf32>
      %get3A_80 = arith.constant 0 : index
      %get3A_81 = arith.constant 0 : index
      %get3A_82 = vector.load %arg14[%get3A_80, %get3A_81] : memref<1024x1024xf32, #tpu.memory_space<vmem>>, vector<1024x1024xf32>
      %dot_general3A_83 = arith.constant dense<0.000000e+00> : vector<16x1024xf32>
      %dot_general3A_84 = tpu.matmul %add3A_79, %get3A_82, %dot_general3A_83 {dimension_numbers = #tpu.dot_dimension_numbers<[1], [0], [0], [1], [0, 0, 1, 1], [], []>, transpose_lhs_hint = false} : vector<16x1024xf32>, vector<1024x1024xf32>, vector<16x1024xf32> -> vector<16x1024xf32>
      %get3A_85 = arith.constant 0 : index
      %get3A_86 = arith.constant 0 : index
      %get3A_87 = vector.load %arg15[%get3A_85, %get3A_86] : memref<1x1024xf32, #tpu.memory_space<vmem>>, vector<1x1024xf32>
      %add3A_88 = vector.broadcast %get3A_87 : vector<1x1024xf32> to vector<16x1024xf32>
      %add3A_89 = arith.addf %dot_general3A_84, %add3A_88 : vector<16x1024xf32>
      %get3A_90 = arith.constant 0 : index
      %get3A_91 = arith.constant 0 : index
      %get3A_92 = vector.load %arg20[%get3A_90, %get3A_91] : memref<1024x1024xf32, #tpu.memory_space<vmem>>, vector<1024x1024xf32>
      %dot_general3A_93 = arith.constant dense<0.000000e+00> : vector<16x1024xf32>
      %dot_general3A_94 = tpu.matmul %add3A_89, %get3A_92, %dot_general3A_93 {dimension_numbers = #tpu.dot_dimension_numbers<[1], [0], [0], [1], [0, 0, 1, 1], [], []>, transpose_lhs_hint = false} : vector<16x1024xf32>, vector<1024x1024xf32>, vector<16x1024xf32> -> vector<16x1024xf32>
      %get3A_95 = arith.constant 0 : index
      %get3A_96 = arith.constant 0 : index
      %get3A_97 = vector.load %arg21[%get3A_95, %get3A_96] : memref<1x1024xf32, #tpu.memory_space<vmem>>, vector<1x1024xf32>
      %add3A_98 = vector.broadcast %get3A_97 : vector<1x1024xf32> to vector<16x1024xf32>
      %add3A_99 = arith.addf %dot_general3A_94, %add3A_98 : vector<16x1024xf32>
      %get3A_100 = arith.constant 0 : index
      %get3A_101 = arith.constant 0 : index
      %get3A_102 = vector.load %arg5[%get3A_100, %get3A_101] : memref<16x1024xf32, #tpu.memory_space<vmem>>, vector<16x1024xf32>
      %get3A_103 = arith.constant 0 : index
      %get3A_104 = arith.constant 0 : index
      %get3A_105 = vector.load %arg6[%get3A_103, %get3A_104] : memref<16x1024xf32, #tpu.memory_space<vmem>>, vector<16x1024xf32>
      %get3A_106 = arith.constant 0 : index
      %get3A_107 = arith.constant 0 : index
      %get3A_108 = vector.load %arg16[%get3A_106, %get3A_107] : memref<1024x1024xf32, #tpu.memory_space<vmem>>, vector<1024x1024xf32>
      %dot_general3A_109 = arith.constant dense<0.000000e+00> : vector<16x1024xf32>
      %dot_general3A_110 = tpu.matmul %get3A_102, %get3A_108, %dot_general3A_109 {dimension_numbers = #tpu.dot_dimension_numbers<[1], [0], [0], [1], [0, 0, 1, 1], [], []>, transpose_lhs_hint = false} : vector<16x1024xf32>, vector<1024x1024xf32>, vector<16x1024xf32> -> vector<16x1024xf32>
      %get3A_111 = arith.constant 0 : index
      %get3A_112 = arith.constant 0 : index
      %get3A_113 = vector.load %arg17[%get3A_111, %get3A_112] : memref<1x1024xf32, #tpu.memory_space<vmem>>, vector<1x1024xf32>
      %add3A_114 = vector.broadcast %get3A_113 : vector<1x1024xf32> to vector<16x1024xf32>
      %add3A_115 = arith.addf %dot_general3A_110, %add3A_114 : vector<16x1024xf32>
      %get3A_116 = arith.constant 0 : index
      %get3A_117 = arith.constant 0 : index
      %get3A_118 = vector.load %arg18[%get3A_116, %get3A_117] : memref<1024x1024xf32, #tpu.memory_space<vmem>>, vector<1024x1024xf32>
      %dot_general3A_119 = arith.constant dense<0.000000e+00> : vector<16x1024xf32>
      %dot_general3A_120 = tpu.matmul %get3A_105, %get3A_118, %dot_general3A_119 {dimension_numbers = #tpu.dot_dimension_numbers<[1], [0], [0], [1], [0, 0, 1, 1], [], []>, transpose_lhs_hint = false} : vector<16x1024xf32>, vector<1024x1024xf32>, vector<16x1024xf32> -> vector<16x1024xf32>
      %get3A_121 = arith.constant 0 : index
      %get3A_122 = arith.constant 0 : index
      %get3A_123 = vector.load %arg19[%get3A_121, %get3A_122] : memref<1x1024xf32, #tpu.memory_space<vmem>>, vector<1x1024xf32>
      %add3A_124 = vector.broadcast %get3A_123 : vector<1x1024xf32> to vector<16x1024xf32>
      %add3A_125 = arith.addf %dot_general3A_120, %add3A_124 : vector<16x1024xf32>
      %get3A_126 = arith.constant 0 : index
      %get3A_127 = arith.constant 0 : index
      %get3A_128 = vector.load %arg22[%get3A_126, %get3A_127] : memref<1024x1024xf32, #tpu.memory_space<vmem>>, vector<1024x1024xf32>
      %dot_general3A_129 = arith.constant dense<0.000000e+00> : vector<16x1024xf32>
      %dot_general3A_130 = tpu.matmul %get3A_102, %get3A_128, %dot_general3A_129 {dimension_numbers = #tpu.dot_dimension_numbers<[1], [0], [0], [1], [0, 0, 1, 1], [], []>, transpose_lhs_hint = false} : vector<16x1024xf32>, vector<1024x1024xf32>, vector<16x1024xf32> -> vector<16x1024xf32>
      %get3A_131 = arith.constant 0 : index
      %get3A_132 = arith.constant 0 : index
      %get3A_133 = vector.load %arg23[%get3A_131, %get3A_132] : memref<1x1024xf32, #tpu.memory_space<vmem>>, vector<1x1024xf32>
      %add3A_134 = vector.broadcast %get3A_133 : vector<1x1024xf32> to vector<16x1024xf32>
      %add3A_135 = arith.addf %dot_general3A_130, %add3A_134 : vector<16x1024xf32>
      %logistic3A = arith.negf %add3A_135 : vector<16x1024xf32>
      %logistic3A_136 = math.exp %logistic3A : vector<16x1024xf32>
      %logistic3A_137 = arith.constant 1.000000e+00 : f32
      %logistic3A_138 = vector.broadcast %logistic3A_137 : f32 to vector<16x1024xf32>
      %logistic3A_139 = arith.addf %logistic3A_138, %logistic3A_136 : vector<16x1024xf32>
      %logistic3A_140 = arith.divf %logistic3A_138, %logistic3A_139 : vector<16x1024xf32>
      %get3A_141 = arith.constant 0 : index
      %get3A_142 = arith.constant 0 : index
      %get3A_143 = vector.load %arg24[%get3A_141, %get3A_142] : memref<1024x1024xf32, #tpu.memory_space<vmem>>, vector<1024x1024xf32>
      %dot_general3A_144 = arith.constant dense<0.000000e+00> : vector<16x1024xf32>
      %dot_general3A_145 = tpu.matmul %get3A_105, %get3A_143, %dot_general3A_144 {dimension_numbers = #tpu.dot_dimension_numbers<[1], [0], [0], [1], [0, 0, 1, 1], [], []>, transpose_lhs_hint = false} : vector<16x1024xf32>, vector<1024x1024xf32>, vector<16x1024xf32> -> vector<16x1024xf32>
      %get3A_146 = arith.constant 0 : index
      %get3A_147 = arith.constant 0 : index
      %get3A_148 = vector.load %arg25[%get3A_146, %get3A_147] : memref<1x1024xf32, #tpu.memory_space<vmem>>, vector<1x1024xf32>
      %add3A_149 = vector.broadcast %get3A_148 : vector<1x1024xf32> to vector<16x1024xf32>
      %add3A_150 = arith.addf %dot_general3A_145, %add3A_149 : vector<16x1024xf32>
      %logistic3A_151 = arith.negf %add3A_150 : vector<16x1024xf32>
      %logistic3A_152 = math.exp %logistic3A_151 : vector<16x1024xf32>
      %logistic3A_153 = arith.constant 1.000000e+00 : f32
      %logistic3A_154 = vector.broadcast %logistic3A_153 : f32 to vector<16x1024xf32>
      %logistic3A_155 = arith.addf %logistic3A_154, %logistic3A_152 : vector<16x1024xf32>
      %logistic3A_156 = arith.divf %logistic3A_154, %logistic3A_155 : vector<16x1024xf32>
      %mul3A_157 = arith.mulf %add3A_115, %logistic3A_140 : vector<16x1024xf32>
      %add3A_158 = arith.addf %add3A_99, %mul3A_157 : vector<16x1024xf32>
      %mul3A_159 = arith.mulf %add3A_125, %logistic3A_156 : vector<16x1024xf32>
      %add3A_160 = arith.addf %add3A_158, %mul3A_159 : vector<16x1024xf32>
      %swap3A_161 = arith.constant 0 : index
      %swap3A_162 = arith.constant 0 : index
      %swap3A_163 = vector.load %arg26[%swap3A_161, %swap3A_162] : memref<16x1024xf32, #tpu.memory_space<vmem>>, vector<16x1024xf32>
      tpu.vector_store %arg26[%swap3A_161, %swap3A_162], %add3A_160 {strides = array<i32>} : memref<16x1024xf32, #tpu.memory_space<vmem>>, vector<16x1024xf32>,
    } else {
    }
    return
  }
  func.func @transform_0(%arg0: i32) -> (i32, i32, i32) {
    %c0_i32 = arith.constant 0 : i32
    %c0_i32_0 = arith.constant 0 : i32
    %c0_i32_1 = arith.constant 0 : i32
    return %arg0, %c0_i32, %c0_i32_0 : i32, i32, i32
  }
  func.func @transform_1(%arg0: i32) -> (i32, i32, i32) {
    %c0_i32 = arith.constant 0 : i32
    %c0_i32_0 = arith.constant 0 : i32
    %c0_i32_1 = arith.constant 0 : i32
    return %arg0, %c0_i32, %c0_i32_0 : i32, i32, i32
  }
  func.func @transform_2(%arg0: i32) -> (i32, i32, i32) {
    %c0_i32 = arith.constant 0 : i32
    %c0_i32_0 = arith.constant 0 : i32
    %c0_i32_1 = arith.constant 0 : i32
    return %arg0, %c0_i32, %c0_i32_0 : i32, i32, i32
  }
  func.func @transform_3(%arg0: i32) -> (i32, i32, i32) {
    %c0_i32 = arith.constant 0 : i32
    %c0_i32_0 = arith.constant 0 : i32
    %c0_i32_1 = arith.constant 0 : i32
    %c0_i32_2 = arith.constant 0 : i32
    return %c0_i32, %c0_i32_0, %c0_i32_1 : i32, i32, i32
  }
  func.func @transform_4(%arg0: i32) -> (i32, i32) {
    %c0_i32 = arith.constant 0 : i32
    %c0_i32_0 = arith.constant 0 : i32
    %c0_i32_1 = arith.constant 0 : i32
    return %c0_i32, %c0_i32_0 : i32, i32
  }
  func.func @transform_5(%arg0: i32) -> (i32, i32) {
    %c0_i32 = arith.constant 0 : i32
    %c0_i32_0 = arith.constant 0 : i32
    %c0_i32_1 = arith.constant 0 : i32
    return %c0_i32, %c0_i32_0 : i32, i32
  }
  func.func @transform_6(%arg0: i32) -> (i32, i32) {
    %c0_i32 = arith.constant 0 : i32
    %c0_i32_0 = arith.constant 0 : i32
    %c0_i32_1 = arith.constant 0 : i32
    return %c0_i32, %c0_i32_0 : i32, i32
  }
  func.func @transform_7(%arg0: i32) -> (i32, i32) {
    %c0_i32 = arith.constant 0 : i32
    %c0_i32_0 = arith.constant 0 : i32
    %c0_i32_1 = arith.constant 0 : i32
    return %c0_i32, %c0_i32_0 : i32, i32
  }
  func.func @transform_8(%arg0: i32) -> (i32, i32) {
    %c0_i32 = arith.constant 0 : i32
    %c0_i32_0 = arith.constant 0 : i32
    %c0_i32_1 = arith.constant 0 : i32
    return %c0_i32, %c0_i32_0 : i32, i32
  }
  func.func @transform_9(%arg0: i32) -> (i32, i32) {
    %c0_i32 = arith.constant 0 : i32
    %c0_i32_0 = arith.constant 0 : i32
    %c0_i32_1 = arith.constant 0 : i32
    return %c0_i32, %c0_i32_0 : i32, i32
  }
  func.func @transform_10(%arg0: i32) -> (i32, i32) {
    %c0_i32 = arith.constant 0 : i32
    %c0_i32_0 = arith.constant 0 : i32
    %c0_i32_1 = arith.constant 0 : i32
    return %c0_i32, %c0_i32_0 : i32, i32
  }
  func.func @transform_11(%arg0: i32) -> (i32, i32) {
    %c0_i32 = arith.constant 0 : i32
    %c0_i32_0 = arith.constant 0 : i32
    %c0_i32_1 = arith.constant 0 : i32
    return %c0_i32, %c0_i32_0 : i32, i32
  }
  func.func @transform_12(%arg0: i32) -> (i32, i32) {
    %c0_i32 = arith.constant 0 : i32
    %c0_i32_0 = arith.constant 0 : i32
    %c0_i32_1 = arith.constant 0 : i32
    return %c0_i32, %c0_i32_0 : i32, i32
  }
  func.func @transform_13(%arg0: i32) -> (i32, i32) {
    %c0_i32 = arith.constant 0 : i32
    %c0_i32_0 = arith.constant 0 : i32
    %c0_i32_1 = arith.constant 0 : i32
    return %c0_i32, %c0_i32_0 : i32, i32
  }
  func.func @transform_14(%arg0: i32) -> (i32, i32) {
    %c0_i32 = arith.constant 0 : i32
    %c0_i32_0 = arith.constant 0 : i32
    %c0_i32_1 = arith.constant 0 : i32
    return %c0_i32, %c0_i32_0 : i32, i32
  }
  func.func @transform_15(%arg0: i32) -> (i32, i32) {
    %c0_i32 = arith.constant 0 : i32
    %c0_i32_0 = arith.constant 0 : i32
    %c0_i32_1 = arith.constant 0 : i32
    return %c0_i32, %c0_i32_0 : i32, i32
  }
  func.func @transform_16(%arg0: i32) -> (i32, i32) {
    %c0_i32 = arith.constant 0 : i32
    %c0_i32_0 = arith.constant 0 : i32
    %c0_i32_1 = arith.constant 0 : i32
    return %c0_i32, %c0_i32_0 : i32, i32
  }
  func.func @transform_17(%arg0: i32) -> (i32, i32) {
    %c0_i32 = arith.constant 0 : i32
    %c0_i32_0 = arith.constant 0 : i32
    %c0_i32_1 = arith.constant 0 : i32
    return %c0_i32, %c0_i32_0 : i32, i32
  }
  func.func @transform_18(%arg0: i32) -> (i32, i32) {
    %c0_i32 = arith.constant 0 : i32
    %c0_i32_0 = arith.constant 0 : i32
    %c0_i32_1 = arith.constant 0 : i32
    return %c0_i32, %c0_i32_0 : i32, i32
  }
  func.func @transform_19(%arg0: i32) -> (i32, i32) {
    %c0_i32 = arith.constant 0 : i32
    %c0_i32_0 = arith.constant 0 : i32
    %c0_i32_1 = arith.constant 0 : i32
    return %c0_i32, %c0_i32_0 : i32, i32
  }
  func.func @transform_20(%arg0: i32) -> (i32, i32) {
    %c0_i32 = arith.constant 0 : i32
    %c0_i32_0 = arith.constant 0 : i32
    %c0_i32_1 = arith.constant 0 : i32
    return %c0_i32, %c0_i32_0 : i32, i32
  }
  func.func @transform_21(%arg0: i32) -> (i32, i32) {
    %c0_i32 = arith.constant 0 : i32
    %c0_i32_0 = arith.constant 0 : i32
    %c0_i32_1 = arith.constant 0 : i32
    return %c0_i32, %c0_i32_0 : i32, i32
  }
  func.func @transform_22(%arg0: i32) -> (i32, i32) {
    %c0_i32 = arith.constant 0 : i32
    %c0_i32_0 = arith.constant 0 : i32
    %c0_i32_1 = arith.constant 0 : i32
    return %c0_i32, %c0_i32_0 : i32, i32
  }
  func.func @transform_23(%arg0: i32) -> (i32, i32) {
    %c0_i32 = arith.constant 0 : i32
    %c0_i32_0 = arith.constant 0 : i32
    %c0_i32_1 = arith.constant 0 : i32
    return %c0_i32, %c0_i32_0 : i32, i32
  }
  func.func @transform_24(%arg0: i32) -> (i32, i32) {
    %c0_i32 = arith.constant 0 : i32
    %c0_i32_0 = arith.constant 0 : i32
    %c0_i32_1 = arith.constant 0 : i32
    return %c0_i32, %c0_i32_0 : i32, i32
  }
  func.func @transform_25(%arg0: i32) -> (i32, i32) {
    %c0_i32 = arith.constant 0 : i32
    %c0_i32_0 = arith.constant 0 : i32
    %c0_i32_1 = arith.constant 0 : i32
    return %c0_i32, %c0_i32_0 : i32, i32
  }
}

module attributes {stable_mosaic.version = 14 : i64} {
  func.func @_main_body(%arg0: i32, %arg1: i32, %arg2: memref<1x1024x1024xf32, #tpu.memory_space<vmem>>, %arg3: memref<1x1024x1024xf32, #tpu.memory_space<vmem>>, %arg4: memref<1x1x1024xf32, #tpu.memory_space<vmem>>, %arg5: memref<1x1x1024xf32, #tpu.memory_space<vmem>>, %arg6: memref<2048x128xf32, #tpu.memory_space<vmem>>, %arg7: memref<1024x1024xbf16, #tpu.memory_space<vmem>>, %arg8: memref<1024x1024xbf16, #tpu.memory_space<vmem>>, %arg9: memref<1x1024xf32, #tpu.memory_space<vmem>>, %arg10: memref<1024x1024xf32, #tpu.memory_space<vmem>>, %arg11: memref<1x1024xf32, #tpu.memory_space<vmem>>, %arg12: memref<1024x1024xf32, #tpu.memory_space<vmem>>, %arg13: memref<1x1024xf32, #tpu.memory_space<vmem>>, %arg14: memref<1024x1024xf32, #tpu.memory_space<vmem>>, %arg15: memref<1024x1024xf32, #tpu.memory_space<vmem>>, %arg16: memref<16x64xi32, #tpu.memory_space<vmem>>, %arg17: memref<16x1x64xf32, #tpu.memory_space<vmem>>, %arg18: memref<1x1024xf32, #tpu.memory_space<vmem>>, %arg19: memref<1x1024xf32, #tpu.memory_space<vmem>>, %arg20: memref<2048x128xf32, #tpu.memory_space<vmem>>) attributes {dimension_semantics = [#tpu.dimension_semantics<arbitrary>, #tpu.dimension_semantics<arbitrary>], iteration_bounds = array<i64: 16, 2>, scalar_prefetch = 0 : i64, scratch_operands = 3 : i64, tpu.core_type = #tpu.core_type<tc>, window_params = [{transform_indices = @transform_0, window_bounds = array<i64: 1, 1024, 1024>}, {transform_indices = @transform_1, window_bounds = array<i64: 1, 1024, 1024>}, {transform_indices = @transform_2, window_bounds = array<i64: 1, 1, 1024>}, {transform_indices = @transform_3, window_bounds = array<i64: 1, 1, 1024>}, {pipeline_mode = #tpu.pipeline_mode<synchronous>, transform_indices = @transform_4, window_bounds = array<i64: 2048, 128>}, {pipeline_mode = #tpu.pipeline_mode<synchronous>, transform_indices = @transform_5, window_bounds = array<i64: 1024, 1024>}, {pipeline_mode = #tpu.pipeline_mode<synchronous>, transform_indices = @transform_6, window_bounds = array<i64: 1024, 1024>}, {pipeline_mode = #tpu.pipeline_mode<synchronous>, transform_indices = @transform_7, window_bounds = array<i64: 1, 1024>}, {pipeline_mode = #tpu.pipeline_mode<synchronous>, transform_indices = @transform_8, window_bounds = array<i64: 1024, 1024>}, {pipeline_mode = #tpu.pipeline_mode<synchronous>, transform_indices = @transform_9, window_bounds = array<i64: 1, 1024>}, {pipeline_mode = #tpu.pipeline_mode<synchronous>, transform_indices = @transform_10, window_bounds = array<i64: 1024, 1024>}, {pipeline_mode = #tpu.pipeline_mode<synchronous>, transform_indices = @transform_11, window_bounds = array<i64: 1, 1024>}, {pipeline_mode = #tpu.pipeline_mode<synchronous>, transform_indices = @transform_12, window_bounds = array<i64: 1024, 1024>}, {pipeline_mode = #tpu.pipeline_mode<synchronous>, transform_indices = @transform_13, window_bounds = array<i64: 1024, 1024>}, {pipeline_mode = #tpu.pipeline_mode<synchronous>, transform_indices = @transform_14, window_bounds = array<i64: 16, 64>}, {pipeline_mode = #tpu.pipeline_mode<synchronous>, transform_indices = @transform_15, window_bounds = array<i64: 16, 1, 64>}]} {
    %eq3A = arith.constant 0 : i32
    %eq3A_0 = arith.cmpi eq, %arg0, %eq3A : i32
    %eq3A_1 = arith.constant 0 : i32
    %eq3A_2 = arith.cmpi eq, %arg1, %eq3A_1 : i32
    %and3A = arith.andi %eq3A_0, %eq3A_2 : i1
    %convert_element_type3A = arith.extui %and3A : i1 to i32
    %cond3A = arith.constant 0 : i32
    %cond3A_3 = arith.cmpi ne, %convert_element_type3A, %cond3A : i32
    scf.if %cond3A_3 {
      %broadcast_in_dim3A_136 = arith.constant 0xFF800000 : f32
      %broadcast_in_dim3A_137 = vector.broadcast %broadcast_in_dim3A_136 : f32 to vector<2048x128xf32>
      %swap3A_138 = arith.constant 0 : index
      %swap3A_139 = arith.constant 0 : index
      %swap3A_140 = vector.load %arg20[%swap3A_138, %swap3A_139] : memref<2048x128xf32, #tpu.memory_space<vmem>>, vector<2048x128xf32>
      tpu.vector_store %arg20[%swap3A_138, %swap3A_139], %broadcast_in_dim3A_137 {strides = array<i32>} : memref<2048x128xf32, #tpu.memory_space<vmem>>, vector<2048x128xf32>,
    } else {
    }
    %eq3A_4 = arith.constant 0 : i32
    %eq3A_5 = arith.cmpi eq, %arg1, %eq3A_4 : i32
    %convert_element_type3A_6 = arith.extui %eq3A_5 : i1 to i32
    %cond3A_7 = arith.constant 0 : i32
    %cond3A_8 = arith.cmpi ne, %convert_element_type3A_6, %cond3A_7 : i32
    scf.if %cond3A_8 {
      %get3A_136 = arith.constant 0 : index
      %get3A_137 = arith.constant 0 : index
      %get3A_138 = arith.constant 0 : index
      %get3A_139 = vector.load %arg5[%get3A_136, %get3A_137, %get3A_138] : memref<1x1x1024xf32, #tpu.memory_space<vmem>>, vector<1x1x1024xf32>
      %get3A_140 = vector.shape_cast %get3A_139 : vector<1x1x1024xf32> to vector<1x1024xf32>
      %get3A_141 = arith.constant 0 : index
      %get3A_142 = arith.constant 0 : index
      %get3A_143 = vector.load %arg10[%get3A_141, %get3A_142] : memref<1024x1024xf32, #tpu.memory_space<vmem>>, vector<1024x1024xf32>
      %dot_general3A_144 = arith.constant dense<0.000000e+00> : vector<1x1024xf32>
      %dot_general3A_145 = tpu.matmul %get3A_140, %get3A_143, %dot_general3A_144 {dimension_numbers = #tpu.dot_dimension_numbers<[1], [0], [0], [1], [0, 0, 1, 1], [], []>, transpose_lhs_hint = false} : vector<1x1024xf32>, vector<1024x1024xf32>, vector<1x1024xf32> -> vector<1x1024xf32>
      %get3A_146 = arith.constant 0 : index
      %get3A_147 = arith.constant 0 : index
      %get3A_148 = vector.load %arg11[%get3A_146, %get3A_147] : memref<1x1024xf32, #tpu.memory_space<vmem>>, vector<1x1024xf32>
      %add3A_149 = arith.addf %dot_general3A_145, %get3A_148 : vector<1x1024xf32>
      %get3A_150 = arith.constant 0 : index
      %get3A_151 = arith.constant 0 : index
      %get3A_152 = arith.constant 0 : index
      %get3A_153 = vector.load %arg4[%get3A_150, %get3A_151, %get3A_152] : memref<1x1x1024xf32, #tpu.memory_space<vmem>>, vector<1x1x1024xf32>
      %get3A_154 = vector.shape_cast %get3A_153 : vector<1x1x1024xf32> to vector<1x1024xf32>
      %get3A_155 = arith.constant 0 : index
      %get3A_156 = arith.constant 0 : index
      %get3A_157 = vector.load %arg12[%get3A_155, %get3A_156] : memref<1024x1024xf32, #tpu.memory_space<vmem>>, vector<1024x1024xf32>
      %dot_general3A_158 = arith.constant dense<0.000000e+00> : vector<1x1024xf32>
      %dot_general3A_159 = tpu.matmul %get3A_154, %get3A_157, %dot_general3A_158 {dimension_numbers = #tpu.dot_dimension_numbers<[1], [0], [0], [1], [0, 0, 1, 1], [], []>, transpose_lhs_hint = false} : vector<1x1024xf32>, vector<1024x1024xf32>, vector<1x1024xf32> -> vector<1x1024xf32>
      %get3A_160 = arith.constant 0 : index
      %get3A_161 = arith.constant 0 : index
      %get3A_162 = vector.load %arg13[%get3A_160, %get3A_161] : memref<1x1024xf32, #tpu.memory_space<vmem>>, vector<1x1024xf32>
      %add3A_163 = arith.addf %dot_general3A_159, %get3A_162 : vector<1x1024xf32>
      %mul3A_164 = arith.constant 4.000000e-01 : f32
      %mul3A_165 = vector.broadcast %mul3A_164 : f32 to vector<1x1024xf32>
      %mul3A_166 = arith.mulf %add3A_149, %mul3A_165 : vector<1x1024xf32>
      %mul3A_167 = arith.constant 6.000000e-01 : f32
      %mul3A_168 = vector.broadcast %mul3A_167 : f32 to vector<1x1024xf32>
      %mul3A_169 = arith.mulf %add3A_163, %mul3A_168 : vector<1x1024xf32>
      %add3A_170 = arith.addf %mul3A_166, %mul3A_169 : vector<1x1024xf32>
      %get3A_171 = arith.constant 0 : index
      %get3A_172 = arith.constant 0 : index
      %get3A_173 = vector.load %arg14[%get3A_171, %get3A_172] : memref<1024x1024xf32, #tpu.memory_space<vmem>>, vector<1024x1024xf32>
      %dot_general3A_174 = arith.constant dense<0.000000e+00> : vector<1x1024xf32>
      %dot_general3A_175 = tpu.matmul %add3A_170, %get3A_173, %dot_general3A_174 {dimension_numbers = #tpu.dot_dimension_numbers<[1], [1], [0], [0], [0, 0, 1, 0], [], []>, transpose_lhs_hint = false} : vector<1x1024xf32>, vector<1024x1024xf32>, vector<1x1024xf32> -> vector<1x1024xf32>
      %mul3A_176 = arith.constant 0.446428567 : f32
      %mul3A_177 = vector.broadcast %mul3A_176 : f32 to vector<1x1024xf32>
      %mul3A_178 = arith.mulf %dot_general3A_175, %mul3A_177 : vector<1x1024xf32>
      %get3A_179 = arith.constant 0 : index
      %get3A_180 = arith.constant 0 : index
      %get3A_181 = vector.load %arg15[%get3A_179, %get3A_180] : memref<1024x1024xf32, #tpu.memory_space<vmem>>, vector<1024x1024xf32>
      %dot_general3A_182 = arith.constant dense<0.000000e+00> : vector<1x1024xf32>
      %dot_general3A_183 = tpu.matmul %mul3A_178, %get3A_181, %dot_general3A_182 {dimension_numbers = #tpu.dot_dimension_numbers<[1], [1], [0], [0], [0, 0, 1, 0], [], []>, transpose_lhs_hint = false} : vector<1x1024xf32>, vector<1024x1024xf32>, vector<1x1024xf32> -> vector<1x1024xf32>
      %swap3A_184 = arith.constant 0 : index
      %swap3A_185 = arith.constant 0 : index
      %swap3A_186 = vector.load %arg18[%swap3A_184, %swap3A_185] : memref<1x1024xf32, #tpu.memory_space<vmem>>, vector<1x1024xf32>
      tpu.vector_store %arg18[%swap3A_184, %swap3A_185], %mul3A_178 {strides = array<i32>} : memref<1x1024xf32, #tpu.memory_space<vmem>>, vector<1x1024xf32>,
      %swap3A_187 = arith.constant 0 : index
      %swap3A_188 = arith.constant 0 : index
      %swap3A_189 = vector.load %arg19[%swap3A_187, %swap3A_188] : memref<1x1024xf32, #tpu.memory_space<vmem>>, vector<1x1024xf32>
      tpu.vector_store %arg19[%swap3A_187, %swap3A_188], %dot_general3A_183 {strides = array<i32>} : memref<1x1024xf32, #tpu.memory_space<vmem>>, vector<1x1024xf32>,
    } else {
    }
    %iota3A = tpu.iota {dimensions = array<i32: 1>} : vector<512x128xi32>
    %get3A = arith.constant 0 : index
    %get3A_9 = arith.constant 0 : index
    %get3A_10 = vector.load %arg18[%get3A, %get3A_9] : memref<1x1024xf32, #tpu.memory_space<vmem>>, vector<1x1024xf32>
    %get3A_11 = arith.constant 0 : index
    %get3A_12 = arith.constant 0 : index
    %get3A_13 = vector.load %arg19[%get3A_11, %get3A_12] : memref<1x1024xf32, #tpu.memory_space<vmem>>, vector<1x1024xf32>
    %get3A_14 = arith.constant 0 : index
    %get3A_15 = arith.constant 0 : index
    %get3A_16 = arith.constant 0 : index
    %get3A_17 = vector.load %arg2[%get3A_14, %get3A_15, %get3A_16] : memref<1x1024x1024xf32, #tpu.memory_space<vmem>>, vector<1x512x1024xf32>
    %get3A_18 = vector.shape_cast %get3A_17 : vector<1x512x1024xf32> to vector<512x1024xf32>
    %get3A_19 = arith.constant 0 : index
    %get3A_20 = arith.constant 0 : index
    %get3A_21 = arith.constant 0 : index
    %get3A_22 = vector.load %arg3[%get3A_19, %get3A_20, %get3A_21] : memref<1x1024x1024xf32, #tpu.memory_space<vmem>>, vector<1x512x1024xf32>
    %get3A_23 = vector.shape_cast %get3A_22 : vector<1x512x1024xf32> to vector<512x1024xf32>
    %convert_element_type3A_24 = arith.truncf %get3A_23 : vector<512x1024xf32> to vector<512x1024xbf16>
    %convert_element_type3A_25 = arith.truncf %get3A_18 : vector<512x1024xf32> to vector<512x1024xbf16>
    %get3A_26 = arith.constant 0 : index
    %get3A_27 = arith.constant 0 : index
    %get3A_28 = vector.load %arg7[%get3A_26, %get3A_27] : memref<1024x1024xbf16, #tpu.memory_space<vmem>>, vector<1024x1024xbf16>
    %dot_general3A = arith.constant dense<0.000000e+00> : vector<512x1024xf32>
    %dot_general3A_29 = tpu.matmul %convert_element_type3A_25, %get3A_28, %dot_general3A {dimension_numbers = #tpu.dot_dimension_numbers<[1], [0], [0], [1], [0, 0, 1, 1], [], []>, transpose_lhs_hint = false} : vector<512x1024xbf16>, vector<1024x1024xbf16>, vector<512x1024xf32> -> vector<512x1024xf32>
    %get3A_30 = arith.constant 0 : index
    %get3A_31 = arith.constant 0 : index
    %get3A_32 = vector.load %arg8[%get3A_30, %get3A_31] : memref<1024x1024xbf16, #tpu.memory_space<vmem>>, vector<1024x1024xbf16>
    %dot_general3A_33 = arith.constant dense<0.000000e+00> : vector<512x1024xf32>
    %dot_general3A_34 = tpu.matmul %convert_element_type3A_24, %get3A_32, %dot_general3A_33 {dimension_numbers = #tpu.dot_dimension_numbers<[1], [0], [0], [1], [0, 0, 1, 1], [], []>, transpose_lhs_hint = false} : vector<512x1024xbf16>, vector<1024x1024xbf16>, vector<512x1024xf32> -> vector<512x1024xf32>
    %add3A = arith.addf %dot_general3A_29, %dot_general3A_34 : vector<512x1024xf32>
    %get3A_35 = arith.constant 0 : index
    %get3A_36 = arith.constant 0 : index
    %get3A_37 = vector.load %arg9[%get3A_35, %get3A_36] : memref<1x1024xf32, #tpu.memory_space<vmem>>, vector<1x1024xf32>
    %add3A_38 = vector.broadcast %get3A_37 : vector<1x1024xf32> to vector<512x1024xf32>
    %add3A_39 = arith.addf %add3A, %add3A_38 : vector<512x1024xf32>
    %ge3A = arith.constant 0.000000e+00 : f32
    %ge3A_40 = vector.broadcast %ge3A : f32 to vector<512x1024xf32>
    %ge3A_41 = arith.cmpf oge, %add3A_39, %ge3A_40 : vector<512x1024xf32>
    %mul3A = arith.constant 0.00999999977 : f32
    %mul3A_42 = vector.broadcast %mul3A : f32 to vector<512x1024xf32>
    %mul3A_43 = arith.mulf %mul3A_42, %add3A_39 : vector<512x1024xf32>
    %select_n3A = arith.select %ge3A_41, %add3A_39, %mul3A_43 : vector<512x1024xi1>, vector<512x1024xf32>
    %mul3A_44 = vector.broadcast %get3A_10 : vector<1x1024xf32> to vector<512x1024xf32>
    %mul3A_45 = arith.mulf %get3A_18, %mul3A_44 : vector<512x1024xf32>
    %reduce_sum3A = arith.constant dense<0.000000e+00> : vector<512xf32>
    %reduce_sum3A_46 = vector.multi_reduction <add>, %mul3A_45, %reduce_sum3A [1] : vector<512x1024xf32> to vector<512xf32>
    %broadcast_in_dim3A = vector.shape_cast %reduce_sum3A_46 : vector<512xf32> to vector<512x1xf32>
    %mul3A_47 = vector.broadcast %get3A_13 : vector<1x1024xf32> to vector<512x1024xf32>
    %mul3A_48 = arith.mulf %select_n3A, %mul3A_47 : vector<512x1024xf32>
    %reduce_sum3A_49 = arith.constant dense<0.000000e+00> : vector<512xf32>
    %reduce_sum3A_50 = vector.multi_reduction <add>, %mul3A_48, %reduce_sum3A_49 [1] : vector<512x1024xf32> to vector<512xf32>
    %broadcast_in_dim3A_51 = vector.shape_cast %reduce_sum3A_50 : vector<512xf32> to vector<512x1xf32>
    %add3A_52 = arith.addf %broadcast_in_dim3A, %broadcast_in_dim3A_51 : vector<512x1xf32>
    %mul3A_53 = arith.constant 1024 : i32
    %mul3A_54 = arith.muli %arg1, %mul3A_53 : i32
    %add3A_55 = arith.constant 0 : i32
    %add3A_56 = arith.addi %mul3A_54, %add3A_55 : i32
    %eq3A_57 = vector.broadcast %arg0 : i32 to vector<512x128xi32>
    %eq3A_58 = arith.cmpi eq, %iota3A, %eq3A_57 : vector<512x128xi32>
    %broadcast_in_dim3A_59 = vector.shape_cast %add3A_52 : vector<512x1xf32> to vector<512x1xf32>
    %broadcast_in_dim3A_60 = vector.broadcast %broadcast_in_dim3A_59 : vector<512x1xf32> to vector<512x128xf32>
    %get3A_61 = arith.index_cast %add3A_56 : i32 to index
    %get3A_62 = arith.constant 0 : index
    %get3A_63 = vector.load %arg20[%get3A_61, %get3A_62] : memref<2048x128xf32, #tpu.memory_space<vmem>>, vector<512x128xf32>
    %select_n3A_64 = arith.select %eq3A_58, %broadcast_in_dim3A_60, %get3A_63 : vector<512x128xi1>, vector<512x128xf32>
    %swap3A = arith.index_cast %add3A_56 : i32 to index
    %swap3A_65 = arith.constant 0 : index
    %swap3A_66 = vector.load %arg20[%swap3A, %swap3A_65] : memref<2048x128xf32, #tpu.memory_space<vmem>>, vector<512x128xf32>
    tpu.vector_store %arg20[%swap3A, %swap3A_65], %select_n3A_64 {strides = array<i32>} : memref<2048x128xf32, #tpu.memory_space<vmem>>, vector<512x128xf32>,
    %get3A_67 = arith.constant 0 : index
    %get3A_68 = arith.constant 512 : index
    %get3A_69 = arith.constant 0 : index
    %get3A_70 = vector.load %arg2[%get3A_67, %get3A_68, %get3A_69] : memref<1x1024x1024xf32, #tpu.memory_space<vmem>>, vector<1x512x1024xf32>
    %get3A_71 = vector.shape_cast %get3A_70 : vector<1x512x1024xf32> to vector<512x1024xf32>
    %get3A_72 = arith.constant 0 : index
    %get3A_73 = arith.constant 512 : index
    %get3A_74 = arith.constant 0 : index
    %get3A_75 = vector.load %arg3[%get3A_72, %get3A_73, %get3A_74] : memref<1x1024x1024xf32, #tpu.memory_space<vmem>>, vector<1x512x1024xf32>
    %get3A_76 = vector.shape_cast %get3A_75 : vector<1x512x1024xf32> to vector<512x1024xf32>
    %convert_element_type3A_77 = arith.truncf %get3A_76 : vector<512x1024xf32> to vector<512x1024xbf16>
    %convert_element_type3A_78 = arith.truncf %get3A_71 : vector<512x1024xf32> to vector<512x1024xbf16>
    %get3A_79 = arith.constant 0 : index
    %get3A_80 = arith.constant 0 : index
    %get3A_81 = vector.load %arg7[%get3A_79, %get3A_80] : memref<1024x1024xbf16, #tpu.memory_space<vmem>>, vector<1024x1024xbf16>
    %dot_general3A_82 = arith.constant dense<0.000000e+00> : vector<512x1024xf32>
    %dot_general3A_83 = tpu.matmul %convert_element_type3A_78, %get3A_81, %dot_general3A_82 {dimension_numbers = #tpu.dot_dimension_numbers<[1], [0], [0], [1], [0, 0, 1, 1], [], []>, transpose_lhs_hint = false} : vector<512x1024xbf16>, vector<1024x1024xbf16>, vector<512x1024xf32> -> vector<512x1024xf32>
    %get3A_84 = arith.constant 0 : index
    %get3A_85 = arith.constant 0 : index
    %get3A_86 = vector.load %arg8[%get3A_84, %get3A_85] : memref<1024x1024xbf16, #tpu.memory_space<vmem>>, vector<1024x1024xbf16>
    %dot_general3A_87 = arith.constant dense<0.000000e+00> : vector<512x1024xf32>
    %dot_general3A_88 = tpu.matmul %convert_element_type3A_77, %get3A_86, %dot_general3A_87 {dimension_numbers = #tpu.dot_dimension_numbers<[1], [0], [0], [1], [0, 0, 1, 1], [], []>, transpose_lhs_hint = false} : vector<512x1024xbf16>, vector<1024x1024xbf16>, vector<512x1024xf32> -> vector<512x1024xf32>
    %add3A_89 = arith.addf %dot_general3A_83, %dot_general3A_88 : vector<512x1024xf32>
    %get3A_90 = arith.constant 0 : index
    %get3A_91 = arith.constant 0 : index
    %get3A_92 = vector.load %arg9[%get3A_90, %get3A_91] : memref<1x1024xf32, #tpu.memory_space<vmem>>, vector<1x1024xf32>
    %add3A_93 = vector.broadcast %get3A_92 : vector<1x1024xf32> to vector<512x1024xf32>
    %add3A_94 = arith.addf %add3A_89, %add3A_93 : vector<512x1024xf32>
    %ge3A_95 = arith.constant 0.000000e+00 : f32
    %ge3A_96 = vector.broadcast %ge3A_95 : f32 to vector<512x1024xf32>
    %ge3A_97 = arith.cmpf oge, %add3A_94, %ge3A_96 : vector<512x1024xf32>
    %mul3A_98 = arith.constant 0.00999999977 : f32
    %mul3A_99 = vector.broadcast %mul3A_98 : f32 to vector<512x1024xf32>
    %mul3A_100 = arith.mulf %mul3A_99, %add3A_94 : vector<512x1024xf32>
    %select_n3A_101 = arith.select %ge3A_97, %add3A_94, %mul3A_100 : vector<512x1024xi1>, vector<512x1024xf32>
    %mul3A_102 = vector.broadcast %get3A_10 : vector<1x1024xf32> to vector<512x1024xf32>
    %mul3A_103 = arith.mulf %get3A_71, %mul3A_102 : vector<512x1024xf32>
    %reduce_sum3A_104 = arith.constant dense<0.000000e+00> : vector<512xf32>
    %reduce_sum3A_105 = vector.multi_reduction <add>, %mul3A_103, %reduce_sum3A_104 [1] : vector<512x1024xf32> to vector<512xf32>
    %broadcast_in_dim3A_106 = vector.shape_cast %reduce_sum3A_105 : vector<512xf32> to vector<512x1xf32>
    %mul3A_107 = vector.broadcast %get3A_13 : vector<1x1024xf32> to vector<512x1024xf32>
    %mul3A_108 = arith.mulf %select_n3A_101, %mul3A_107 : vector<512x1024xf32>
    %reduce_sum3A_109 = arith.constant dense<0.000000e+00> : vector<512xf32>
    %reduce_sum3A_110 = vector.multi_reduction <add>, %mul3A_108, %reduce_sum3A_109 [1] : vector<512x1024xf32> to vector<512xf32>
    %broadcast_in_dim3A_111 = vector.shape_cast %reduce_sum3A_110 : vector<512xf32> to vector<512x1xf32>
    %add3A_112 = arith.addf %broadcast_in_dim3A_106, %broadcast_in_dim3A_111 : vector<512x1xf32>
    %mul3A_113 = arith.constant 1024 : i32
    %mul3A_114 = arith.muli %arg1, %mul3A_113 : i32
    %add3A_115 = arith.constant 512 : i32
    %add3A_116 = arith.addi %mul3A_114, %add3A_115 : i32
    %eq3A_117 = vector.broadcast %arg0 : i32 to vector<512x128xi32>
    %eq3A_118 = arith.cmpi eq, %iota3A, %eq3A_117 : vector<512x128xi32>
    %broadcast_in_dim3A_119 = vector.shape_cast %add3A_112 : vector<512x1xf32> to vector<512x1xf32>
    %broadcast_in_dim3A_120 = vector.broadcast %broadcast_in_dim3A_119 : vector<512x1xf32> to vector<512x128xf32>
    %get3A_121 = arith.index_cast %add3A_116 : i32 to index
    %get3A_122 = arith.constant 0 : index
    %get3A_123 = vector.load %arg20[%get3A_121, %get3A_122] : memref<2048x128xf32, #tpu.memory_space<vmem>>, vector<512x128xf32>
    %select_n3A_124 = arith.select %eq3A_118, %broadcast_in_dim3A_120, %get3A_123 : vector<512x128xi1>, vector<512x128xf32>
    %swap3A_125 = arith.index_cast %add3A_116 : i32 to index
    %swap3A_126 = arith.constant 0 : index
    %swap3A_127 = vector.load %arg20[%swap3A_125, %swap3A_126] : memref<2048x128xf32, #tpu.memory_space<vmem>>, vector<512x128xf32>
    tpu.vector_store %arg20[%swap3A_125, %swap3A_126], %select_n3A_124 {strides = array<i32>} : memref<2048x128xf32, #tpu.memory_space<vmem>>, vector<512x128xf32>,
    %eq3A_128 = arith.constant 15 : i32
    %eq3A_129 = arith.cmpi eq, %arg0, %eq3A_128 : i32
    %eq3A_130 = arith.constant 1 : i32
    %eq3A_131 = arith.cmpi eq, %arg1, %eq3A_130 : i32
    %and3A_132 = arith.andi %eq3A_129, %eq3A_131 : i1
    %convert_element_type3A_133 = arith.extui %and3A_132 : i1 to i32
    %cond3A_134 = arith.constant 0 : i32
    %cond3A_135 = arith.cmpi ne, %convert_element_type3A_133, %cond3A_134 : i32
    scf.if %cond3A_135 {
      %get3A_136 = arith.constant 0 : index
      %get3A_137 = arith.constant 0 : index
      %get3A_138 = vector.load %arg20[%get3A_136, %get3A_137] : memref<2048x128xf32, #tpu.memory_space<vmem>>, vector<2048x128xf32>
      %get3A_139 = arith.constant 0 : index
      %get3A_140 = arith.constant 0 : index
      %get3A_141 = vector.load %arg6[%get3A_139, %get3A_140] : memref<2048x128xf32, #tpu.memory_space<vmem>>, vector<2048x128xf32>
      %lt3A = arith.constant 0.00999999977 : f32
      %lt3A_142 = vector.broadcast %lt3A : f32 to vector<2048x128xf32>
      %lt3A_143 = arith.cmpf olt, %get3A_141, %lt3A_142 : vector<2048x128xf32>
      %jit3A = arith.constant 0xFF800000 : f32
      %broadcast_in_dim3A_144 = vector.broadcast %jit3A : f32 to vector<2048x128xf32>
      %select_n3A_145 = arith.select %lt3A_143, %broadcast_in_dim3A_144, %get3A_138 : vector<2048x128xi1>, vector<2048x128xf32>
      %transpose3A = tpu.transpose %select_n3A_145, [1, 0] : vector<2048x128xf32> -> vector<128x2048xf32>
      %slice3A = vector.extract_strided_slice %transpose3A {offsets = [0, 0], sizes = [16, 2048], strides = [1, 1]} : vector<128x2048xf32> to vector<16x2048xf32>
      %reduce_max3A = arith.constant dense<0xFF800000> : vector<16xf32>
      %reduce_max3A_146 = vector.multi_reduction <maximumf>, %slice3A, %reduce_max3A [1] : vector<16x2048xf32> to vector<16xf32>
      %broadcast_in_dim3A_147 = vector.shape_cast %reduce_max3A_146 : vector<16xf32> to vector<16x1xf32>
      %sub3A = vector.broadcast %broadcast_in_dim3A_147 : vector<16x1xf32> to vector<16x2048xf32>
      %sub3A_148 = arith.subf %slice3A, %sub3A : vector<16x2048xf32>
      %exp3A = math.exp %sub3A_148 : vector<16x2048xf32>
      %reduce_sum3A_149 = arith.constant dense<0.000000e+00> : vector<16xf32>
      %reduce_sum3A_150 = vector.multi_reduction <add>, %exp3A, %reduce_sum3A_149 [1] : vector<16x2048xf32> to vector<16xf32>
      %broadcast_in_dim3A_151 = vector.shape_cast %reduce_sum3A_150 : vector<16xf32> to vector<16x1xf32>
      %iota3A_152 = tpu.iota {dimensions = array<i32: 1>} : vector<16x2048xi32>
      %iota3A_153 = tpu.iota {dimensions = array<i32: 1>} : vector<16x64xi32>
      %iota3A_154 = tpu.iota {dimensions = array<i32: 0>} : vector<16x64xi32>
      %mul3A_155 = arith.constant 2048 : i32
      %mul3A_156 = vector.broadcast %mul3A_155 : i32 to vector<16x64xi32>
      %mul3A_157 = arith.muli %iota3A_154, %mul3A_156 : vector<16x64xi32>
      %broadcast_in_dim3A_158 = arith.constant 0 : i32
      %broadcast_in_dim3A_159 = vector.broadcast %broadcast_in_dim3A_158 : i32 to vector<16x64xi32>
      %broadcast_in_dim3A_160 = arith.constant 0.000000e+00 : f32
      %broadcast_in_dim3A_161 = vector.broadcast %broadcast_in_dim3A_160 : f32 to vector<16x64xf32>
      %reduce_max3A_162 = arith.constant dense<0xFF800000> : vector<16xf32>
      %reduce_max3A_163 = vector.multi_reduction <maximumf>, %slice3A, %reduce_max3A_162 [1] : vector<16x2048xf32> to vector<16xf32>
      %broadcast_in_dim3A_164 = vector.shape_cast %reduce_max3A_163 : vector<16xf32> to vector<16x1xf32>
      %eq3A_165 = vector.broadcast %broadcast_in_dim3A_164 : vector<16x1xf32> to vector<16x2048xf32>
      %eq3A_166 = arith.cmpf oeq, %slice3A, %eq3A_165 : vector<16x2048xf32>
      %jit3A_167 = arith.constant 2048 : i32
      %broadcast_in_dim3A_168 = vector.broadcast %jit3A_167 : i32 to vector<16x2048xi32>
      %select_n3A_169 = arith.select %eq3A_166, %iota3A_152, %broadcast_in_dim3A_168 : vector<16x2048xi1>, vector<16x2048xi32>
      %reduce_min3A = arith.constant dense<2147483647> : vector<16xi32>
      %reduce_min3A_170 = vector.multi_reduction <minsi>, %select_n3A_169, %reduce_min3A [1] : vector<16x2048xi32> to vector<16xi32>
      %broadcast_in_dim3A_171 = vector.shape_cast %reduce_min3A_170 : vector<16xi32> to vector<16x1xi32>
      %eq3A_172 = arith.constant 0 : i32
      %eq3A_173 = vector.broadcast %eq3A_172 : i32 to vector<16x64xi32>
      %eq3A_174 = arith.cmpi eq, %iota3A_153, %eq3A_173 : vector<16x64xi32>
      %broadcast_in_dim3A_175 = vector.shape_cast %broadcast_in_dim3A_171 : vector<16x1xi32> to vector<16x1xi32>
      %broadcast_in_dim3A_176 = vector.broadcast %broadcast_in_dim3A_175 : vector<16x1xi32> to vector<16x64xi32>
      %select_n3A_177 = arith.select %eq3A_174, %broadcast_in_dim3A_176, %broadcast_in_dim3A_159 : vector<16x64xi1>, vector<16x64xi32>
      %eq3A_178 = arith.constant 0 : i32
      %eq3A_179 = vector.broadcast %eq3A_178 : i32 to vector<16x64xi32>
      %eq3A_180 = arith.cmpi eq, %iota3A_153, %eq3A_179 : vector<16x64xi32>
      %sub3A_181 = arith.subf %broadcast_in_dim3A_164, %broadcast_in_dim3A_147 : vector<16x1xf32>
      %exp3A_182 = math.exp %sub3A_181 : vector<16x1xf32>
      %broadcast_in_dim3A_183 = vector.shape_cast %exp3A_182 : vector<16x1xf32> to vector<16x1xf32>
      %broadcast_in_dim3A_184 = vector.broadcast %broadcast_in_dim3A_183 : vector<16x1xf32> to vector<16x64xf32>
      %select_n3A_185 = arith.select %eq3A_180, %broadcast_in_dim3A_184, %broadcast_in_dim3A_161 : vector<16x64xi1>, vector<16x64xf32>
      %eq3A_186 = vector.broadcast %broadcast_in_dim3A_171 : vector<16x1xi32> to vector<16x2048xi32>
      %eq3A_187 = arith.cmpi eq, %iota3A_152, %eq3A_186 : vector<16x2048xi32>
      %jit3A_188 = arith.constant 0xFF800000 : f32
      %broadcast_in_dim3A_189 = vector.broadcast %jit3A_188 : f32 to vector<16x2048xf32>
      %select_n3A_190 = arith.select %eq3A_187, %broadcast_in_dim3A_189, %slice3A : vector<16x2048xi1>, vector<16x2048xf32>
      %reduce_max3A_191 = arith.constant dense<0xFF800000> : vector<16xf32>
      %reduce_max3A_192 = vector.multi_reduction <maximumf>, %select_n3A_190, %reduce_max3A_191 [1] : vector<16x2048xf32> to vector<16xf32>
      %broadcast_in_dim3A_193 = vector.shape_cast %reduce_max3A_192 : vector<16xf32> to vector<16x1xf32>
      %eq3A_194 = vector.broadcast %broadcast_in_dim3A_193 : vector<16x1xf32> to vector<16x2048xf32>
      %eq3A_195 = arith.cmpf oeq, %select_n3A_190, %eq3A_194 : vector<16x2048xf32>
      %jit3A_196 = arith.constant 2048 : i32
      %broadcast_in_dim3A_197 = vector.broadcast %jit3A_196 : i32 to vector<16x2048xi32>
      %select_n3A_198 = arith.select %eq3A_195, %iota3A_152, %broadcast_in_dim3A_197 : vector<16x2048xi1>, vector<16x2048xi32>
      %reduce_min3A_199 = arith.constant dense<2147483647> : vector<16xi32>
      %reduce_min3A_200 = vector.multi_reduction <minsi>, %select_n3A_198, %reduce_min3A_199 [1] : vector<16x2048xi32> to vector<16xi32>
      %broadcast_in_dim3A_201 = vector.shape_cast %reduce_min3A_200 : vector<16xi32> to vector<16x1xi32>
      %eq3A_202 = arith.constant 1 : i32
      %eq3A_203 = vector.broadcast %eq3A_202 : i32 to vector<16x64xi32>
      %eq3A_204 = arith.cmpi eq, %iota3A_153, %eq3A_203 : vector<16x64xi32>
      %broadcast_in_dim3A_205 = vector.shape_cast %broadcast_in_dim3A_201 : vector<16x1xi32> to vector<16x1xi32>
      %broadcast_in_dim3A_206 = vector.broadcast %broadcast_in_dim3A_205 : vector<16x1xi32> to vector<16x64xi32>
      %select_n3A_207 = arith.select %eq3A_204, %broadcast_in_dim3A_206, %select_n3A_177 : vector<16x64xi1>, vector<16x64xi32>
      %eq3A_208 = arith.constant 1 : i32
      %eq3A_209 = vector.broadcast %eq3A_208 : i32 to vector<16x64xi32>
      %eq3A_210 = arith.cmpi eq, %iota3A_153, %eq3A_209 : vector<16x64xi32>
      %sub3A_211 = arith.subf %broadcast_in_dim3A_193, %broadcast_in_dim3A_147 : vector<16x1xf32>
      %exp3A_212 = math.exp %sub3A_211 : vector<16x1xf32>
      %broadcast_in_dim3A_213 = vector.shape_cast %exp3A_212 : vector<16x1xf32> to vector<16x1xf32>
      %broadcast_in_dim3A_214 = vector.broadcast %broadcast_in_dim3A_213 : vector<16x1xf32> to vector<16x64xf32>
      %select_n3A_215 = arith.select %eq3A_210, %broadcast_in_dim3A_214, %select_n3A_185 : vector<16x64xi1>, vector<16x64xf32>
      %eq3A_216 = vector.broadcast %broadcast_in_dim3A_201 : vector<16x1xi32> to vector<16x2048xi32>
      %eq3A_217 = arith.cmpi eq, %iota3A_152, %eq3A_216 : vector<16x2048xi32>
      %jit3A_218 = arith.constant 0xFF800000 : f32
      %broadcast_in_dim3A_219 = vector.broadcast %jit3A_218 : f32 to vector<16x2048xf32>
      %select_n3A_220 = arith.select %eq3A_217, %broadcast_in_dim3A_219, %select_n3A_190 : vector<16x2048xi1>, vector<16x2048xf32>
      %reduce_max3A_221 = arith.constant dense<0xFF800000> : vector<16xf32>
      %reduce_max3A_222 = vector.multi_reduction <maximumf>, %select_n3A_220, %reduce_max3A_221 [1] : vector<16x2048xf32> to vector<16xf32>
      %broadcast_in_dim3A_223 = vector.shape_cast %reduce_max3A_222 : vector<16xf32> to vector<16x1xf32>
      %eq3A_224 = vector.broadcast %broadcast_in_dim3A_223 : vector<16x1xf32> to vector<16x2048xf32>
      %eq3A_225 = arith.cmpf oeq, %select_n3A_220, %eq3A_224 : vector<16x2048xf32>
      %jit3A_226 = arith.constant 2048 : i32
      %broadcast_in_dim3A_227 = vector.broadcast %jit3A_226 : i32 to vector<16x2048xi32>
      %select_n3A_228 = arith.select %eq3A_225, %iota3A_152, %broadcast_in_dim3A_227 : vector<16x2048xi1>, vector<16x2048xi32>
      %reduce_min3A_229 = arith.constant dense<2147483647> : vector<16xi32>
      %reduce_min3A_230 = vector.multi_reduction <minsi>, %select_n3A_228, %reduce_min3A_229 [1] : vector<16x2048xi32> to vector<16xi32>
      %broadcast_in_dim3A_231 = vector.shape_cast %reduce_min3A_230 : vector<16xi32> to vector<16x1xi32>
      %eq3A_232 = arith.constant 2 : i32
      %eq3A_233 = vector.broadcast %eq3A_232 : i32 to vector<16x64xi32>
      %eq3A_234 = arith.cmpi eq, %iota3A_153, %eq3A_233 : vector<16x64xi32>
      %broadcast_in_dim3A_235 = vector.shape_cast %broadcast_in_dim3A_231 : vector<16x1xi32> to vector<16x1xi32>
      %broadcast_in_dim3A_236 = vector.broadcast %broadcast_in_dim3A_235 : vector<16x1xi32> to vector<16x64xi32>
      %select_n3A_237 = arith.select %eq3A_234, %broadcast_in_dim3A_236, %select_n3A_207 : vector<16x64xi1>, vector<16x64xi32>
      %eq3A_238 = arith.constant 2 : i32
      %eq3A_239 = vector.broadcast %eq3A_238 : i32 to vector<16x64xi32>
      %eq3A_240 = arith.cmpi eq, %iota3A_153, %eq3A_239 : vector<16x64xi32>
      %sub3A_241 = arith.subf %broadcast_in_dim3A_223, %broadcast_in_dim3A_147 : vector<16x1xf32>
      %exp3A_242 = math.exp %sub3A_241 : vector<16x1xf32>
      %broadcast_in_dim3A_243 = vector.shape_cast %exp3A_242 : vector<16x1xf32> to vector<16x1xf32>
      %broadcast_in_dim3A_244 = vector.broadcast %broadcast_in_dim3A_243 : vector<16x1xf32> to vector<16x64xf32>
      %select_n3A_245 = arith.select %eq3A_240, %broadcast_in_dim3A_244, %select_n3A_215 : vector<16x64xi1>, vector<16x64xf32>
      %eq3A_246 = vector.broadcast %broadcast_in_dim3A_231 : vector<16x1xi32> to vector<16x2048xi32>
      %eq3A_247 = arith.cmpi eq, %iota3A_152, %eq3A_246 : vector<16x2048xi32>
      %jit3A_248 = arith.constant 0xFF800000 : f32
      %broadcast_in_dim3A_249 = vector.broadcast %jit3A_248 : f32 to vector<16x2048xf32>
      %select_n3A_250 = arith.select %eq3A_247, %broadcast_in_dim3A_249, %select_n3A_220 : vector<16x2048xi1>, vector<16x2048xf32>
      %reduce_max3A_251 = arith.constant dense<0xFF800000> : vector<16xf32>
      %reduce_max3A_252 = vector.multi_reduction <maximumf>, %select_n3A_250, %reduce_max3A_251 [1] : vector<16x2048xf32> to vector<16xf32>
      %broadcast_in_dim3A_253 = vector.shape_cast %reduce_max3A_252 : vector<16xf32> to vector<16x1xf32>
      %eq3A_254 = vector.broadcast %broadcast_in_dim3A_253 : vector<16x1xf32> to vector<16x2048xf32>
      %eq3A_255 = arith.cmpf oeq, %select_n3A_250, %eq3A_254 : vector<16x2048xf32>
      %jit3A_256 = arith.constant 2048 : i32
      %broadcast_in_dim3A_257 = vector.broadcast %jit3A_256 : i32 to vector<16x2048xi32>
      %select_n3A_258 = arith.select %eq3A_255, %iota3A_152, %broadcast_in_dim3A_257 : vector<16x2048xi1>, vector<16x2048xi32>
      %reduce_min3A_259 = arith.constant dense<2147483647> : vector<16xi32>
      %reduce_min3A_260 = vector.multi_reduction <minsi>, %select_n3A_258, %reduce_min3A_259 [1] : vector<16x2048xi32> to vector<16xi32>
      %broadcast_in_dim3A_261 = vector.shape_cast %reduce_min3A_260 : vector<16xi32> to vector<16x1xi32>
      %eq3A_262 = arith.constant 3 : i32
      %eq3A_263 = vector.broadcast %eq3A_262 : i32 to vector<16x64xi32>
      %eq3A_264 = arith.cmpi eq, %iota3A_153, %eq3A_263 : vector<16x64xi32>
      %broadcast_in_dim3A_265 = vector.shape_cast %broadcast_in_dim3A_261 : vector<16x1xi32> to vector<16x1xi32>
      %broadcast_in_dim3A_266 = vector.broadcast %broadcast_in_dim3A_265 : vector<16x1xi32> to vector<16x64xi32>
      %select_n3A_267 = arith.select %eq3A_264, %broadcast_in_dim3A_266, %select_n3A_237 : vector<16x64xi1>, vector<16x64xi32>
      %eq3A_268 = arith.constant 3 : i32
      %eq3A_269 = vector.broadcast %eq3A_268 : i32 to vector<16x64xi32>
      %eq3A_270 = arith.cmpi eq, %iota3A_153, %eq3A_269 : vector<16x64xi32>
      %sub3A_271 = arith.subf %broadcast_in_dim3A_253, %broadcast_in_dim3A_147 : vector<16x1xf32>
      %exp3A_272 = math.exp %sub3A_271 : vector<16x1xf32>
      %broadcast_in_dim3A_273 = vector.shape_cast %exp3A_272 : vector<16x1xf32> to vector<16x1xf32>
      %broadcast_in_dim3A_274 = vector.broadcast %broadcast_in_dim3A_273 : vector<16x1xf32> to vector<16x64xf32>
      %select_n3A_275 = arith.select %eq3A_270, %broadcast_in_dim3A_274, %select_n3A_245 : vector<16x64xi1>, vector<16x64xf32>
      %eq3A_276 = vector.broadcast %broadcast_in_dim3A_261 : vector<16x1xi32> to vector<16x2048xi32>
      %eq3A_277 = arith.cmpi eq, %iota3A_152, %eq3A_276 : vector<16x2048xi32>
      %jit3A_278 = arith.constant 0xFF800000 : f32
      %broadcast_in_dim3A_279 = vector.broadcast %jit3A_278 : f32 to vector<16x2048xf32>
      %select_n3A_280 = arith.select %eq3A_277, %broadcast_in_dim3A_279, %select_n3A_250 : vector<16x2048xi1>, vector<16x2048xf32>
      %reduce_max3A_281 = arith.constant dense<0xFF800000> : vector<16xf32>
      %reduce_max3A_282 = vector.multi_reduction <maximumf>, %select_n3A_280, %reduce_max3A_281 [1] : vector<16x2048xf32> to vector<16xf32>
      %broadcast_in_dim3A_283 = vector.shape_cast %reduce_max3A_282 : vector<16xf32> to vector<16x1xf32>
      %eq3A_284 = vector.broadcast %broadcast_in_dim3A_283 : vector<16x1xf32> to vector<16x2048xf32>
      %eq3A_285 = arith.cmpf oeq, %select_n3A_280, %eq3A_284 : vector<16x2048xf32>
      %jit3A_286 = arith.constant 2048 : i32
      %broadcast_in_dim3A_287 = vector.broadcast %jit3A_286 : i32 to vector<16x2048xi32>
      %select_n3A_288 = arith.select %eq3A_285, %iota3A_152, %broadcast_in_dim3A_287 : vector<16x2048xi1>, vector<16x2048xi32>
      %reduce_min3A_289 = arith.constant dense<2147483647> : vector<16xi32>
      %reduce_min3A_290 = vector.multi_reduction <minsi>, %select_n3A_288, %reduce_min3A_289 [1] : vector<16x2048xi32> to vector<16xi32>
      %broadcast_in_dim3A_291 = vector.shape_cast %reduce_min3A_290 : vector<16xi32> to vector<16x1xi32>
      %eq3A_292 = arith.constant 4 : i32
      %eq3A_293 = vector.broadcast %eq3A_292 : i32 to vector<16x64xi32>
      %eq3A_294 = arith.cmpi eq, %iota3A_153, %eq3A_293 : vector<16x64xi32>
      %broadcast_in_dim3A_295 = vector.shape_cast %broadcast_in_dim3A_291 : vector<16x1xi32> to vector<16x1xi32>
      %broadcast_in_dim3A_296 = vector.broadcast %broadcast_in_dim3A_295 : vector<16x1xi32> to vector<16x64xi32>
      %select_n3A_297 = arith.select %eq3A_294, %broadcast_in_dim3A_296, %select_n3A_267 : vector<16x64xi1>, vector<16x64xi32>
      %eq3A_298 = arith.constant 4 : i32
      %eq3A_299 = vector.broadcast %eq3A_298 : i32 to vector<16x64xi32>
      %eq3A_300 = arith.cmpi eq, %iota3A_153, %eq3A_299 : vector<16x64xi32>
      %sub3A_301 = arith.subf %broadcast_in_dim3A_283, %broadcast_in_dim3A_147 : vector<16x1xf32>
      %exp3A_302 = math.exp %sub3A_301 : vector<16x1xf32>
      %broadcast_in_dim3A_303 = vector.shape_cast %exp3A_302 : vector<16x1xf32> to vector<16x1xf32>
      %broadcast_in_dim3A_304 = vector.broadcast %broadcast_in_dim3A_303 : vector<16x1xf32> to vector<16x64xf32>
      %select_n3A_305 = arith.select %eq3A_300, %broadcast_in_dim3A_304, %select_n3A_275 : vector<16x64xi1>, vector<16x64xf32>
      %eq3A_306 = vector.broadcast %broadcast_in_dim3A_291 : vector<16x1xi32> to vector<16x2048xi32>
      %eq3A_307 = arith.cmpi eq, %iota3A_152, %eq3A_306 : vector<16x2048xi32>
      %jit3A_308 = arith.constant 0xFF800000 : f32
      %broadcast_in_dim3A_309 = vector.broadcast %jit3A_308 : f32 to vector<16x2048xf32>
      %select_n3A_310 = arith.select %eq3A_307, %broadcast_in_dim3A_309, %select_n3A_280 : vector<16x2048xi1>, vector<16x2048xf32>
      %reduce_max3A_311 = arith.constant dense<0xFF800000> : vector<16xf32>
      %reduce_max3A_312 = vector.multi_reduction <maximumf>, %select_n3A_310, %reduce_max3A_311 [1] : vector<16x2048xf32> to vector<16xf32>
      %broadcast_in_dim3A_313 = vector.shape_cast %reduce_max3A_312 : vector<16xf32> to vector<16x1xf32>
      %eq3A_314 = vector.broadcast %broadcast_in_dim3A_313 : vector<16x1xf32> to vector<16x2048xf32>
      %eq3A_315 = arith.cmpf oeq, %select_n3A_310, %eq3A_314 : vector<16x2048xf32>
      %jit3A_316 = arith.constant 2048 : i32
      %broadcast_in_dim3A_317 = vector.broadcast %jit3A_316 : i32 to vector<16x2048xi32>
      %select_n3A_318 = arith.select %eq3A_315, %iota3A_152, %broadcast_in_dim3A_317 : vector<16x2048xi1>, vector<16x2048xi32>
      %reduce_min3A_319 = arith.constant dense<2147483647> : vector<16xi32>
      %reduce_min3A_320 = vector.multi_reduction <minsi>, %select_n3A_318, %reduce_min3A_319 [1] : vector<16x2048xi32> to vector<16xi32>
      %broadcast_in_dim3A_321 = vector.shape_cast %reduce_min3A_320 : vector<16xi32> to vector<16x1xi32>
      %eq3A_322 = arith.constant 5 : i32
      %eq3A_323 = vector.broadcast %eq3A_322 : i32 to vector<16x64xi32>
      %eq3A_324 = arith.cmpi eq, %iota3A_153, %eq3A_323 : vector<16x64xi32>
      %broadcast_in_dim3A_325 = vector.shape_cast %broadcast_in_dim3A_321 : vector<16x1xi32> to vector<16x1xi32>
      %broadcast_in_dim3A_326 = vector.broadcast %broadcast_in_dim3A_325 : vector<16x1xi32> to vector<16x64xi32>
      %select_n3A_327 = arith.select %eq3A_324, %broadcast_in_dim3A_326, %select_n3A_297 : vector<16x64xi1>, vector<16x64xi32>
      %eq3A_328 = arith.constant 5 : i32
      %eq3A_329 = vector.broadcast %eq3A_328 : i32 to vector<16x64xi32>
      %eq3A_330 = arith.cmpi eq, %iota3A_153, %eq3A_329 : vector<16x64xi32>
      %sub3A_331 = arith.subf %broadcast_in_dim3A_313, %broadcast_in_dim3A_147 : vector<16x1xf32>
      %exp3A_332 = math.exp %sub3A_331 : vector<16x1xf32>
      %broadcast_in_dim3A_333 = vector.shape_cast %exp3A_332 : vector<16x1xf32> to vector<16x1xf32>
      %broadcast_in_dim3A_334 = vector.broadcast %broadcast_in_dim3A_333 : vector<16x1xf32> to vector<16x64xf32>
      %select_n3A_335 = arith.select %eq3A_330, %broadcast_in_dim3A_334, %select_n3A_305 : vector<16x64xi1>, vector<16x64xf32>
      %eq3A_336 = vector.broadcast %broadcast_in_dim3A_321 : vector<16x1xi32> to vector<16x2048xi32>
      %eq3A_337 = arith.cmpi eq, %iota3A_152, %eq3A_336 : vector<16x2048xi32>
      %jit3A_338 = arith.constant 0xFF800000 : f32
      %broadcast_in_dim3A_339 = vector.broadcast %jit3A_338 : f32 to vector<16x2048xf32>
      %select_n3A_340 = arith.select %eq3A_337, %broadcast_in_dim3A_339, %select_n3A_310 : vector<16x2048xi1>, vector<16x2048xf32>
      %reduce_max3A_341 = arith.constant dense<0xFF800000> : vector<16xf32>
      %reduce_max3A_342 = vector.multi_reduction <maximumf>, %select_n3A_340, %reduce_max3A_341 [1] : vector<16x2048xf32> to vector<16xf32>
      %broadcast_in_dim3A_343 = vector.shape_cast %reduce_max3A_342 : vector<16xf32> to vector<16x1xf32>
      %eq3A_344 = vector.broadcast %broadcast_in_dim3A_343 : vector<16x1xf32> to vector<16x2048xf32>
      %eq3A_345 = arith.cmpf oeq, %select_n3A_340, %eq3A_344 : vector<16x2048xf32>
      %jit3A_346 = arith.constant 2048 : i32
      %broadcast_in_dim3A_347 = vector.broadcast %jit3A_346 : i32 to vector<16x2048xi32>
      %select_n3A_348 = arith.select %eq3A_345, %iota3A_152, %broadcast_in_dim3A_347 : vector<16x2048xi1>, vector<16x2048xi32>
      %reduce_min3A_349 = arith.constant dense<2147483647> : vector<16xi32>
      %reduce_min3A_350 = vector.multi_reduction <minsi>, %select_n3A_348, %reduce_min3A_349 [1] : vector<16x2048xi32> to vector<16xi32>
      %broadcast_in_dim3A_351 = vector.shape_cast %reduce_min3A_350 : vector<16xi32> to vector<16x1xi32>
      %eq3A_352 = arith.constant 6 : i32
      %eq3A_353 = vector.broadcast %eq3A_352 : i32 to vector<16x64xi32>
      %eq3A_354 = arith.cmpi eq, %iota3A_153, %eq3A_353 : vector<16x64xi32>
      %broadcast_in_dim3A_355 = vector.shape_cast %broadcast_in_dim3A_351 : vector<16x1xi32> to vector<16x1xi32>
      %broadcast_in_dim3A_356 = vector.broadcast %broadcast_in_dim3A_355 : vector<16x1xi32> to vector<16x64xi32>
      %select_n3A_357 = arith.select %eq3A_354, %broadcast_in_dim3A_356, %select_n3A_327 : vector<16x64xi1>, vector<16x64xi32>
      %eq3A_358 = arith.constant 6 : i32
      %eq3A_359 = vector.broadcast %eq3A_358 : i32 to vector<16x64xi32>
      %eq3A_360 = arith.cmpi eq, %iota3A_153, %eq3A_359 : vector<16x64xi32>
      %sub3A_361 = arith.subf %broadcast_in_dim3A_343, %broadcast_in_dim3A_147 : vector<16x1xf32>
      %exp3A_362 = math.exp %sub3A_361 : vector<16x1xf32>
      %broadcast_in_dim3A_363 = vector.shape_cast %exp3A_362 : vector<16x1xf32> to vector<16x1xf32>
      %broadcast_in_dim3A_364 = vector.broadcast %broadcast_in_dim3A_363 : vector<16x1xf32> to vector<16x64xf32>
      %select_n3A_365 = arith.select %eq3A_360, %broadcast_in_dim3A_364, %select_n3A_335 : vector<16x64xi1>, vector<16x64xf32>
      %eq3A_366 = vector.broadcast %broadcast_in_dim3A_351 : vector<16x1xi32> to vector<16x2048xi32>
      %eq3A_367 = arith.cmpi eq, %iota3A_152, %eq3A_366 : vector<16x2048xi32>
      %jit3A_368 = arith.constant 0xFF800000 : f32
      %broadcast_in_dim3A_369 = vector.broadcast %jit3A_368 : f32 to vector<16x2048xf32>
      %select_n3A_370 = arith.select %eq3A_367, %broadcast_in_dim3A_369, %select_n3A_340 : vector<16x2048xi1>, vector<16x2048xf32>
      %reduce_max3A_371 = arith.constant dense<0xFF800000> : vector<16xf32>
      %reduce_max3A_372 = vector.multi_reduction <maximumf>, %select_n3A_370, %reduce_max3A_371 [1] : vector<16x2048xf32> to vector<16xf32>
      %broadcast_in_dim3A_373 = vector.shape_cast %reduce_max3A_372 : vector<16xf32> to vector<16x1xf32>
      %eq3A_374 = vector.broadcast %broadcast_in_dim3A_373 : vector<16x1xf32> to vector<16x2048xf32>
      %eq3A_375 = arith.cmpf oeq, %select_n3A_370, %eq3A_374 : vector<16x2048xf32>
      %jit3A_376 = arith.constant 2048 : i32
      %broadcast_in_dim3A_377 = vector.broadcast %jit3A_376 : i32 to vector<16x2048xi32>
      %select_n3A_378 = arith.select %eq3A_375, %iota3A_152, %broadcast_in_dim3A_377 : vector<16x2048xi1>, vector<16x2048xi32>
      %reduce_min3A_379 = arith.constant dense<2147483647> : vector<16xi32>
      %reduce_min3A_380 = vector.multi_reduction <minsi>, %select_n3A_378, %reduce_min3A_379 [1] : vector<16x2048xi32> to vector<16xi32>
      %broadcast_in_dim3A_381 = vector.shape_cast %reduce_min3A_380 : vector<16xi32> to vector<16x1xi32>
      %eq3A_382 = arith.constant 7 : i32
      %eq3A_383 = vector.broadcast %eq3A_382 : i32 to vector<16x64xi32>
      %eq3A_384 = arith.cmpi eq, %iota3A_153, %eq3A_383 : vector<16x64xi32>
      %broadcast_in_dim3A_385 = vector.shape_cast %broadcast_in_dim3A_381 : vector<16x1xi32> to vector<16x1xi32>
      %broadcast_in_dim3A_386 = vector.broadcast %broadcast_in_dim3A_385 : vector<16x1xi32> to vector<16x64xi32>
      %select_n3A_387 = arith.select %eq3A_384, %broadcast_in_dim3A_386, %select_n3A_357 : vector<16x64xi1>, vector<16x64xi32>
      %eq3A_388 = arith.constant 7 : i32
      %eq3A_389 = vector.broadcast %eq3A_388 : i32 to vector<16x64xi32>
      %eq3A_390 = arith.cmpi eq, %iota3A_153, %eq3A_389 : vector<16x64xi32>
      %sub3A_391 = arith.subf %broadcast_in_dim3A_373, %broadcast_in_dim3A_147 : vector<16x1xf32>
      %exp3A_392 = math.exp %sub3A_391 : vector<16x1xf32>
      %broadcast_in_dim3A_393 = vector.shape_cast %exp3A_392 : vector<16x1xf32> to vector<16x1xf32>
      %broadcast_in_dim3A_394 = vector.broadcast %broadcast_in_dim3A_393 : vector<16x1xf32> to vector<16x64xf32>
      %select_n3A_395 = arith.select %eq3A_390, %broadcast_in_dim3A_394, %select_n3A_365 : vector<16x64xi1>, vector<16x64xf32>
      %eq3A_396 = vector.broadcast %broadcast_in_dim3A_381 : vector<16x1xi32> to vector<16x2048xi32>
      %eq3A_397 = arith.cmpi eq, %iota3A_152, %eq3A_396 : vector<16x2048xi32>
      %jit3A_398 = arith.constant 0xFF800000 : f32
      %broadcast_in_dim3A_399 = vector.broadcast %jit3A_398 : f32 to vector<16x2048xf32>
      %select_n3A_400 = arith.select %eq3A_397, %broadcast_in_dim3A_399, %select_n3A_370 : vector<16x2048xi1>, vector<16x2048xf32>
      %reduce_max3A_401 = arith.constant dense<0xFF800000> : vector<16xf32>
      %reduce_max3A_402 = vector.multi_reduction <maximumf>, %select_n3A_400, %reduce_max3A_401 [1] : vector<16x2048xf32> to vector<16xf32>
      %broadcast_in_dim3A_403 = vector.shape_cast %reduce_max3A_402 : vector<16xf32> to vector<16x1xf32>
      %eq3A_404 = vector.broadcast %broadcast_in_dim3A_403 : vector<16x1xf32> to vector<16x2048xf32>
      %eq3A_405 = arith.cmpf oeq, %select_n3A_400, %eq3A_404 : vector<16x2048xf32>
      %jit3A_406 = arith.constant 2048 : i32
      %broadcast_in_dim3A_407 = vector.broadcast %jit3A_406 : i32 to vector<16x2048xi32>
      %select_n3A_408 = arith.select %eq3A_405, %iota3A_152, %broadcast_in_dim3A_407 : vector<16x2048xi1>, vector<16x2048xi32>
      %reduce_min3A_409 = arith.constant dense<2147483647> : vector<16xi32>
      %reduce_min3A_410 = vector.multi_reduction <minsi>, %select_n3A_408, %reduce_min3A_409 [1] : vector<16x2048xi32> to vector<16xi32>
      %broadcast_in_dim3A_411 = vector.shape_cast %reduce_min3A_410 : vector<16xi32> to vector<16x1xi32>
      %eq3A_412 = arith.constant 8 : i32
      %eq3A_413 = vector.broadcast %eq3A_412 : i32 to vector<16x64xi32>
      %eq3A_414 = arith.cmpi eq, %iota3A_153, %eq3A_413 : vector<16x64xi32>
      %broadcast_in_dim3A_415 = vector.shape_cast %broadcast_in_dim3A_411 : vector<16x1xi32> to vector<16x1xi32>
      %broadcast_in_dim3A_416 = vector.broadcast %broadcast_in_dim3A_415 : vector<16x1xi32> to vector<16x64xi32>
      %select_n3A_417 = arith.select %eq3A_414, %broadcast_in_dim3A_416, %select_n3A_387 : vector<16x64xi1>, vector<16x64xi32>
      %eq3A_418 = arith.constant 8 : i32
      %eq3A_419 = vector.broadcast %eq3A_418 : i32 to vector<16x64xi32>
      %eq3A_420 = arith.cmpi eq, %iota3A_153, %eq3A_419 : vector<16x64xi32>
      %sub3A_421 = arith.subf %broadcast_in_dim3A_403, %broadcast_in_dim3A_147 : vector<16x1xf32>
      %exp3A_422 = math.exp %sub3A_421 : vector<16x1xf32>
      %broadcast_in_dim3A_423 = vector.shape_cast %exp3A_422 : vector<16x1xf32> to vector<16x1xf32>
      %broadcast_in_dim3A_424 = vector.broadcast %broadcast_in_dim3A_423 : vector<16x1xf32> to vector<16x64xf32>
      %select_n3A_425 = arith.select %eq3A_420, %broadcast_in_dim3A_424, %select_n3A_395 : vector<16x64xi1>, vector<16x64xf32>
      %eq3A_426 = vector.broadcast %broadcast_in_dim3A_411 : vector<16x1xi32> to vector<16x2048xi32>
      %eq3A_427 = arith.cmpi eq, %iota3A_152, %eq3A_426 : vector<16x2048xi32>
      %jit3A_428 = arith.constant 0xFF800000 : f32
      %broadcast_in_dim3A_429 = vector.broadcast %jit3A_428 : f32 to vector<16x2048xf32>
      %select_n3A_430 = arith.select %eq3A_427, %broadcast_in_dim3A_429, %select_n3A_400 : vector<16x2048xi1>, vector<16x2048xf32>
      %reduce_max3A_431 = arith.constant dense<0xFF800000> : vector<16xf32>
      %reduce_max3A_432 = vector.multi_reduction <maximumf>, %select_n3A_430, %reduce_max3A_431 [1] : vector<16x2048xf32> to vector<16xf32>
      %broadcast_in_dim3A_433 = vector.shape_cast %reduce_max3A_432 : vector<16xf32> to vector<16x1xf32>
      %eq3A_434 = vector.broadcast %broadcast_in_dim3A_433 : vector<16x1xf32> to vector<16x2048xf32>
      %eq3A_435 = arith.cmpf oeq, %select_n3A_430, %eq3A_434 : vector<16x2048xf32>
      %jit3A_436 = arith.constant 2048 : i32
      %broadcast_in_dim3A_437 = vector.broadcast %jit3A_436 : i32 to vector<16x2048xi32>
      %select_n3A_438 = arith.select %eq3A_435, %iota3A_152, %broadcast_in_dim3A_437 : vector<16x2048xi1>, vector<16x2048xi32>
      %reduce_min3A_439 = arith.constant dense<2147483647> : vector<16xi32>
      %reduce_min3A_440 = vector.multi_reduction <minsi>, %select_n3A_438, %reduce_min3A_439 [1] : vector<16x2048xi32> to vector<16xi32>
      %broadcast_in_dim3A_441 = vector.shape_cast %reduce_min3A_440 : vector<16xi32> to vector<16x1xi32>
      %eq3A_442 = arith.constant 9 : i32
      %eq3A_443 = vector.broadcast %eq3A_442 : i32 to vector<16x64xi32>
      %eq3A_444 = arith.cmpi eq, %iota3A_153, %eq3A_443 : vector<16x64xi32>
      %broadcast_in_dim3A_445 = vector.shape_cast %broadcast_in_dim3A_441 : vector<16x1xi32> to vector<16x1xi32>
      %broadcast_in_dim3A_446 = vector.broadcast %broadcast_in_dim3A_445 : vector<16x1xi32> to vector<16x64xi32>
      %select_n3A_447 = arith.select %eq3A_444, %broadcast_in_dim3A_446, %select_n3A_417 : vector<16x64xi1>, vector<16x64xi32>
      %eq3A_448 = arith.constant 9 : i32
      %eq3A_449 = vector.broadcast %eq3A_448 : i32 to vector<16x64xi32>
      %eq3A_450 = arith.cmpi eq, %iota3A_153, %eq3A_449 : vector<16x64xi32>
      %sub3A_451 = arith.subf %broadcast_in_dim3A_433, %broadcast_in_dim3A_147 : vector<16x1xf32>
      %exp3A_452 = math.exp %sub3A_451 : vector<16x1xf32>
      %broadcast_in_dim3A_453 = vector.shape_cast %exp3A_452 : vector<16x1xf32> to vector<16x1xf32>
      %broadcast_in_dim3A_454 = vector.broadcast %broadcast_in_dim3A_453 : vector<16x1xf32> to vector<16x64xf32>
      %select_n3A_455 = arith.select %eq3A_450, %broadcast_in_dim3A_454, %select_n3A_425 : vector<16x64xi1>, vector<16x64xf32>
      %eq3A_456 = vector.broadcast %broadcast_in_dim3A_441 : vector<16x1xi32> to vector<16x2048xi32>
      %eq3A_457 = arith.cmpi eq, %iota3A_152, %eq3A_456 : vector<16x2048xi32>
      %jit3A_458 = arith.constant 0xFF800000 : f32
      %broadcast_in_dim3A_459 = vector.broadcast %jit3A_458 : f32 to vector<16x2048xf32>
      %select_n3A_460 = arith.select %eq3A_457, %broadcast_in_dim3A_459, %select_n3A_430 : vector<16x2048xi1>, vector<16x2048xf32>
      %reduce_max3A_461 = arith.constant dense<0xFF800000> : vector<16xf32>
      %reduce_max3A_462 = vector.multi_reduction <maximumf>, %select_n3A_460, %reduce_max3A_461 [1] : vector<16x2048xf32> to vector<16xf32>
      %broadcast_in_dim3A_463 = vector.shape_cast %reduce_max3A_462 : vector<16xf32> to vector<16x1xf32>
      %eq3A_464 = vector.broadcast %broadcast_in_dim3A_463 : vector<16x1xf32> to vector<16x2048xf32>
      %eq3A_465 = arith.cmpf oeq, %select_n3A_460, %eq3A_464 : vector<16x2048xf32>
      %jit3A_466 = arith.constant 2048 : i32
      %broadcast_in_dim3A_467 = vector.broadcast %jit3A_466 : i32 to vector<16x2048xi32>
      %select_n3A_468 = arith.select %eq3A_465, %iota3A_152, %broadcast_in_dim3A_467 : vector<16x2048xi1>, vector<16x2048xi32>
      %reduce_min3A_469 = arith.constant dense<2147483647> : vector<16xi32>
      %reduce_min3A_470 = vector.multi_reduction <minsi>, %select_n3A_468, %reduce_min3A_469 [1] : vector<16x2048xi32> to vector<16xi32>
      %broadcast_in_dim3A_471 = vector.shape_cast %reduce_min3A_470 : vector<16xi32> to vector<16x1xi32>
      %eq3A_472 = arith.constant 10 : i32
      %eq3A_473 = vector.broadcast %eq3A_472 : i32 to vector<16x64xi32>
      %eq3A_474 = arith.cmpi eq, %iota3A_153, %eq3A_473 : vector<16x64xi32>
      %broadcast_in_dim3A_475 = vector.shape_cast %broadcast_in_dim3A_471 : vector<16x1xi32> to vector<16x1xi32>
      %broadcast_in_dim3A_476 = vector.broadcast %broadcast_in_dim3A_475 : vector<16x1xi32> to vector<16x64xi32>
      %select_n3A_477 = arith.select %eq3A_474, %broadcast_in_dim3A_476, %select_n3A_447 : vector<16x64xi1>, vector<16x64xi32>
      %eq3A_478 = arith.constant 10 : i32
      %eq3A_479 = vector.broadcast %eq3A_478 : i32 to vector<16x64xi32>
      %eq3A_480 = arith.cmpi eq, %iota3A_153, %eq3A_479 : vector<16x64xi32>
      %sub3A_481 = arith.subf %broadcast_in_dim3A_463, %broadcast_in_dim3A_147 : vector<16x1xf32>
      %exp3A_482 = math.exp %sub3A_481 : vector<16x1xf32>
      %broadcast_in_dim3A_483 = vector.shape_cast %exp3A_482 : vector<16x1xf32> to vector<16x1xf32>
      %broadcast_in_dim3A_484 = vector.broadcast %broadcast_in_dim3A_483 : vector<16x1xf32> to vector<16x64xf32>
      %select_n3A_485 = arith.select %eq3A_480, %broadcast_in_dim3A_484, %select_n3A_455 : vector<16x64xi1>, vector<16x64xf32>
      %eq3A_486 = vector.broadcast %broadcast_in_dim3A_471 : vector<16x1xi32> to vector<16x2048xi32>
      %eq3A_487 = arith.cmpi eq, %iota3A_152, %eq3A_486 : vector<16x2048xi32>
      %jit3A_488 = arith.constant 0xFF800000 : f32
      %broadcast_in_dim3A_489 = vector.broadcast %jit3A_488 : f32 to vector<16x2048xf32>
      %select_n3A_490 = arith.select %eq3A_487, %broadcast_in_dim3A_489, %select_n3A_460 : vector<16x2048xi1>, vector<16x2048xf32>
      %reduce_max3A_491 = arith.constant dense<0xFF800000> : vector<16xf32>
      %reduce_max3A_492 = vector.multi_reduction <maximumf>, %select_n3A_490, %reduce_max3A_491 [1] : vector<16x2048xf32> to vector<16xf32>
      %broadcast_in_dim3A_493 = vector.shape_cast %reduce_max3A_492 : vector<16xf32> to vector<16x1xf32>
      %eq3A_494 = vector.broadcast %broadcast_in_dim3A_493 : vector<16x1xf32> to vector<16x2048xf32>
      %eq3A_495 = arith.cmpf oeq, %select_n3A_490, %eq3A_494 : vector<16x2048xf32>
      %jit3A_496 = arith.constant 2048 : i32
      %broadcast_in_dim3A_497 = vector.broadcast %jit3A_496 : i32 to vector<16x2048xi32>
      %select_n3A_498 = arith.select %eq3A_495, %iota3A_152, %broadcast_in_dim3A_497 : vector<16x2048xi1>, vector<16x2048xi32>
      %reduce_min3A_499 = arith.constant dense<2147483647> : vector<16xi32>
      %reduce_min3A_500 = vector.multi_reduction <minsi>, %select_n3A_498, %reduce_min3A_499 [1] : vector<16x2048xi32> to vector<16xi32>
      %broadcast_in_dim3A_501 = vector.shape_cast %reduce_min3A_500 : vector<16xi32> to vector<16x1xi32>
      %eq3A_502 = arith.constant 11 : i32
      %eq3A_503 = vector.broadcast %eq3A_502 : i32 to vector<16x64xi32>
      %eq3A_504 = arith.cmpi eq, %iota3A_153, %eq3A_503 : vector<16x64xi32>
      %broadcast_in_dim3A_505 = vector.shape_cast %broadcast_in_dim3A_501 : vector<16x1xi32> to vector<16x1xi32>
      %broadcast_in_dim3A_506 = vector.broadcast %broadcast_in_dim3A_505 : vector<16x1xi32> to vector<16x64xi32>
      %select_n3A_507 = arith.select %eq3A_504, %broadcast_in_dim3A_506, %select_n3A_477 : vector<16x64xi1>, vector<16x64xi32>
      %eq3A_508 = arith.constant 11 : i32
      %eq3A_509 = vector.broadcast %eq3A_508 : i32 to vector<16x64xi32>
      %eq3A_510 = arith.cmpi eq, %iota3A_153, %eq3A_509 : vector<16x64xi32>
      %sub3A_511 = arith.subf %broadcast_in_dim3A_493, %broadcast_in_dim3A_147 : vector<16x1xf32>
      %exp3A_512 = math.exp %sub3A_511 : vector<16x1xf32>
      %broadcast_in_dim3A_513 = vector.shape_cast %exp3A_512 : vector<16x1xf32> to vector<16x1xf32>
      %broadcast_in_dim3A_514 = vector.broadcast %broadcast_in_dim3A_513 : vector<16x1xf32> to vector<16x64xf32>
      %select_n3A_515 = arith.select %eq3A_510, %broadcast_in_dim3A_514, %select_n3A_485 : vector<16x64xi1>, vector<16x64xf32>
      %eq3A_516 = vector.broadcast %broadcast_in_dim3A_501 : vector<16x1xi32> to vector<16x2048xi32>
      %eq3A_517 = arith.cmpi eq, %iota3A_152, %eq3A_516 : vector<16x2048xi32>
      %jit3A_518 = arith.constant 0xFF800000 : f32
      %broadcast_in_dim3A_519 = vector.broadcast %jit3A_518 : f32 to vector<16x2048xf32>
      %select_n3A_520 = arith.select %eq3A_517, %broadcast_in_dim3A_519, %select_n3A_490 : vector<16x2048xi1>, vector<16x2048xf32>
      %reduce_max3A_521 = arith.constant dense<0xFF800000> : vector<16xf32>
      %reduce_max3A_522 = vector.multi_reduction <maximumf>, %select_n3A_520, %reduce_max3A_521 [1] : vector<16x2048xf32> to vector<16xf32>
      %broadcast_in_dim3A_523 = vector.shape_cast %reduce_max3A_522 : vector<16xf32> to vector<16x1xf32>
      %eq3A_524 = vector.broadcast %broadcast_in_dim3A_523 : vector<16x1xf32> to vector<16x2048xf32>
      %eq3A_525 = arith.cmpf oeq, %select_n3A_520, %eq3A_524 : vector<16x2048xf32>
      %jit3A_526 = arith.constant 2048 : i32
      %broadcast_in_dim3A_527 = vector.broadcast %jit3A_526 : i32 to vector<16x2048xi32>
      %select_n3A_528 = arith.select %eq3A_525, %iota3A_152, %broadcast_in_dim3A_527 : vector<16x2048xi1>, vector<16x2048xi32>
      %reduce_min3A_529 = arith.constant dense<2147483647> : vector<16xi32>
      %reduce_min3A_530 = vector.multi_reduction <minsi>, %select_n3A_528, %reduce_min3A_529 [1] : vector<16x2048xi32> to vector<16xi32>
      %broadcast_in_dim3A_531 = vector.shape_cast %reduce_min3A_530 : vector<16xi32> to vector<16x1xi32>
      %eq3A_532 = arith.constant 12 : i32
      %eq3A_533 = vector.broadcast %eq3A_532 : i32 to vector<16x64xi32>
      %eq3A_534 = arith.cmpi eq, %iota3A_153, %eq3A_533 : vector<16x64xi32>
      %broadcast_in_dim3A_535 = vector.shape_cast %broadcast_in_dim3A_531 : vector<16x1xi32> to vector<16x1xi32>
      %broadcast_in_dim3A_536 = vector.broadcast %broadcast_in_dim3A_535 : vector<16x1xi32> to vector<16x64xi32>
      %select_n3A_537 = arith.select %eq3A_534, %broadcast_in_dim3A_536, %select_n3A_507 : vector<16x64xi1>, vector<16x64xi32>
      %eq3A_538 = arith.constant 12 : i32
      %eq3A_539 = vector.broadcast %eq3A_538 : i32 to vector<16x64xi32>
      %eq3A_540 = arith.cmpi eq, %iota3A_153, %eq3A_539 : vector<16x64xi32>
      %sub3A_541 = arith.subf %broadcast_in_dim3A_523, %broadcast_in_dim3A_147 : vector<16x1xf32>
      %exp3A_542 = math.exp %sub3A_541 : vector<16x1xf32>
      %broadcast_in_dim3A_543 = vector.shape_cast %exp3A_542 : vector<16x1xf32> to vector<16x1xf32>
      %broadcast_in_dim3A_544 = vector.broadcast %broadcast_in_dim3A_543 : vector<16x1xf32> to vector<16x64xf32>
      %select_n3A_545 = arith.select %eq3A_540, %broadcast_in_dim3A_544, %select_n3A_515 : vector<16x64xi1>, vector<16x64xf32>
      %eq3A_546 = vector.broadcast %broadcast_in_dim3A_531 : vector<16x1xi32> to vector<16x2048xi32>
      %eq3A_547 = arith.cmpi eq, %iota3A_152, %eq3A_546 : vector<16x2048xi32>
      %jit3A_548 = arith.constant 0xFF800000 : f32
      %broadcast_in_dim3A_549 = vector.broadcast %jit3A_548 : f32 to vector<16x2048xf32>
      %select_n3A_550 = arith.select %eq3A_547, %broadcast_in_dim3A_549, %select_n3A_520 : vector<16x2048xi1>, vector<16x2048xf32>
      %reduce_max3A_551 = arith.constant dense<0xFF800000> : vector<16xf32>
      %reduce_max3A_552 = vector.multi_reduction <maximumf>, %select_n3A_550, %reduce_max3A_551 [1] : vector<16x2048xf32> to vector<16xf32>
      %broadcast_in_dim3A_553 = vector.shape_cast %reduce_max3A_552 : vector<16xf32> to vector<16x1xf32>
      %eq3A_554 = vector.broadcast %broadcast_in_dim3A_553 : vector<16x1xf32> to vector<16x2048xf32>
      %eq3A_555 = arith.cmpf oeq, %select_n3A_550, %eq3A_554 : vector<16x2048xf32>
      %jit3A_556 = arith.constant 2048 : i32
      %broadcast_in_dim3A_557 = vector.broadcast %jit3A_556 : i32 to vector<16x2048xi32>
      %select_n3A_558 = arith.select %eq3A_555, %iota3A_152, %broadcast_in_dim3A_557 : vector<16x2048xi1>, vector<16x2048xi32>
      %reduce_min3A_559 = arith.constant dense<2147483647> : vector<16xi32>
      %reduce_min3A_560 = vector.multi_reduction <minsi>, %select_n3A_558, %reduce_min3A_559 [1] : vector<16x2048xi32> to vector<16xi32>
      %broadcast_in_dim3A_561 = vector.shape_cast %reduce_min3A_560 : vector<16xi32> to vector<16x1xi32>
      %eq3A_562 = arith.constant 13 : i32
      %eq3A_563 = vector.broadcast %eq3A_562 : i32 to vector<16x64xi32>
      %eq3A_564 = arith.cmpi eq, %iota3A_153, %eq3A_563 : vector<16x64xi32>
      %broadcast_in_dim3A_565 = vector.shape_cast %broadcast_in_dim3A_561 : vector<16x1xi32> to vector<16x1xi32>
      %broadcast_in_dim3A_566 = vector.broadcast %broadcast_in_dim3A_565 : vector<16x1xi32> to vector<16x64xi32>
      %select_n3A_567 = arith.select %eq3A_564, %broadcast_in_dim3A_566, %select_n3A_537 : vector<16x64xi1>, vector<16x64xi32>
      %eq3A_568 = arith.constant 13 : i32
      %eq3A_569 = vector.broadcast %eq3A_568 : i32 to vector<16x64xi32>
      %eq3A_570 = arith.cmpi eq, %iota3A_153, %eq3A_569 : vector<16x64xi32>
      %sub3A_571 = arith.subf %broadcast_in_dim3A_553, %broadcast_in_dim3A_147 : vector<16x1xf32>
      %exp3A_572 = math.exp %sub3A_571 : vector<16x1xf32>
      %broadcast_in_dim3A_573 = vector.shape_cast %exp3A_572 : vector<16x1xf32> to vector<16x1xf32>
      %broadcast_in_dim3A_574 = vector.broadcast %broadcast_in_dim3A_573 : vector<16x1xf32> to vector<16x64xf32>
      %select_n3A_575 = arith.select %eq3A_570, %broadcast_in_dim3A_574, %select_n3A_545 : vector<16x64xi1>, vector<16x64xf32>
      %eq3A_576 = vector.broadcast %broadcast_in_dim3A_561 : vector<16x1xi32> to vector<16x2048xi32>
      %eq3A_577 = arith.cmpi eq, %iota3A_152, %eq3A_576 : vector<16x2048xi32>
      %jit3A_578 = arith.constant 0xFF800000 : f32
      %broadcast_in_dim3A_579 = vector.broadcast %jit3A_578 : f32 to vector<16x2048xf32>
      %select_n3A_580 = arith.select %eq3A_577, %broadcast_in_dim3A_579, %select_n3A_550 : vector<16x2048xi1>, vector<16x2048xf32>
      %reduce_max3A_581 = arith.constant dense<0xFF800000> : vector<16xf32>
      %reduce_max3A_582 = vector.multi_reduction <maximumf>, %select_n3A_580, %reduce_max3A_581 [1] : vector<16x2048xf32> to vector<16xf32>
      %broadcast_in_dim3A_583 = vector.shape_cast %reduce_max3A_582 : vector<16xf32> to vector<16x1xf32>
      %eq3A_584 = vector.broadcast %broadcast_in_dim3A_583 : vector<16x1xf32> to vector<16x2048xf32>
      %eq3A_585 = arith.cmpf oeq, %select_n3A_580, %eq3A_584 : vector<16x2048xf32>
      %jit3A_586 = arith.constant 2048 : i32
      %broadcast_in_dim3A_587 = vector.broadcast %jit3A_586 : i32 to vector<16x2048xi32>
      %select_n3A_588 = arith.select %eq3A_585, %iota3A_152, %broadcast_in_dim3A_587 : vector<16x2048xi1>, vector<16x2048xi32>
      %reduce_min3A_589 = arith.constant dense<2147483647> : vector<16xi32>
      %reduce_min3A_590 = vector.multi_reduction <minsi>, %select_n3A_588, %reduce_min3A_589 [1] : vector<16x2048xi32> to vector<16xi32>
      %broadcast_in_dim3A_591 = vector.shape_cast %reduce_min3A_590 : vector<16xi32> to vector<16x1xi32>
      %eq3A_592 = arith.constant 14 : i32
      %eq3A_593 = vector.broadcast %eq3A_592 : i32 to vector<16x64xi32>
      %eq3A_594 = arith.cmpi eq, %iota3A_153, %eq3A_593 : vector<16x64xi32>
      %broadcast_in_dim3A_595 = vector.shape_cast %broadcast_in_dim3A_591 : vector<16x1xi32> to vector<16x1xi32>
      %broadcast_in_dim3A_596 = vector.broadcast %broadcast_in_dim3A_595 : vector<16x1xi32> to vector<16x64xi32>
      %select_n3A_597 = arith.select %eq3A_594, %broadcast_in_dim3A_596, %select_n3A_567 : vector<16x64xi1>, vector<16x64xi32>
      %eq3A_598 = arith.constant 14 : i32
      %eq3A_599 = vector.broadcast %eq3A_598 : i32 to vector<16x64xi32>
      %eq3A_600 = arith.cmpi eq, %iota3A_153, %eq3A_599 : vector<16x64xi32>
      %sub3A_601 = arith.subf %broadcast_in_dim3A_583, %broadcast_in_dim3A_147 : vector<16x1xf32>
      %exp3A_602 = math.exp %sub3A_601 : vector<16x1xf32>
      %broadcast_in_dim3A_603 = vector.shape_cast %exp3A_602 : vector<16x1xf32> to vector<16x1xf32>
      %broadcast_in_dim3A_604 = vector.broadcast %broadcast_in_dim3A_603 : vector<16x1xf32> to vector<16x64xf32>
      %select_n3A_605 = arith.select %eq3A_600, %broadcast_in_dim3A_604, %select_n3A_575 : vector<16x64xi1>, vector<16x64xf32>
      %eq3A_606 = vector.broadcast %broadcast_in_dim3A_591 : vector<16x1xi32> to vector<16x2048xi32>
      %eq3A_607 = arith.cmpi eq, %iota3A_152, %eq3A_606 : vector<16x2048xi32>
      %jit3A_608 = arith.constant 0xFF800000 : f32
      %broadcast_in_dim3A_609 = vector.broadcast %jit3A_608 : f32 to vector<16x2048xf32>
      %select_n3A_610 = arith.select %eq3A_607, %broadcast_in_dim3A_609, %select_n3A_580 : vector<16x2048xi1>, vector<16x2048xf32>
      %reduce_max3A_611 = arith.constant dense<0xFF800000> : vector<16xf32>
      %reduce_max3A_612 = vector.multi_reduction <maximumf>, %select_n3A_610, %reduce_max3A_611 [1] : vector<16x2048xf32> to vector<16xf32>
      %broadcast_in_dim3A_613 = vector.shape_cast %reduce_max3A_612 : vector<16xf32> to vector<16x1xf32>
      %eq3A_614 = vector.broadcast %broadcast_in_dim3A_613 : vector<16x1xf32> to vector<16x2048xf32>
      %eq3A_615 = arith.cmpf oeq, %select_n3A_610, %eq3A_614 : vector<16x2048xf32>
      %jit3A_616 = arith.constant 2048 : i32
      %broadcast_in_dim3A_617 = vector.broadcast %jit3A_616 : i32 to vector<16x2048xi32>
      %select_n3A_618 = arith.select %eq3A_615, %iota3A_152, %broadcast_in_dim3A_617 : vector<16x2048xi1>, vector<16x2048xi32>
      %reduce_min3A_619 = arith.constant dense<2147483647> : vector<16xi32>
      %reduce_min3A_620 = vector.multi_reduction <minsi>, %select_n3A_618, %reduce_min3A_619 [1] : vector<16x2048xi32> to vector<16xi32>
      %broadcast_in_dim3A_621 = vector.shape_cast %reduce_min3A_620 : vector<16xi32> to vector<16x1xi32>
      %eq3A_622 = arith.constant 15 : i32
      %eq3A_623 = vector.broadcast %eq3A_622 : i32 to vector<16x64xi32>
      %eq3A_624 = arith.cmpi eq, %iota3A_153, %eq3A_623 : vector<16x64xi32>
      %broadcast_in_dim3A_625 = vector.shape_cast %broadcast_in_dim3A_621 : vector<16x1xi32> to vector<16x1xi32>
      %broadcast_in_dim3A_626 = vector.broadcast %broadcast_in_dim3A_625 : vector<16x1xi32> to vector<16x64xi32>
      %select_n3A_627 = arith.select %eq3A_624, %broadcast_in_dim3A_626, %select_n3A_597 : vector<16x64xi1>, vector<16x64xi32>
      %eq3A_628 = arith.constant 15 : i32
      %eq3A_629 = vector.broadcast %eq3A_628 : i32 to vector<16x64xi32>
      %eq3A_630 = arith.cmpi eq, %iota3A_153, %eq3A_629 : vector<16x64xi32>
      %sub3A_631 = arith.subf %broadcast_in_dim3A_613, %broadcast_in_dim3A_147 : vector<16x1xf32>
      %exp3A_632 = math.exp %sub3A_631 : vector<16x1xf32>
      %broadcast_in_dim3A_633 = vector.shape_cast %exp3A_632 : vector<16x1xf32> to vector<16x1xf32>
      %broadcast_in_dim3A_634 = vector.broadcast %broadcast_in_dim3A_633 : vector<16x1xf32> to vector<16x64xf32>
      %select_n3A_635 = arith.select %eq3A_630, %broadcast_in_dim3A_634, %select_n3A_605 : vector<16x64xi1>, vector<16x64xf32>
      %eq3A_636 = vector.broadcast %broadcast_in_dim3A_621 : vector<16x1xi32> to vector<16x2048xi32>
      %eq3A_637 = arith.cmpi eq, %iota3A_152, %eq3A_636 : vector<16x2048xi32>
      %jit3A_638 = arith.constant 0xFF800000 : f32
      %broadcast_in_dim3A_639 = vector.broadcast %jit3A_638 : f32 to vector<16x2048xf32>
      %select_n3A_640 = arith.select %eq3A_637, %broadcast_in_dim3A_639, %select_n3A_610 : vector<16x2048xi1>, vector<16x2048xf32>
      %reduce_max3A_641 = arith.constant dense<0xFF800000> : vector<16xf32>
      %reduce_max3A_642 = vector.multi_reduction <maximumf>, %select_n3A_640, %reduce_max3A_641 [1] : vector<16x2048xf32> to vector<16xf32>
      %broadcast_in_dim3A_643 = vector.shape_cast %reduce_max3A_642 : vector<16xf32> to vector<16x1xf32>
      %eq3A_644 = vector.broadcast %broadcast_in_dim3A_643 : vector<16x1xf32> to vector<16x2048xf32>
      %eq3A_645 = arith.cmpf oeq, %select_n3A_640, %eq3A_644 : vector<16x2048xf32>
      %jit3A_646 = arith.constant 2048 : i32
      %broadcast_in_dim3A_647 = vector.broadcast %jit3A_646 : i32 to vector<16x2048xi32>
      %select_n3A_648 = arith.select %eq3A_645, %iota3A_152, %broadcast_in_dim3A_647 : vector<16x2048xi1>, vector<16x2048xi32>
      %reduce_min3A_649 = arith.constant dense<2147483647> : vector<16xi32>
      %reduce_min3A_650 = vector.multi_reduction <minsi>, %select_n3A_648, %reduce_min3A_649 [1] : vector<16x2048xi32> to vector<16xi32>
      %broadcast_in_dim3A_651 = vector.shape_cast %reduce_min3A_650 : vector<16xi32> to vector<16x1xi32>
      %eq3A_652 = arith.constant 16 : i32
      %eq3A_653 = vector.broadcast %eq3A_652 : i32 to vector<16x64xi32>
      %eq3A_654 = arith.cmpi eq, %iota3A_153, %eq3A_653 : vector<16x64xi32>
      %broadcast_in_dim3A_655 = vector.shape_cast %broadcast_in_dim3A_651 : vector<16x1xi32> to vector<16x1xi32>
      %broadcast_in_dim3A_656 = vector.broadcast %broadcast_in_dim3A_655 : vector<16x1xi32> to vector<16x64xi32>
      %select_n3A_657 = arith.select %eq3A_654, %broadcast_in_dim3A_656, %select_n3A_627 : vector<16x64xi1>, vector<16x64xi32>
      %eq3A_658 = arith.constant 16 : i32
      %eq3A_659 = vector.broadcast %eq3A_658 : i32 to vector<16x64xi32>
      %eq3A_660 = arith.cmpi eq, %iota3A_153, %eq3A_659 : vector<16x64xi32>
      %sub3A_661 = arith.subf %broadcast_in_dim3A_643, %broadcast_in_dim3A_147 : vector<16x1xf32>
      %exp3A_662 = math.exp %sub3A_661 : vector<16x1xf32>
      %broadcast_in_dim3A_663 = vector.shape_cast %exp3A_662 : vector<16x1xf32> to vector<16x1xf32>
      %broadcast_in_dim3A_664 = vector.broadcast %broadcast_in_dim3A_663 : vector<16x1xf32> to vector<16x64xf32>
      %select_n3A_665 = arith.select %eq3A_660, %broadcast_in_dim3A_664, %select_n3A_635 : vector<16x64xi1>, vector<16x64xf32>
      %eq3A_666 = vector.broadcast %broadcast_in_dim3A_651 : vector<16x1xi32> to vector<16x2048xi32>
      %eq3A_667 = arith.cmpi eq, %iota3A_152, %eq3A_666 : vector<16x2048xi32>
      %jit3A_668 = arith.constant 0xFF800000 : f32
      %broadcast_in_dim3A_669 = vector.broadcast %jit3A_668 : f32 to vector<16x2048xf32>
      %select_n3A_670 = arith.select %eq3A_667, %broadcast_in_dim3A_669, %select_n3A_640 : vector<16x2048xi1>, vector<16x2048xf32>
      %reduce_max3A_671 = arith.constant dense<0xFF800000> : vector<16xf32>
      %reduce_max3A_672 = vector.multi_reduction <maximumf>, %select_n3A_670, %reduce_max3A_671 [1] : vector<16x2048xf32> to vector<16xf32>
      %broadcast_in_dim3A_673 = vector.shape_cast %reduce_max3A_672 : vector<16xf32> to vector<16x1xf32>
      %eq3A_674 = vector.broadcast %broadcast_in_dim3A_673 : vector<16x1xf32> to vector<16x2048xf32>
      %eq3A_675 = arith.cmpf oeq, %select_n3A_670, %eq3A_674 : vector<16x2048xf32>
      %jit3A_676 = arith.constant 2048 : i32
      %broadcast_in_dim3A_677 = vector.broadcast %jit3A_676 : i32 to vector<16x2048xi32>
      %select_n3A_678 = arith.select %eq3A_675, %iota3A_152, %broadcast_in_dim3A_677 : vector<16x2048xi1>, vector<16x2048xi32>
      %reduce_min3A_679 = arith.constant dense<2147483647> : vector<16xi32>
      %reduce_min3A_680 = vector.multi_reduction <minsi>, %select_n3A_678, %reduce_min3A_679 [1] : vector<16x2048xi32> to vector<16xi32>
      %broadcast_in_dim3A_681 = vector.shape_cast %reduce_min3A_680 : vector<16xi32> to vector<16x1xi32>
      %eq3A_682 = arith.constant 17 : i32
      %eq3A_683 = vector.broadcast %eq3A_682 : i32 to vector<16x64xi32>
      %eq3A_684 = arith.cmpi eq, %iota3A_153, %eq3A_683 : vector<16x64xi32>
      %broadcast_in_dim3A_685 = vector.shape_cast %broadcast_in_dim3A_681 : vector<16x1xi32> to vector<16x1xi32>
      %broadcast_in_dim3A_686 = vector.broadcast %broadcast_in_dim3A_685 : vector<16x1xi32> to vector<16x64xi32>
      %select_n3A_687 = arith.select %eq3A_684, %broadcast_in_dim3A_686, %select_n3A_657 : vector<16x64xi1>, vector<16x64xi32>
      %eq3A_688 = arith.constant 17 : i32
      %eq3A_689 = vector.broadcast %eq3A_688 : i32 to vector<16x64xi32>
      %eq3A_690 = arith.cmpi eq, %iota3A_153, %eq3A_689 : vector<16x64xi32>
      %sub3A_691 = arith.subf %broadcast_in_dim3A_673, %broadcast_in_dim3A_147 : vector<16x1xf32>
      %exp3A_692 = math.exp %sub3A_691 : vector<16x1xf32>
      %broadcast_in_dim3A_693 = vector.shape_cast %exp3A_692 : vector<16x1xf32> to vector<16x1xf32>
      %broadcast_in_dim3A_694 = vector.broadcast %broadcast_in_dim3A_693 : vector<16x1xf32> to vector<16x64xf32>
      %select_n3A_695 = arith.select %eq3A_690, %broadcast_in_dim3A_694, %select_n3A_665 : vector<16x64xi1>, vector<16x64xf32>
      %eq3A_696 = vector.broadcast %broadcast_in_dim3A_681 : vector<16x1xi32> to vector<16x2048xi32>
      %eq3A_697 = arith.cmpi eq, %iota3A_152, %eq3A_696 : vector<16x2048xi32>
      %jit3A_698 = arith.constant 0xFF800000 : f32
      %broadcast_in_dim3A_699 = vector.broadcast %jit3A_698 : f32 to vector<16x2048xf32>
      %select_n3A_700 = arith.select %eq3A_697, %broadcast_in_dim3A_699, %select_n3A_670 : vector<16x2048xi1>, vector<16x2048xf32>
      %reduce_max3A_701 = arith.constant dense<0xFF800000> : vector<16xf32>
      %reduce_max3A_702 = vector.multi_reduction <maximumf>, %select_n3A_700, %reduce_max3A_701 [1] : vector<16x2048xf32> to vector<16xf32>
      %broadcast_in_dim3A_703 = vector.shape_cast %reduce_max3A_702 : vector<16xf32> to vector<16x1xf32>
      %eq3A_704 = vector.broadcast %broadcast_in_dim3A_703 : vector<16x1xf32> to vector<16x2048xf32>
      %eq3A_705 = arith.cmpf oeq, %select_n3A_700, %eq3A_704 : vector<16x2048xf32>
      %jit3A_706 = arith.constant 2048 : i32
      %broadcast_in_dim3A_707 = vector.broadcast %jit3A_706 : i32 to vector<16x2048xi32>
      %select_n3A_708 = arith.select %eq3A_705, %iota3A_152, %broadcast_in_dim3A_707 : vector<16x2048xi1>, vector<16x2048xi32>
      %reduce_min3A_709 = arith.constant dense<2147483647> : vector<16xi32>
      %reduce_min3A_710 = vector.multi_reduction <minsi>, %select_n3A_708, %reduce_min3A_709 [1] : vector<16x2048xi32> to vector<16xi32>
      %broadcast_in_dim3A_711 = vector.shape_cast %reduce_min3A_710 : vector<16xi32> to vector<16x1xi32>
      %eq3A_712 = arith.constant 18 : i32
      %eq3A_713 = vector.broadcast %eq3A_712 : i32 to vector<16x64xi32>
      %eq3A_714 = arith.cmpi eq, %iota3A_153, %eq3A_713 : vector<16x64xi32>
      %broadcast_in_dim3A_715 = vector.shape_cast %broadcast_in_dim3A_711 : vector<16x1xi32> to vector<16x1xi32>
      %broadcast_in_dim3A_716 = vector.broadcast %broadcast_in_dim3A_715 : vector<16x1xi32> to vector<16x64xi32>
      %select_n3A_717 = arith.select %eq3A_714, %broadcast_in_dim3A_716, %select_n3A_687 : vector<16x64xi1>, vector<16x64xi32>
      %eq3A_718 = arith.constant 18 : i32
      %eq3A_719 = vector.broadcast %eq3A_718 : i32 to vector<16x64xi32>
      %eq3A_720 = arith.cmpi eq, %iota3A_153, %eq3A_719 : vector<16x64xi32>
      %sub3A_721 = arith.subf %broadcast_in_dim3A_703, %broadcast_in_dim3A_147 : vector<16x1xf32>
      %exp3A_722 = math.exp %sub3A_721 : vector<16x1xf32>
      %broadcast_in_dim3A_723 = vector.shape_cast %exp3A_722 : vector<16x1xf32> to vector<16x1xf32>
      %broadcast_in_dim3A_724 = vector.broadcast %broadcast_in_dim3A_723 : vector<16x1xf32> to vector<16x64xf32>
      %select_n3A_725 = arith.select %eq3A_720, %broadcast_in_dim3A_724, %select_n3A_695 : vector<16x64xi1>, vector<16x64xf32>
      %eq3A_726 = vector.broadcast %broadcast_in_dim3A_711 : vector<16x1xi32> to vector<16x2048xi32>
      %eq3A_727 = arith.cmpi eq, %iota3A_152, %eq3A_726 : vector<16x2048xi32>
      %jit3A_728 = arith.constant 0xFF800000 : f32
      %broadcast_in_dim3A_729 = vector.broadcast %jit3A_728 : f32 to vector<16x2048xf32>
      %select_n3A_730 = arith.select %eq3A_727, %broadcast_in_dim3A_729, %select_n3A_700 : vector<16x2048xi1>, vector<16x2048xf32>
      %reduce_max3A_731 = arith.constant dense<0xFF800000> : vector<16xf32>
      %reduce_max3A_732 = vector.multi_reduction <maximumf>, %select_n3A_730, %reduce_max3A_731 [1] : vector<16x2048xf32> to vector<16xf32>
      %broadcast_in_dim3A_733 = vector.shape_cast %reduce_max3A_732 : vector<16xf32> to vector<16x1xf32>
      %eq3A_734 = vector.broadcast %broadcast_in_dim3A_733 : vector<16x1xf32> to vector<16x2048xf32>
      %eq3A_735 = arith.cmpf oeq, %select_n3A_730, %eq3A_734 : vector<16x2048xf32>
      %jit3A_736 = arith.constant 2048 : i32
      %broadcast_in_dim3A_737 = vector.broadcast %jit3A_736 : i32 to vector<16x2048xi32>
      %select_n3A_738 = arith.select %eq3A_735, %iota3A_152, %broadcast_in_dim3A_737 : vector<16x2048xi1>, vector<16x2048xi32>
      %reduce_min3A_739 = arith.constant dense<2147483647> : vector<16xi32>
      %reduce_min3A_740 = vector.multi_reduction <minsi>, %select_n3A_738, %reduce_min3A_739 [1] : vector<16x2048xi32> to vector<16xi32>
      %broadcast_in_dim3A_741 = vector.shape_cast %reduce_min3A_740 : vector<16xi32> to vector<16x1xi32>
      %eq3A_742 = arith.constant 19 : i32
      %eq3A_743 = vector.broadcast %eq3A_742 : i32 to vector<16x64xi32>
      %eq3A_744 = arith.cmpi eq, %iota3A_153, %eq3A_743 : vector<16x64xi32>
      %broadcast_in_dim3A_745 = vector.shape_cast %broadcast_in_dim3A_741 : vector<16x1xi32> to vector<16x1xi32>
      %broadcast_in_dim3A_746 = vector.broadcast %broadcast_in_dim3A_745 : vector<16x1xi32> to vector<16x64xi32>
      %select_n3A_747 = arith.select %eq3A_744, %broadcast_in_dim3A_746, %select_n3A_717 : vector<16x64xi1>, vector<16x64xi32>
      %eq3A_748 = arith.constant 19 : i32
      %eq3A_749 = vector.broadcast %eq3A_748 : i32 to vector<16x64xi32>
      %eq3A_750 = arith.cmpi eq, %iota3A_153, %eq3A_749 : vector<16x64xi32>
      %sub3A_751 = arith.subf %broadcast_in_dim3A_733, %broadcast_in_dim3A_147 : vector<16x1xf32>
      %exp3A_752 = math.exp %sub3A_751 : vector<16x1xf32>
      %broadcast_in_dim3A_753 = vector.shape_cast %exp3A_752 : vector<16x1xf32> to vector<16x1xf32>
      %broadcast_in_dim3A_754 = vector.broadcast %broadcast_in_dim3A_753 : vector<16x1xf32> to vector<16x64xf32>
      %select_n3A_755 = arith.select %eq3A_750, %broadcast_in_dim3A_754, %select_n3A_725 : vector<16x64xi1>, vector<16x64xf32>
      %eq3A_756 = vector.broadcast %broadcast_in_dim3A_741 : vector<16x1xi32> to vector<16x2048xi32>
      %eq3A_757 = arith.cmpi eq, %iota3A_152, %eq3A_756 : vector<16x2048xi32>
      %jit3A_758 = arith.constant 0xFF800000 : f32
      %broadcast_in_dim3A_759 = vector.broadcast %jit3A_758 : f32 to vector<16x2048xf32>
      %select_n3A_760 = arith.select %eq3A_757, %broadcast_in_dim3A_759, %select_n3A_730 : vector<16x2048xi1>, vector<16x2048xf32>
      %reduce_max3A_761 = arith.constant dense<0xFF800000> : vector<16xf32>
      %reduce_max3A_762 = vector.multi_reduction <maximumf>, %select_n3A_760, %reduce_max3A_761 [1] : vector<16x2048xf32> to vector<16xf32>
      %broadcast_in_dim3A_763 = vector.shape_cast %reduce_max3A_762 : vector<16xf32> to vector<16x1xf32>
      %eq3A_764 = vector.broadcast %broadcast_in_dim3A_763 : vector<16x1xf32> to vector<16x2048xf32>
      %eq3A_765 = arith.cmpf oeq, %select_n3A_760, %eq3A_764 : vector<16x2048xf32>
      %jit3A_766 = arith.constant 2048 : i32
      %broadcast_in_dim3A_767 = vector.broadcast %jit3A_766 : i32 to vector<16x2048xi32>
      %select_n3A_768 = arith.select %eq3A_765, %iota3A_152, %broadcast_in_dim3A_767 : vector<16x2048xi1>, vector<16x2048xi32>
      %reduce_min3A_769 = arith.constant dense<2147483647> : vector<16xi32>
      %reduce_min3A_770 = vector.multi_reduction <minsi>, %select_n3A_768, %reduce_min3A_769 [1] : vector<16x2048xi32> to vector<16xi32>
      %broadcast_in_dim3A_771 = vector.shape_cast %reduce_min3A_770 : vector<16xi32> to vector<16x1xi32>
      %eq3A_772 = arith.constant 20 : i32
      %eq3A_773 = vector.broadcast %eq3A_772 : i32 to vector<16x64xi32>
      %eq3A_774 = arith.cmpi eq, %iota3A_153, %eq3A_773 : vector<16x64xi32>
      %broadcast_in_dim3A_775 = vector.shape_cast %broadcast_in_dim3A_771 : vector<16x1xi32> to vector<16x1xi32>
      %broadcast_in_dim3A_776 = vector.broadcast %broadcast_in_dim3A_775 : vector<16x1xi32> to vector<16x64xi32>
      %select_n3A_777 = arith.select %eq3A_774, %broadcast_in_dim3A_776, %select_n3A_747 : vector<16x64xi1>, vector<16x64xi32>
      %eq3A_778 = arith.constant 20 : i32
      %eq3A_779 = vector.broadcast %eq3A_778 : i32 to vector<16x64xi32>
      %eq3A_780 = arith.cmpi eq, %iota3A_153, %eq3A_779 : vector<16x64xi32>
      %sub3A_781 = arith.subf %broadcast_in_dim3A_763, %broadcast_in_dim3A_147 : vector<16x1xf32>
      %exp3A_782 = math.exp %sub3A_781 : vector<16x1xf32>
      %broadcast_in_dim3A_783 = vector.shape_cast %exp3A_782 : vector<16x1xf32> to vector<16x1xf32>
      %broadcast_in_dim3A_784 = vector.broadcast %broadcast_in_dim3A_783 : vector<16x1xf32> to vector<16x64xf32>
      %select_n3A_785 = arith.select %eq3A_780, %broadcast_in_dim3A_784, %select_n3A_755 : vector<16x64xi1>, vector<16x64xf32>
      %eq3A_786 = vector.broadcast %broadcast_in_dim3A_771 : vector<16x1xi32> to vector<16x2048xi32>
      %eq3A_787 = arith.cmpi eq, %iota3A_152, %eq3A_786 : vector<16x2048xi32>
      %jit3A_788 = arith.constant 0xFF800000 : f32
      %broadcast_in_dim3A_789 = vector.broadcast %jit3A_788 : f32 to vector<16x2048xf32>
      %select_n3A_790 = arith.select %eq3A_787, %broadcast_in_dim3A_789, %select_n3A_760 : vector<16x2048xi1>, vector<16x2048xf32>
      %reduce_max3A_791 = arith.constant dense<0xFF800000> : vector<16xf32>
      %reduce_max3A_792 = vector.multi_reduction <maximumf>, %select_n3A_790, %reduce_max3A_791 [1] : vector<16x2048xf32> to vector<16xf32>
      %broadcast_in_dim3A_793 = vector.shape_cast %reduce_max3A_792 : vector<16xf32> to vector<16x1xf32>
      %eq3A_794 = vector.broadcast %broadcast_in_dim3A_793 : vector<16x1xf32> to vector<16x2048xf32>
      %eq3A_795 = arith.cmpf oeq, %select_n3A_790, %eq3A_794 : vector<16x2048xf32>
      %jit3A_796 = arith.constant 2048 : i32
      %broadcast_in_dim3A_797 = vector.broadcast %jit3A_796 : i32 to vector<16x2048xi32>
      %select_n3A_798 = arith.select %eq3A_795, %iota3A_152, %broadcast_in_dim3A_797 : vector<16x2048xi1>, vector<16x2048xi32>
      %reduce_min3A_799 = arith.constant dense<2147483647> : vector<16xi32>
      %reduce_min3A_800 = vector.multi_reduction <minsi>, %select_n3A_798, %reduce_min3A_799 [1] : vector<16x2048xi32> to vector<16xi32>
      %broadcast_in_dim3A_801 = vector.shape_cast %reduce_min3A_800 : vector<16xi32> to vector<16x1xi32>
      %eq3A_802 = arith.constant 21 : i32
      %eq3A_803 = vector.broadcast %eq3A_802 : i32 to vector<16x64xi32>
      %eq3A_804 = arith.cmpi eq, %iota3A_153, %eq3A_803 : vector<16x64xi32>
      %broadcast_in_dim3A_805 = vector.shape_cast %broadcast_in_dim3A_801 : vector<16x1xi32> to vector<16x1xi32>
      %broadcast_in_dim3A_806 = vector.broadcast %broadcast_in_dim3A_805 : vector<16x1xi32> to vector<16x64xi32>
      %select_n3A_807 = arith.select %eq3A_804, %broadcast_in_dim3A_806, %select_n3A_777 : vector<16x64xi1>, vector<16x64xi32>
      %eq3A_808 = arith.constant 21 : i32
      %eq3A_809 = vector.broadcast %eq3A_808 : i32 to vector<16x64xi32>
      %eq3A_810 = arith.cmpi eq, %iota3A_153, %eq3A_809 : vector<16x64xi32>
      %sub3A_811 = arith.subf %broadcast_in_dim3A_793, %broadcast_in_dim3A_147 : vector<16x1xf32>
      %exp3A_812 = math.exp %sub3A_811 : vector<16x1xf32>
      %broadcast_in_dim3A_813 = vector.shape_cast %exp3A_812 : vector<16x1xf32> to vector<16x1xf32>
      %broadcast_in_dim3A_814 = vector.broadcast %broadcast_in_dim3A_813 : vector<16x1xf32> to vector<16x64xf32>
      %select_n3A_815 = arith.select %eq3A_810, %broadcast_in_dim3A_814, %select_n3A_785 : vector<16x64xi1>, vector<16x64xf32>
      %eq3A_816 = vector.broadcast %broadcast_in_dim3A_801 : vector<16x1xi32> to vector<16x2048xi32>
      %eq3A_817 = arith.cmpi eq, %iota3A_152, %eq3A_816 : vector<16x2048xi32>
      %jit3A_818 = arith.constant 0xFF800000 : f32
      %broadcast_in_dim3A_819 = vector.broadcast %jit3A_818 : f32 to vector<16x2048xf32>
      %select_n3A_820 = arith.select %eq3A_817, %broadcast_in_dim3A_819, %select_n3A_790 : vector<16x2048xi1>, vector<16x2048xf32>
      %reduce_max3A_821 = arith.constant dense<0xFF800000> : vector<16xf32>
      %reduce_max3A_822 = vector.multi_reduction <maximumf>, %select_n3A_820, %reduce_max3A_821 [1] : vector<16x2048xf32> to vector<16xf32>
      %broadcast_in_dim3A_823 = vector.shape_cast %reduce_max3A_822 : vector<16xf32> to vector<16x1xf32>
      %eq3A_824 = vector.broadcast %broadcast_in_dim3A_823 : vector<16x1xf32> to vector<16x2048xf32>
      %eq3A_825 = arith.cmpf oeq, %select_n3A_820, %eq3A_824 : vector<16x2048xf32>
      %jit3A_826 = arith.constant 2048 : i32
      %broadcast_in_dim3A_827 = vector.broadcast %jit3A_826 : i32 to vector<16x2048xi32>
      %select_n3A_828 = arith.select %eq3A_825, %iota3A_152, %broadcast_in_dim3A_827 : vector<16x2048xi1>, vector<16x2048xi32>
      %reduce_min3A_829 = arith.constant dense<2147483647> : vector<16xi32>
      %reduce_min3A_830 = vector.multi_reduction <minsi>, %select_n3A_828, %reduce_min3A_829 [1] : vector<16x2048xi32> to vector<16xi32>
      %broadcast_in_dim3A_831 = vector.shape_cast %reduce_min3A_830 : vector<16xi32> to vector<16x1xi32>
      %eq3A_832 = arith.constant 22 : i32
      %eq3A_833 = vector.broadcast %eq3A_832 : i32 to vector<16x64xi32>
      %eq3A_834 = arith.cmpi eq, %iota3A_153, %eq3A_833 : vector<16x64xi32>
      %broadcast_in_dim3A_835 = vector.shape_cast %broadcast_in_dim3A_831 : vector<16x1xi32> to vector<16x1xi32>
      %broadcast_in_dim3A_836 = vector.broadcast %broadcast_in_dim3A_835 : vector<16x1xi32> to vector<16x64xi32>
      %select_n3A_837 = arith.select %eq3A_834, %broadcast_in_dim3A_836, %select_n3A_807 : vector<16x64xi1>, vector<16x64xi32>
      %eq3A_838 = arith.constant 22 : i32
      %eq3A_839 = vector.broadcast %eq3A_838 : i32 to vector<16x64xi32>
      %eq3A_840 = arith.cmpi eq, %iota3A_153, %eq3A_839 : vector<16x64xi32>
      %sub3A_841 = arith.subf %broadcast_in_dim3A_823, %broadcast_in_dim3A_147 : vector<16x1xf32>
      %exp3A_842 = math.exp %sub3A_841 : vector<16x1xf32>
      %broadcast_in_dim3A_843 = vector.shape_cast %exp3A_842 : vector<16x1xf32> to vector<16x1xf32>
      %broadcast_in_dim3A_844 = vector.broadcast %broadcast_in_dim3A_843 : vector<16x1xf32> to vector<16x64xf32>
      %select_n3A_845 = arith.select %eq3A_840, %broadcast_in_dim3A_844, %select_n3A_815 : vector<16x64xi1>, vector<16x64xf32>
      %eq3A_846 = vector.broadcast %broadcast_in_dim3A_831 : vector<16x1xi32> to vector<16x2048xi32>
      %eq3A_847 = arith.cmpi eq, %iota3A_152, %eq3A_846 : vector<16x2048xi32>
      %jit3A_848 = arith.constant 0xFF800000 : f32
      %broadcast_in_dim3A_849 = vector.broadcast %jit3A_848 : f32 to vector<16x2048xf32>
      %select_n3A_850 = arith.select %eq3A_847, %broadcast_in_dim3A_849, %select_n3A_820 : vector<16x2048xi1>, vector<16x2048xf32>
      %reduce_max3A_851 = arith.constant dense<0xFF800000> : vector<16xf32>
      %reduce_max3A_852 = vector.multi_reduction <maximumf>, %select_n3A_850, %reduce_max3A_851 [1] : vector<16x2048xf32> to vector<16xf32>
      %broadcast_in_dim3A_853 = vector.shape_cast %reduce_max3A_852 : vector<16xf32> to vector<16x1xf32>
      %eq3A_854 = vector.broadcast %broadcast_in_dim3A_853 : vector<16x1xf32> to vector<16x2048xf32>
      %eq3A_855 = arith.cmpf oeq, %select_n3A_850, %eq3A_854 : vector<16x2048xf32>
      %jit3A_856 = arith.constant 2048 : i32
      %broadcast_in_dim3A_857 = vector.broadcast %jit3A_856 : i32 to vector<16x2048xi32>
      %select_n3A_858 = arith.select %eq3A_855, %iota3A_152, %broadcast_in_dim3A_857 : vector<16x2048xi1>, vector<16x2048xi32>
      %reduce_min3A_859 = arith.constant dense<2147483647> : vector<16xi32>
      %reduce_min3A_860 = vector.multi_reduction <minsi>, %select_n3A_858, %reduce_min3A_859 [1] : vector<16x2048xi32> to vector<16xi32>
      %broadcast_in_dim3A_861 = vector.shape_cast %reduce_min3A_860 : vector<16xi32> to vector<16x1xi32>
      %eq3A_862 = arith.constant 23 : i32
      %eq3A_863 = vector.broadcast %eq3A_862 : i32 to vector<16x64xi32>
      %eq3A_864 = arith.cmpi eq, %iota3A_153, %eq3A_863 : vector<16x64xi32>
      %broadcast_in_dim3A_865 = vector.shape_cast %broadcast_in_dim3A_861 : vector<16x1xi32> to vector<16x1xi32>
      %broadcast_in_dim3A_866 = vector.broadcast %broadcast_in_dim3A_865 : vector<16x1xi32> to vector<16x64xi32>
      %select_n3A_867 = arith.select %eq3A_864, %broadcast_in_dim3A_866, %select_n3A_837 : vector<16x64xi1>, vector<16x64xi32>
      %eq3A_868 = arith.constant 23 : i32
      %eq3A_869 = vector.broadcast %eq3A_868 : i32 to vector<16x64xi32>
      %eq3A_870 = arith.cmpi eq, %iota3A_153, %eq3A_869 : vector<16x64xi32>
      %sub3A_871 = arith.subf %broadcast_in_dim3A_853, %broadcast_in_dim3A_147 : vector<16x1xf32>
      %exp3A_872 = math.exp %sub3A_871 : vector<16x1xf32>
      %broadcast_in_dim3A_873 = vector.shape_cast %exp3A_872 : vector<16x1xf32> to vector<16x1xf32>
      %broadcast_in_dim3A_874 = vector.broadcast %broadcast_in_dim3A_873 : vector<16x1xf32> to vector<16x64xf32>
      %select_n3A_875 = arith.select %eq3A_870, %broadcast_in_dim3A_874, %select_n3A_845 : vector<16x64xi1>, vector<16x64xf32>
      %eq3A_876 = vector.broadcast %broadcast_in_dim3A_861 : vector<16x1xi32> to vector<16x2048xi32>
      %eq3A_877 = arith.cmpi eq, %iota3A_152, %eq3A_876 : vector<16x2048xi32>
      %jit3A_878 = arith.constant 0xFF800000 : f32
      %broadcast_in_dim3A_879 = vector.broadcast %jit3A_878 : f32 to vector<16x2048xf32>
      %select_n3A_880 = arith.select %eq3A_877, %broadcast_in_dim3A_879, %select_n3A_850 : vector<16x2048xi1>, vector<16x2048xf32>
      %reduce_max3A_881 = arith.constant dense<0xFF800000> : vector<16xf32>
      %reduce_max3A_882 = vector.multi_reduction <maximumf>, %select_n3A_880, %reduce_max3A_881 [1] : vector<16x2048xf32> to vector<16xf32>
      %broadcast_in_dim3A_883 = vector.shape_cast %reduce_max3A_882 : vector<16xf32> to vector<16x1xf32>
      %eq3A_884 = vector.broadcast %broadcast_in_dim3A_883 : vector<16x1xf32> to vector<16x2048xf32>
      %eq3A_885 = arith.cmpf oeq, %select_n3A_880, %eq3A_884 : vector<16x2048xf32>
      %jit3A_886 = arith.constant 2048 : i32
      %broadcast_in_dim3A_887 = vector.broadcast %jit3A_886 : i32 to vector<16x2048xi32>
      %select_n3A_888 = arith.select %eq3A_885, %iota3A_152, %broadcast_in_dim3A_887 : vector<16x2048xi1>, vector<16x2048xi32>
      %reduce_min3A_889 = arith.constant dense<2147483647> : vector<16xi32>
      %reduce_min3A_890 = vector.multi_reduction <minsi>, %select_n3A_888, %reduce_min3A_889 [1] : vector<16x2048xi32> to vector<16xi32>
      %broadcast_in_dim3A_891 = vector.shape_cast %reduce_min3A_890 : vector<16xi32> to vector<16x1xi32>
      %eq3A_892 = arith.constant 24 : i32
      %eq3A_893 = vector.broadcast %eq3A_892 : i32 to vector<16x64xi32>
      %eq3A_894 = arith.cmpi eq, %iota3A_153, %eq3A_893 : vector<16x64xi32>
      %broadcast_in_dim3A_895 = vector.shape_cast %broadcast_in_dim3A_891 : vector<16x1xi32> to vector<16x1xi32>
      %broadcast_in_dim3A_896 = vector.broadcast %broadcast_in_dim3A_895 : vector<16x1xi32> to vector<16x64xi32>
      %select_n3A_897 = arith.select %eq3A_894, %broadcast_in_dim3A_896, %select_n3A_867 : vector<16x64xi1>, vector<16x64xi32>
      %eq3A_898 = arith.constant 24 : i32
      %eq3A_899 = vector.broadcast %eq3A_898 : i32 to vector<16x64xi32>
      %eq3A_900 = arith.cmpi eq, %iota3A_153, %eq3A_899 : vector<16x64xi32>
      %sub3A_901 = arith.subf %broadcast_in_dim3A_883, %broadcast_in_dim3A_147 : vector<16x1xf32>
      %exp3A_902 = math.exp %sub3A_901 : vector<16x1xf32>
      %broadcast_in_dim3A_903 = vector.shape_cast %exp3A_902 : vector<16x1xf32> to vector<16x1xf32>
      %broadcast_in_dim3A_904 = vector.broadcast %broadcast_in_dim3A_903 : vector<16x1xf32> to vector<16x64xf32>
      %select_n3A_905 = arith.select %eq3A_900, %broadcast_in_dim3A_904, %select_n3A_875 : vector<16x64xi1>, vector<16x64xf32>
      %eq3A_906 = vector.broadcast %broadcast_in_dim3A_891 : vector<16x1xi32> to vector<16x2048xi32>
      %eq3A_907 = arith.cmpi eq, %iota3A_152, %eq3A_906 : vector<16x2048xi32>
      %jit3A_908 = arith.constant 0xFF800000 : f32
      %broadcast_in_dim3A_909 = vector.broadcast %jit3A_908 : f32 to vector<16x2048xf32>
      %select_n3A_910 = arith.select %eq3A_907, %broadcast_in_dim3A_909, %select_n3A_880 : vector<16x2048xi1>, vector<16x2048xf32>
      %reduce_max3A_911 = arith.constant dense<0xFF800000> : vector<16xf32>
      %reduce_max3A_912 = vector.multi_reduction <maximumf>, %select_n3A_910, %reduce_max3A_911 [1] : vector<16x2048xf32> to vector<16xf32>
      %broadcast_in_dim3A_913 = vector.shape_cast %reduce_max3A_912 : vector<16xf32> to vector<16x1xf32>
      %eq3A_914 = vector.broadcast %broadcast_in_dim3A_913 : vector<16x1xf32> to vector<16x2048xf32>
      %eq3A_915 = arith.cmpf oeq, %select_n3A_910, %eq3A_914 : vector<16x2048xf32>
      %jit3A_916 = arith.constant 2048 : i32
      %broadcast_in_dim3A_917 = vector.broadcast %jit3A_916 : i32 to vector<16x2048xi32>
      %select_n3A_918 = arith.select %eq3A_915, %iota3A_152, %broadcast_in_dim3A_917 : vector<16x2048xi1>, vector<16x2048xi32>
      %reduce_min3A_919 = arith.constant dense<2147483647> : vector<16xi32>
      %reduce_min3A_920 = vector.multi_reduction <minsi>, %select_n3A_918, %reduce_min3A_919 [1] : vector<16x2048xi32> to vector<16xi32>
      %broadcast_in_dim3A_921 = vector.shape_cast %reduce_min3A_920 : vector<16xi32> to vector<16x1xi32>
      %eq3A_922 = arith.constant 25 : i32
      %eq3A_923 = vector.broadcast %eq3A_922 : i32 to vector<16x64xi32>
      %eq3A_924 = arith.cmpi eq, %iota3A_153, %eq3A_923 : vector<16x64xi32>
      %broadcast_in_dim3A_925 = vector.shape_cast %broadcast_in_dim3A_921 : vector<16x1xi32> to vector<16x1xi32>
      %broadcast_in_dim3A_926 = vector.broadcast %broadcast_in_dim3A_925 : vector<16x1xi32> to vector<16x64xi32>
      %select_n3A_927 = arith.select %eq3A_924, %broadcast_in_dim3A_926, %select_n3A_897 : vector<16x64xi1>, vector<16x64xi32>
      %eq3A_928 = arith.constant 25 : i32
      %eq3A_929 = vector.broadcast %eq3A_928 : i32 to vector<16x64xi32>
      %eq3A_930 = arith.cmpi eq, %iota3A_153, %eq3A_929 : vector<16x64xi32>
      %sub3A_931 = arith.subf %broadcast_in_dim3A_913, %broadcast_in_dim3A_147 : vector<16x1xf32>
      %exp3A_932 = math.exp %sub3A_931 : vector<16x1xf32>
      %broadcast_in_dim3A_933 = vector.shape_cast %exp3A_932 : vector<16x1xf32> to vector<16x1xf32>
      %broadcast_in_dim3A_934 = vector.broadcast %broadcast_in_dim3A_933 : vector<16x1xf32> to vector<16x64xf32>
      %select_n3A_935 = arith.select %eq3A_930, %broadcast_in_dim3A_934, %select_n3A_905 : vector<16x64xi1>, vector<16x64xf32>
      %eq3A_936 = vector.broadcast %broadcast_in_dim3A_921 : vector<16x1xi32> to vector<16x2048xi32>
      %eq3A_937 = arith.cmpi eq, %iota3A_152, %eq3A_936 : vector<16x2048xi32>
      %jit3A_938 = arith.constant 0xFF800000 : f32
      %broadcast_in_dim3A_939 = vector.broadcast %jit3A_938 : f32 to vector<16x2048xf32>
      %select_n3A_940 = arith.select %eq3A_937, %broadcast_in_dim3A_939, %select_n3A_910 : vector<16x2048xi1>, vector<16x2048xf32>
      %reduce_max3A_941 = arith.constant dense<0xFF800000> : vector<16xf32>
      %reduce_max3A_942 = vector.multi_reduction <maximumf>, %select_n3A_940, %reduce_max3A_941 [1] : vector<16x2048xf32> to vector<16xf32>
      %broadcast_in_dim3A_943 = vector.shape_cast %reduce_max3A_942 : vector<16xf32> to vector<16x1xf32>
      %eq3A_944 = vector.broadcast %broadcast_in_dim3A_943 : vector<16x1xf32> to vector<16x2048xf32>
      %eq3A_945 = arith.cmpf oeq, %select_n3A_940, %eq3A_944 : vector<16x2048xf32>
      %jit3A_946 = arith.constant 2048 : i32
      %broadcast_in_dim3A_947 = vector.broadcast %jit3A_946 : i32 to vector<16x2048xi32>
      %select_n3A_948 = arith.select %eq3A_945, %iota3A_152, %broadcast_in_dim3A_947 : vector<16x2048xi1>, vector<16x2048xi32>
      %reduce_min3A_949 = arith.constant dense<2147483647> : vector<16xi32>
      %reduce_min3A_950 = vector.multi_reduction <minsi>, %select_n3A_948, %reduce_min3A_949 [1] : vector<16x2048xi32> to vector<16xi32>
      %broadcast_in_dim3A_951 = vector.shape_cast %reduce_min3A_950 : vector<16xi32> to vector<16x1xi32>
      %eq3A_952 = arith.constant 26 : i32
      %eq3A_953 = vector.broadcast %eq3A_952 : i32 to vector<16x64xi32>
      %eq3A_954 = arith.cmpi eq, %iota3A_153, %eq3A_953 : vector<16x64xi32>
      %broadcast_in_dim3A_955 = vector.shape_cast %broadcast_in_dim3A_951 : vector<16x1xi32> to vector<16x1xi32>
      %broadcast_in_dim3A_956 = vector.broadcast %broadcast_in_dim3A_955 : vector<16x1xi32> to vector<16x64xi32>
      %select_n3A_957 = arith.select %eq3A_954, %broadcast_in_dim3A_956, %select_n3A_927 : vector<16x64xi1>, vector<16x64xi32>
      %eq3A_958 = arith.constant 26 : i32
      %eq3A_959 = vector.broadcast %eq3A_958 : i32 to vector<16x64xi32>
      %eq3A_960 = arith.cmpi eq, %iota3A_153, %eq3A_959 : vector<16x64xi32>
      %sub3A_961 = arith.subf %broadcast_in_dim3A_943, %broadcast_in_dim3A_147 : vector<16x1xf32>
      %exp3A_962 = math.exp %sub3A_961 : vector<16x1xf32>
      %broadcast_in_dim3A_963 = vector.shape_cast %exp3A_962 : vector<16x1xf32> to vector<16x1xf32>
      %broadcast_in_dim3A_964 = vector.broadcast %broadcast_in_dim3A_963 : vector<16x1xf32> to vector<16x64xf32>
      %select_n3A_965 = arith.select %eq3A_960, %broadcast_in_dim3A_964, %select_n3A_935 : vector<16x64xi1>, vector<16x64xf32>
      %eq3A_966 = vector.broadcast %broadcast_in_dim3A_951 : vector<16x1xi32> to vector<16x2048xi32>
      %eq3A_967 = arith.cmpi eq, %iota3A_152, %eq3A_966 : vector<16x2048xi32>
      %jit3A_968 = arith.constant 0xFF800000 : f32
      %broadcast_in_dim3A_969 = vector.broadcast %jit3A_968 : f32 to vector<16x2048xf32>
      %select_n3A_970 = arith.select %eq3A_967, %broadcast_in_dim3A_969, %select_n3A_940 : vector<16x2048xi1>, vector<16x2048xf32>
      %reduce_max3A_971 = arith.constant dense<0xFF800000> : vector<16xf32>
      %reduce_max3A_972 = vector.multi_reduction <maximumf>, %select_n3A_970, %reduce_max3A_971 [1] : vector<16x2048xf32> to vector<16xf32>
      %broadcast_in_dim3A_973 = vector.shape_cast %reduce_max3A_972 : vector<16xf32> to vector<16x1xf32>
      %eq3A_974 = vector.broadcast %broadcast_in_dim3A_973 : vector<16x1xf32> to vector<16x2048xf32>
      %eq3A_975 = arith.cmpf oeq, %select_n3A_970, %eq3A_974 : vector<16x2048xf32>
      %jit3A_976 = arith.constant 2048 : i32
      %broadcast_in_dim3A_977 = vector.broadcast %jit3A_976 : i32 to vector<16x2048xi32>
      %select_n3A_978 = arith.select %eq3A_975, %iota3A_152, %broadcast_in_dim3A_977 : vector<16x2048xi1>, vector<16x2048xi32>
      %reduce_min3A_979 = arith.constant dense<2147483647> : vector<16xi32>
      %reduce_min3A_980 = vector.multi_reduction <minsi>, %select_n3A_978, %reduce_min3A_979 [1] : vector<16x2048xi32> to vector<16xi32>
      %broadcast_in_dim3A_981 = vector.shape_cast %reduce_min3A_980 : vector<16xi32> to vector<16x1xi32>
      %eq3A_982 = arith.constant 27 : i32
      %eq3A_983 = vector.broadcast %eq3A_982 : i32 to vector<16x64xi32>
      %eq3A_984 = arith.cmpi eq, %iota3A_153, %eq3A_983 : vector<16x64xi32>
      %broadcast_in_dim3A_985 = vector.shape_cast %broadcast_in_dim3A_981 : vector<16x1xi32> to vector<16x1xi32>
      %broadcast_in_dim3A_986 = vector.broadcast %broadcast_in_dim3A_985 : vector<16x1xi32> to vector<16x64xi32>
      %select_n3A_987 = arith.select %eq3A_984, %broadcast_in_dim3A_986, %select_n3A_957 : vector<16x64xi1>, vector<16x64xi32>
      %eq3A_988 = arith.constant 27 : i32
      %eq3A_989 = vector.broadcast %eq3A_988 : i32 to vector<16x64xi32>
      %eq3A_990 = arith.cmpi eq, %iota3A_153, %eq3A_989 : vector<16x64xi32>
      %sub3A_991 = arith.subf %broadcast_in_dim3A_973, %broadcast_in_dim3A_147 : vector<16x1xf32>
      %exp3A_992 = math.exp %sub3A_991 : vector<16x1xf32>
      %broadcast_in_dim3A_993 = vector.shape_cast %exp3A_992 : vector<16x1xf32> to vector<16x1xf32>
      %broadcast_in_dim3A_994 = vector.broadcast %broadcast_in_dim3A_993 : vector<16x1xf32> to vector<16x64xf32>
      %select_n3A_995 = arith.select %eq3A_990, %broadcast_in_dim3A_994, %select_n3A_965 : vector<16x64xi1>, vector<16x64xf32>
      %eq3A_996 = vector.broadcast %broadcast_in_dim3A_981 : vector<16x1xi32> to vector<16x2048xi32>
      %eq3A_997 = arith.cmpi eq, %iota3A_152, %eq3A_996 : vector<16x2048xi32>
      %jit3A_998 = arith.constant 0xFF800000 : f32
      %broadcast_in_dim3A_999 = vector.broadcast %jit3A_998 : f32 to vector<16x2048xf32>
      %select_n3A_1000 = arith.select %eq3A_997, %broadcast_in_dim3A_999, %select_n3A_970 : vector<16x2048xi1>, vector<16x2048xf32>
      %reduce_max3A_1001 = arith.constant dense<0xFF800000> : vector<16xf32>
      %reduce_max3A_1002 = vector.multi_reduction <maximumf>, %select_n3A_1000, %reduce_max3A_1001 [1] : vector<16x2048xf32> to vector<16xf32>
      %broadcast_in_dim3A_1003 = vector.shape_cast %reduce_max3A_1002 : vector<16xf32> to vector<16x1xf32>
      %eq3A_1004 = vector.broadcast %broadcast_in_dim3A_1003 : vector<16x1xf32> to vector<16x2048xf32>
      %eq3A_1005 = arith.cmpf oeq, %select_n3A_1000, %eq3A_1004 : vector<16x2048xf32>
      %jit3A_1006 = arith.constant 2048 : i32
      %broadcast_in_dim3A_1007 = vector.broadcast %jit3A_1006 : i32 to vector<16x2048xi32>
      %select_n3A_1008 = arith.select %eq3A_1005, %iota3A_152, %broadcast_in_dim3A_1007 : vector<16x2048xi1>, vector<16x2048xi32>
      %reduce_min3A_1009 = arith.constant dense<2147483647> : vector<16xi32>
      %reduce_min3A_1010 = vector.multi_reduction <minsi>, %select_n3A_1008, %reduce_min3A_1009 [1] : vector<16x2048xi32> to vector<16xi32>
      %broadcast_in_dim3A_1011 = vector.shape_cast %reduce_min3A_1010 : vector<16xi32> to vector<16x1xi32>
      %eq3A_1012 = arith.constant 28 : i32
      %eq3A_1013 = vector.broadcast %eq3A_1012 : i32 to vector<16x64xi32>
      %eq3A_1014 = arith.cmpi eq, %iota3A_153, %eq3A_1013 : vector<16x64xi32>
      %broadcast_in_dim3A_1015 = vector.shape_cast %broadcast_in_dim3A_1011 : vector<16x1xi32> to vector<16x1xi32>
      %broadcast_in_dim3A_1016 = vector.broadcast %broadcast_in_dim3A_1015 : vector<16x1xi32> to vector<16x64xi32>
      %select_n3A_1017 = arith.select %eq3A_1014, %broadcast_in_dim3A_1016, %select_n3A_987 : vector<16x64xi1>, vector<16x64xi32>
      %eq3A_1018 = arith.constant 28 : i32
      %eq3A_1019 = vector.broadcast %eq3A_1018 : i32 to vector<16x64xi32>
      %eq3A_1020 = arith.cmpi eq, %iota3A_153, %eq3A_1019 : vector<16x64xi32>
      %sub3A_1021 = arith.subf %broadcast_in_dim3A_1003, %broadcast_in_dim3A_147 : vector<16x1xf32>
      %exp3A_1022 = math.exp %sub3A_1021 : vector<16x1xf32>
      %broadcast_in_dim3A_1023 = vector.shape_cast %exp3A_1022 : vector<16x1xf32> to vector<16x1xf32>
      %broadcast_in_dim3A_1024 = vector.broadcast %broadcast_in_dim3A_1023 : vector<16x1xf32> to vector<16x64xf32>
      %select_n3A_1025 = arith.select %eq3A_1020, %broadcast_in_dim3A_1024, %select_n3A_995 : vector<16x64xi1>, vector<16x64xf32>
      %eq3A_1026 = vector.broadcast %broadcast_in_dim3A_1011 : vector<16x1xi32> to vector<16x2048xi32>
      %eq3A_1027 = arith.cmpi eq, %iota3A_152, %eq3A_1026 : vector<16x2048xi32>
      %jit3A_1028 = arith.constant 0xFF800000 : f32
      %broadcast_in_dim3A_1029 = vector.broadcast %jit3A_1028 : f32 to vector<16x2048xf32>
      %select_n3A_1030 = arith.select %eq3A_1027, %broadcast_in_dim3A_1029, %select_n3A_1000 : vector<16x2048xi1>, vector<16x2048xf32>
      %reduce_max3A_1031 = arith.constant dense<0xFF800000> : vector<16xf32>
      %reduce_max3A_1032 = vector.multi_reduction <maximumf>, %select_n3A_1030, %reduce_max3A_1031 [1] : vector<16x2048xf32> to vector<16xf32>
      %broadcast_in_dim3A_1033 = vector.shape_cast %reduce_max3A_1032 : vector<16xf32> to vector<16x1xf32>
      %eq3A_1034 = vector.broadcast %broadcast_in_dim3A_1033 : vector<16x1xf32> to vector<16x2048xf32>
      %eq3A_1035 = arith.cmpf oeq, %select_n3A_1030, %eq3A_1034 : vector<16x2048xf32>
      %jit3A_1036 = arith.constant 2048 : i32
      %broadcast_in_dim3A_1037 = vector.broadcast %jit3A_1036 : i32 to vector<16x2048xi32>
      %select_n3A_1038 = arith.select %eq3A_1035, %iota3A_152, %broadcast_in_dim3A_1037 : vector<16x2048xi1>, vector<16x2048xi32>
      %reduce_min3A_1039 = arith.constant dense<2147483647> : vector<16xi32>
      %reduce_min3A_1040 = vector.multi_reduction <minsi>, %select_n3A_1038, %reduce_min3A_1039 [1] : vector<16x2048xi32> to vector<16xi32>
      %broadcast_in_dim3A_1041 = vector.shape_cast %reduce_min3A_1040 : vector<16xi32> to vector<16x1xi32>
      %eq3A_1042 = arith.constant 29 : i32
      %eq3A_1043 = vector.broadcast %eq3A_1042 : i32 to vector<16x64xi32>
      %eq3A_1044 = arith.cmpi eq, %iota3A_153, %eq3A_1043 : vector<16x64xi32>
      %broadcast_in_dim3A_1045 = vector.shape_cast %broadcast_in_dim3A_1041 : vector<16x1xi32> to vector<16x1xi32>
      %broadcast_in_dim3A_1046 = vector.broadcast %broadcast_in_dim3A_1045 : vector<16x1xi32> to vector<16x64xi32>
      %select_n3A_1047 = arith.select %eq3A_1044, %broadcast_in_dim3A_1046, %select_n3A_1017 : vector<16x64xi1>, vector<16x64xi32>
      %eq3A_1048 = arith.constant 29 : i32
      %eq3A_1049 = vector.broadcast %eq3A_1048 : i32 to vector<16x64xi32>
      %eq3A_1050 = arith.cmpi eq, %iota3A_153, %eq3A_1049 : vector<16x64xi32>
      %sub3A_1051 = arith.subf %broadcast_in_dim3A_1033, %broadcast_in_dim3A_147 : vector<16x1xf32>
      %exp3A_1052 = math.exp %sub3A_1051 : vector<16x1xf32>
      %broadcast_in_dim3A_1053 = vector.shape_cast %exp3A_1052 : vector<16x1xf32> to vector<16x1xf32>
      %broadcast_in_dim3A_1054 = vector.broadcast %broadcast_in_dim3A_1053 : vector<16x1xf32> to vector<16x64xf32>
      %select_n3A_1055 = arith.select %eq3A_1050, %broadcast_in_dim3A_1054, %select_n3A_1025 : vector<16x64xi1>, vector<16x64xf32>
      %eq3A_1056 = vector.broadcast %broadcast_in_dim3A_1041 : vector<16x1xi32> to vector<16x2048xi32>
      %eq3A_1057 = arith.cmpi eq, %iota3A_152, %eq3A_1056 : vector<16x2048xi32>
      %jit3A_1058 = arith.constant 0xFF800000 : f32
      %broadcast_in_dim3A_1059 = vector.broadcast %jit3A_1058 : f32 to vector<16x2048xf32>
      %select_n3A_1060 = arith.select %eq3A_1057, %broadcast_in_dim3A_1059, %select_n3A_1030 : vector<16x2048xi1>, vector<16x2048xf32>
      %reduce_max3A_1061 = arith.constant dense<0xFF800000> : vector<16xf32>
      %reduce_max3A_1062 = vector.multi_reduction <maximumf>, %select_n3A_1060, %reduce_max3A_1061 [1] : vector<16x2048xf32> to vector<16xf32>
      %broadcast_in_dim3A_1063 = vector.shape_cast %reduce_max3A_1062 : vector<16xf32> to vector<16x1xf32>
      %eq3A_1064 = vector.broadcast %broadcast_in_dim3A_1063 : vector<16x1xf32> to vector<16x2048xf32>
      %eq3A_1065 = arith.cmpf oeq, %select_n3A_1060, %eq3A_1064 : vector<16x2048xf32>
      %jit3A_1066 = arith.constant 2048 : i32
      %broadcast_in_dim3A_1067 = vector.broadcast %jit3A_1066 : i32 to vector<16x2048xi32>
      %select_n3A_1068 = arith.select %eq3A_1065, %iota3A_152, %broadcast_in_dim3A_1067 : vector<16x2048xi1>, vector<16x2048xi32>
      %reduce_min3A_1069 = arith.constant dense<2147483647> : vector<16xi32>
      %reduce_min3A_1070 = vector.multi_reduction <minsi>, %select_n3A_1068, %reduce_min3A_1069 [1] : vector<16x2048xi32> to vector<16xi32>
      %broadcast_in_dim3A_1071 = vector.shape_cast %reduce_min3A_1070 : vector<16xi32> to vector<16x1xi32>
      %eq3A_1072 = arith.constant 30 : i32
      %eq3A_1073 = vector.broadcast %eq3A_1072 : i32 to vector<16x64xi32>
      %eq3A_1074 = arith.cmpi eq, %iota3A_153, %eq3A_1073 : vector<16x64xi32>
      %broadcast_in_dim3A_1075 = vector.shape_cast %broadcast_in_dim3A_1071 : vector<16x1xi32> to vector<16x1xi32>
      %broadcast_in_dim3A_1076 = vector.broadcast %broadcast_in_dim3A_1075 : vector<16x1xi32> to vector<16x64xi32>
      %select_n3A_1077 = arith.select %eq3A_1074, %broadcast_in_dim3A_1076, %select_n3A_1047 : vector<16x64xi1>, vector<16x64xi32>
      %eq3A_1078 = arith.constant 30 : i32
      %eq3A_1079 = vector.broadcast %eq3A_1078 : i32 to vector<16x64xi32>
      %eq3A_1080 = arith.cmpi eq, %iota3A_153, %eq3A_1079 : vector<16x64xi32>
      %sub3A_1081 = arith.subf %broadcast_in_dim3A_1063, %broadcast_in_dim3A_147 : vector<16x1xf32>
      %exp3A_1082 = math.exp %sub3A_1081 : vector<16x1xf32>
      %broadcast_in_dim3A_1083 = vector.shape_cast %exp3A_1082 : vector<16x1xf32> to vector<16x1xf32>
      %broadcast_in_dim3A_1084 = vector.broadcast %broadcast_in_dim3A_1083 : vector<16x1xf32> to vector<16x64xf32>
      %select_n3A_1085 = arith.select %eq3A_1080, %broadcast_in_dim3A_1084, %select_n3A_1055 : vector<16x64xi1>, vector<16x64xf32>
      %eq3A_1086 = vector.broadcast %broadcast_in_dim3A_1071 : vector<16x1xi32> to vector<16x2048xi32>
      %eq3A_1087 = arith.cmpi eq, %iota3A_152, %eq3A_1086 : vector<16x2048xi32>
      %jit3A_1088 = arith.constant 0xFF800000 : f32
      %broadcast_in_dim3A_1089 = vector.broadcast %jit3A_1088 : f32 to vector<16x2048xf32>
      %select_n3A_1090 = arith.select %eq3A_1087, %broadcast_in_dim3A_1089, %select_n3A_1060 : vector<16x2048xi1>, vector<16x2048xf32>
      %reduce_max3A_1091 = arith.constant dense<0xFF800000> : vector<16xf32>
      %reduce_max3A_1092 = vector.multi_reduction <maximumf>, %select_n3A_1090, %reduce_max3A_1091 [1] : vector<16x2048xf32> to vector<16xf32>
      %broadcast_in_dim3A_1093 = vector.shape_cast %reduce_max3A_1092 : vector<16xf32> to vector<16x1xf32>
      %eq3A_1094 = vector.broadcast %broadcast_in_dim3A_1093 : vector<16x1xf32> to vector<16x2048xf32>
      %eq3A_1095 = arith.cmpf oeq, %select_n3A_1090, %eq3A_1094 : vector<16x2048xf32>
      %jit3A_1096 = arith.constant 2048 : i32
      %broadcast_in_dim3A_1097 = vector.broadcast %jit3A_1096 : i32 to vector<16x2048xi32>
      %select_n3A_1098 = arith.select %eq3A_1095, %iota3A_152, %broadcast_in_dim3A_1097 : vector<16x2048xi1>, vector<16x2048xi32>
      %reduce_min3A_1099 = arith.constant dense<2147483647> : vector<16xi32>
      %reduce_min3A_1100 = vector.multi_reduction <minsi>, %select_n3A_1098, %reduce_min3A_1099 [1] : vector<16x2048xi32> to vector<16xi32>
      %broadcast_in_dim3A_1101 = vector.shape_cast %reduce_min3A_1100 : vector<16xi32> to vector<16x1xi32>
      %eq3A_1102 = arith.constant 31 : i32
      %eq3A_1103 = vector.broadcast %eq3A_1102 : i32 to vector<16x64xi32>
      %eq3A_1104 = arith.cmpi eq, %iota3A_153, %eq3A_1103 : vector<16x64xi32>
      %broadcast_in_dim3A_1105 = vector.shape_cast %broadcast_in_dim3A_1101 : vector<16x1xi32> to vector<16x1xi32>
      %broadcast_in_dim3A_1106 = vector.broadcast %broadcast_in_dim3A_1105 : vector<16x1xi32> to vector<16x64xi32>
      %select_n3A_1107 = arith.select %eq3A_1104, %broadcast_in_dim3A_1106, %select_n3A_1077 : vector<16x64xi1>, vector<16x64xi32>
      %eq3A_1108 = arith.constant 31 : i32
      %eq3A_1109 = vector.broadcast %eq3A_1108 : i32 to vector<16x64xi32>
      %eq3A_1110 = arith.cmpi eq, %iota3A_153, %eq3A_1109 : vector<16x64xi32>
      %sub3A_1111 = arith.subf %broadcast_in_dim3A_1093, %broadcast_in_dim3A_147 : vector<16x1xf32>
      %exp3A_1112 = math.exp %sub3A_1111 : vector<16x1xf32>
      %broadcast_in_dim3A_1113 = vector.shape_cast %exp3A_1112 : vector<16x1xf32> to vector<16x1xf32>
      %broadcast_in_dim3A_1114 = vector.broadcast %broadcast_in_dim3A_1113 : vector<16x1xf32> to vector<16x64xf32>
      %select_n3A_1115 = arith.select %eq3A_1110, %broadcast_in_dim3A_1114, %select_n3A_1085 : vector<16x64xi1>, vector<16x64xf32>
      %eq3A_1116 = vector.broadcast %broadcast_in_dim3A_1101 : vector<16x1xi32> to vector<16x2048xi32>
      %eq3A_1117 = arith.cmpi eq, %iota3A_152, %eq3A_1116 : vector<16x2048xi32>
      %jit3A_1118 = arith.constant 0xFF800000 : f32
      %broadcast_in_dim3A_1119 = vector.broadcast %jit3A_1118 : f32 to vector<16x2048xf32>
      %select_n3A_1120 = arith.select %eq3A_1117, %broadcast_in_dim3A_1119, %select_n3A_1090 : vector<16x2048xi1>, vector<16x2048xf32>
      %reduce_max3A_1121 = arith.constant dense<0xFF800000> : vector<16xf32>
      %reduce_max3A_1122 = vector.multi_reduction <maximumf>, %select_n3A_1120, %reduce_max3A_1121 [1] : vector<16x2048xf32> to vector<16xf32>
      %broadcast_in_dim3A_1123 = vector.shape_cast %reduce_max3A_1122 : vector<16xf32> to vector<16x1xf32>
      %eq3A_1124 = vector.broadcast %broadcast_in_dim3A_1123 : vector<16x1xf32> to vector<16x2048xf32>
      %eq3A_1125 = arith.cmpf oeq, %select_n3A_1120, %eq3A_1124 : vector<16x2048xf32>
      %jit3A_1126 = arith.constant 2048 : i32
      %broadcast_in_dim3A_1127 = vector.broadcast %jit3A_1126 : i32 to vector<16x2048xi32>
      %select_n3A_1128 = arith.select %eq3A_1125, %iota3A_152, %broadcast_in_dim3A_1127 : vector<16x2048xi1>, vector<16x2048xi32>
      %reduce_min3A_1129 = arith.constant dense<2147483647> : vector<16xi32>
      %reduce_min3A_1130 = vector.multi_reduction <minsi>, %select_n3A_1128, %reduce_min3A_1129 [1] : vector<16x2048xi32> to vector<16xi32>
      %broadcast_in_dim3A_1131 = vector.shape_cast %reduce_min3A_1130 : vector<16xi32> to vector<16x1xi32>
      %eq3A_1132 = arith.constant 32 : i32
      %eq3A_1133 = vector.broadcast %eq3A_1132 : i32 to vector<16x64xi32>
      %eq3A_1134 = arith.cmpi eq, %iota3A_153, %eq3A_1133 : vector<16x64xi32>
      %broadcast_in_dim3A_1135 = vector.shape_cast %broadcast_in_dim3A_1131 : vector<16x1xi32> to vector<16x1xi32>
      %broadcast_in_dim3A_1136 = vector.broadcast %broadcast_in_dim3A_1135 : vector<16x1xi32> to vector<16x64xi32>
      %select_n3A_1137 = arith.select %eq3A_1134, %broadcast_in_dim3A_1136, %select_n3A_1107 : vector<16x64xi1>, vector<16x64xi32>
      %eq3A_1138 = arith.constant 32 : i32
      %eq3A_1139 = vector.broadcast %eq3A_1138 : i32 to vector<16x64xi32>
      %eq3A_1140 = arith.cmpi eq, %iota3A_153, %eq3A_1139 : vector<16x64xi32>
      %sub3A_1141 = arith.subf %broadcast_in_dim3A_1123, %broadcast_in_dim3A_147 : vector<16x1xf32>
      %exp3A_1142 = math.exp %sub3A_1141 : vector<16x1xf32>
      %broadcast_in_dim3A_1143 = vector.shape_cast %exp3A_1142 : vector<16x1xf32> to vector<16x1xf32>
      %broadcast_in_dim3A_1144 = vector.broadcast %broadcast_in_dim3A_1143 : vector<16x1xf32> to vector<16x64xf32>
      %select_n3A_1145 = arith.select %eq3A_1140, %broadcast_in_dim3A_1144, %select_n3A_1115 : vector<16x64xi1>, vector<16x64xf32>
      %eq3A_1146 = vector.broadcast %broadcast_in_dim3A_1131 : vector<16x1xi32> to vector<16x2048xi32>
      %eq3A_1147 = arith.cmpi eq, %iota3A_152, %eq3A_1146 : vector<16x2048xi32>
      %jit3A_1148 = arith.constant 0xFF800000 : f32
      %broadcast_in_dim3A_1149 = vector.broadcast %jit3A_1148 : f32 to vector<16x2048xf32>
      %select_n3A_1150 = arith.select %eq3A_1147, %broadcast_in_dim3A_1149, %select_n3A_1120 : vector<16x2048xi1>, vector<16x2048xf32>
      %reduce_max3A_1151 = arith.constant dense<0xFF800000> : vector<16xf32>
      %reduce_max3A_1152 = vector.multi_reduction <maximumf>, %select_n3A_1150, %reduce_max3A_1151 [1] : vector<16x2048xf32> to vector<16xf32>
      %broadcast_in_dim3A_1153 = vector.shape_cast %reduce_max3A_1152 : vector<16xf32> to vector<16x1xf32>
      %eq3A_1154 = vector.broadcast %broadcast_in_dim3A_1153 : vector<16x1xf32> to vector<16x2048xf32>
      %eq3A_1155 = arith.cmpf oeq, %select_n3A_1150, %eq3A_1154 : vector<16x2048xf32>
      %jit3A_1156 = arith.constant 2048 : i32
      %broadcast_in_dim3A_1157 = vector.broadcast %jit3A_1156 : i32 to vector<16x2048xi32>
      %select_n3A_1158 = arith.select %eq3A_1155, %iota3A_152, %broadcast_in_dim3A_1157 : vector<16x2048xi1>, vector<16x2048xi32>
      %reduce_min3A_1159 = arith.constant dense<2147483647> : vector<16xi32>
      %reduce_min3A_1160 = vector.multi_reduction <minsi>, %select_n3A_1158, %reduce_min3A_1159 [1] : vector<16x2048xi32> to vector<16xi32>
      %broadcast_in_dim3A_1161 = vector.shape_cast %reduce_min3A_1160 : vector<16xi32> to vector<16x1xi32>
      %eq3A_1162 = arith.constant 33 : i32
      %eq3A_1163 = vector.broadcast %eq3A_1162 : i32 to vector<16x64xi32>
      %eq3A_1164 = arith.cmpi eq, %iota3A_153, %eq3A_1163 : vector<16x64xi32>
      %broadcast_in_dim3A_1165 = vector.shape_cast %broadcast_in_dim3A_1161 : vector<16x1xi32> to vector<16x1xi32>
      %broadcast_in_dim3A_1166 = vector.broadcast %broadcast_in_dim3A_1165 : vector<16x1xi32> to vector<16x64xi32>
      %select_n3A_1167 = arith.select %eq3A_1164, %broadcast_in_dim3A_1166, %select_n3A_1137 : vector<16x64xi1>, vector<16x64xi32>
      %eq3A_1168 = arith.constant 33 : i32
      %eq3A_1169 = vector.broadcast %eq3A_1168 : i32 to vector<16x64xi32>
      %eq3A_1170 = arith.cmpi eq, %iota3A_153, %eq3A_1169 : vector<16x64xi32>
      %sub3A_1171 = arith.subf %broadcast_in_dim3A_1153, %broadcast_in_dim3A_147 : vector<16x1xf32>
      %exp3A_1172 = math.exp %sub3A_1171 : vector<16x1xf32>
      %broadcast_in_dim3A_1173 = vector.shape_cast %exp3A_1172 : vector<16x1xf32> to vector<16x1xf32>
      %broadcast_in_dim3A_1174 = vector.broadcast %broadcast_in_dim3A_1173 : vector<16x1xf32> to vector<16x64xf32>
      %select_n3A_1175 = arith.select %eq3A_1170, %broadcast_in_dim3A_1174, %select_n3A_1145 : vector<16x64xi1>, vector<16x64xf32>
      %eq3A_1176 = vector.broadcast %broadcast_in_dim3A_1161 : vector<16x1xi32> to vector<16x2048xi32>
      %eq3A_1177 = arith.cmpi eq, %iota3A_152, %eq3A_1176 : vector<16x2048xi32>
      %jit3A_1178 = arith.constant 0xFF800000 : f32
      %broadcast_in_dim3A_1179 = vector.broadcast %jit3A_1178 : f32 to vector<16x2048xf32>
      %select_n3A_1180 = arith.select %eq3A_1177, %broadcast_in_dim3A_1179, %select_n3A_1150 : vector<16x2048xi1>, vector<16x2048xf32>
      %reduce_max3A_1181 = arith.constant dense<0xFF800000> : vector<16xf32>
      %reduce_max3A_1182 = vector.multi_reduction <maximumf>, %select_n3A_1180, %reduce_max3A_1181 [1] : vector<16x2048xf32> to vector<16xf32>
      %broadcast_in_dim3A_1183 = vector.shape_cast %reduce_max3A_1182 : vector<16xf32> to vector<16x1xf32>
      %eq3A_1184 = vector.broadcast %broadcast_in_dim3A_1183 : vector<16x1xf32> to vector<16x2048xf32>
      %eq3A_1185 = arith.cmpf oeq, %select_n3A_1180, %eq3A_1184 : vector<16x2048xf32>
      %jit3A_1186 = arith.constant 2048 : i32
      %broadcast_in_dim3A_1187 = vector.broadcast %jit3A_1186 : i32 to vector<16x2048xi32>
      %select_n3A_1188 = arith.select %eq3A_1185, %iota3A_152, %broadcast_in_dim3A_1187 : vector<16x2048xi1>, vector<16x2048xi32>
      %reduce_min3A_1189 = arith.constant dense<2147483647> : vector<16xi32>
      %reduce_min3A_1190 = vector.multi_reduction <minsi>, %select_n3A_1188, %reduce_min3A_1189 [1] : vector<16x2048xi32> to vector<16xi32>
      %broadcast_in_dim3A_1191 = vector.shape_cast %reduce_min3A_1190 : vector<16xi32> to vector<16x1xi32>
      %eq3A_1192 = arith.constant 34 : i32
      %eq3A_1193 = vector.broadcast %eq3A_1192 : i32 to vector<16x64xi32>
      %eq3A_1194 = arith.cmpi eq, %iota3A_153, %eq3A_1193 : vector<16x64xi32>
      %broadcast_in_dim3A_1195 = vector.shape_cast %broadcast_in_dim3A_1191 : vector<16x1xi32> to vector<16x1xi32>
      %broadcast_in_dim3A_1196 = vector.broadcast %broadcast_in_dim3A_1195 : vector<16x1xi32> to vector<16x64xi32>
      %select_n3A_1197 = arith.select %eq3A_1194, %broadcast_in_dim3A_1196, %select_n3A_1167 : vector<16x64xi1>, vector<16x64xi32>
      %eq3A_1198 = arith.constant 34 : i32
      %eq3A_1199 = vector.broadcast %eq3A_1198 : i32 to vector<16x64xi32>
      %eq3A_1200 = arith.cmpi eq, %iota3A_153, %eq3A_1199 : vector<16x64xi32>
      %sub3A_1201 = arith.subf %broadcast_in_dim3A_1183, %broadcast_in_dim3A_147 : vector<16x1xf32>
      %exp3A_1202 = math.exp %sub3A_1201 : vector<16x1xf32>
      %broadcast_in_dim3A_1203 = vector.shape_cast %exp3A_1202 : vector<16x1xf32> to vector<16x1xf32>
      %broadcast_in_dim3A_1204 = vector.broadcast %broadcast_in_dim3A_1203 : vector<16x1xf32> to vector<16x64xf32>
      %select_n3A_1205 = arith.select %eq3A_1200, %broadcast_in_dim3A_1204, %select_n3A_1175 : vector<16x64xi1>, vector<16x64xf32>
      %eq3A_1206 = vector.broadcast %broadcast_in_dim3A_1191 : vector<16x1xi32> to vector<16x2048xi32>
      %eq3A_1207 = arith.cmpi eq, %iota3A_152, %eq3A_1206 : vector<16x2048xi32>
      %jit3A_1208 = arith.constant 0xFF800000 : f32
      %broadcast_in_dim3A_1209 = vector.broadcast %jit3A_1208 : f32 to vector<16x2048xf32>
      %select_n3A_1210 = arith.select %eq3A_1207, %broadcast_in_dim3A_1209, %select_n3A_1180 : vector<16x2048xi1>, vector<16x2048xf32>
      %reduce_max3A_1211 = arith.constant dense<0xFF800000> : vector<16xf32>
      %reduce_max3A_1212 = vector.multi_reduction <maximumf>, %select_n3A_1210, %reduce_max3A_1211 [1] : vector<16x2048xf32> to vector<16xf32>
      %broadcast_in_dim3A_1213 = vector.shape_cast %reduce_max3A_1212 : vector<16xf32> to vector<16x1xf32>
      %eq3A_1214 = vector.broadcast %broadcast_in_dim3A_1213 : vector<16x1xf32> to vector<16x2048xf32>
      %eq3A_1215 = arith.cmpf oeq, %select_n3A_1210, %eq3A_1214 : vector<16x2048xf32>
      %jit3A_1216 = arith.constant 2048 : i32
      %broadcast_in_dim3A_1217 = vector.broadcast %jit3A_1216 : i32 to vector<16x2048xi32>
      %select_n3A_1218 = arith.select %eq3A_1215, %iota3A_152, %broadcast_in_dim3A_1217 : vector<16x2048xi1>, vector<16x2048xi32>
      %reduce_min3A_1219 = arith.constant dense<2147483647> : vector<16xi32>
      %reduce_min3A_1220 = vector.multi_reduction <minsi>, %select_n3A_1218, %reduce_min3A_1219 [1] : vector<16x2048xi32> to vector<16xi32>
      %broadcast_in_dim3A_1221 = vector.shape_cast %reduce_min3A_1220 : vector<16xi32> to vector<16x1xi32>
      %eq3A_1222 = arith.constant 35 : i32
      %eq3A_1223 = vector.broadcast %eq3A_1222 : i32 to vector<16x64xi32>
      %eq3A_1224 = arith.cmpi eq, %iota3A_153, %eq3A_1223 : vector<16x64xi32>
      %broadcast_in_dim3A_1225 = vector.shape_cast %broadcast_in_dim3A_1221 : vector<16x1xi32> to vector<16x1xi32>
      %broadcast_in_dim3A_1226 = vector.broadcast %broadcast_in_dim3A_1225 : vector<16x1xi32> to vector<16x64xi32>
      %select_n3A_1227 = arith.select %eq3A_1224, %broadcast_in_dim3A_1226, %select_n3A_1197 : vector<16x64xi1>, vector<16x64xi32>
      %eq3A_1228 = arith.constant 35 : i32
      %eq3A_1229 = vector.broadcast %eq3A_1228 : i32 to vector<16x64xi32>
      %eq3A_1230 = arith.cmpi eq, %iota3A_153, %eq3A_1229 : vector<16x64xi32>
      %sub3A_1231 = arith.subf %broadcast_in_dim3A_1213, %broadcast_in_dim3A_147 : vector<16x1xf32>
      %exp3A_1232 = math.exp %sub3A_1231 : vector<16x1xf32>
      %broadcast_in_dim3A_1233 = vector.shape_cast %exp3A_1232 : vector<16x1xf32> to vector<16x1xf32>
      %broadcast_in_dim3A_1234 = vector.broadcast %broadcast_in_dim3A_1233 : vector<16x1xf32> to vector<16x64xf32>
      %select_n3A_1235 = arith.select %eq3A_1230, %broadcast_in_dim3A_1234, %select_n3A_1205 : vector<16x64xi1>, vector<16x64xf32>
      %eq3A_1236 = vector.broadcast %broadcast_in_dim3A_1221 : vector<16x1xi32> to vector<16x2048xi32>
      %eq3A_1237 = arith.cmpi eq, %iota3A_152, %eq3A_1236 : vector<16x2048xi32>
      %jit3A_1238 = arith.constant 0xFF800000 : f32
      %broadcast_in_dim3A_1239 = vector.broadcast %jit3A_1238 : f32 to vector<16x2048xf32>
      %select_n3A_1240 = arith.select %eq3A_1237, %broadcast_in_dim3A_1239, %select_n3A_1210 : vector<16x2048xi1>, vector<16x2048xf32>
      %reduce_max3A_1241 = arith.constant dense<0xFF800000> : vector<16xf32>
      %reduce_max3A_1242 = vector.multi_reduction <maximumf>, %select_n3A_1240, %reduce_max3A_1241 [1] : vector<16x2048xf32> to vector<16xf32>
      %broadcast_in_dim3A_1243 = vector.shape_cast %reduce_max3A_1242 : vector<16xf32> to vector<16x1xf32>
      %eq3A_1244 = vector.broadcast %broadcast_in_dim3A_1243 : vector<16x1xf32> to vector<16x2048xf32>
      %eq3A_1245 = arith.cmpf oeq, %select_n3A_1240, %eq3A_1244 : vector<16x2048xf32>
      %jit3A_1246 = arith.constant 2048 : i32
      %broadcast_in_dim3A_1247 = vector.broadcast %jit3A_1246 : i32 to vector<16x2048xi32>
      %select_n3A_1248 = arith.select %eq3A_1245, %iota3A_152, %broadcast_in_dim3A_1247 : vector<16x2048xi1>, vector<16x2048xi32>
      %reduce_min3A_1249 = arith.constant dense<2147483647> : vector<16xi32>
      %reduce_min3A_1250 = vector.multi_reduction <minsi>, %select_n3A_1248, %reduce_min3A_1249 [1] : vector<16x2048xi32> to vector<16xi32>
      %broadcast_in_dim3A_1251 = vector.shape_cast %reduce_min3A_1250 : vector<16xi32> to vector<16x1xi32>
      %eq3A_1252 = arith.constant 36 : i32
      %eq3A_1253 = vector.broadcast %eq3A_1252 : i32 to vector<16x64xi32>
      %eq3A_1254 = arith.cmpi eq, %iota3A_153, %eq3A_1253 : vector<16x64xi32>
      %broadcast_in_dim3A_1255 = vector.shape_cast %broadcast_in_dim3A_1251 : vector<16x1xi32> to vector<16x1xi32>
      %broadcast_in_dim3A_1256 = vector.broadcast %broadcast_in_dim3A_1255 : vector<16x1xi32> to vector<16x64xi32>
      %select_n3A_1257 = arith.select %eq3A_1254, %broadcast_in_dim3A_1256, %select_n3A_1227 : vector<16x64xi1>, vector<16x64xi32>
      %eq3A_1258 = arith.constant 36 : i32
      %eq3A_1259 = vector.broadcast %eq3A_1258 : i32 to vector<16x64xi32>
      %eq3A_1260 = arith.cmpi eq, %iota3A_153, %eq3A_1259 : vector<16x64xi32>
      %sub3A_1261 = arith.subf %broadcast_in_dim3A_1243, %broadcast_in_dim3A_147 : vector<16x1xf32>
      %exp3A_1262 = math.exp %sub3A_1261 : vector<16x1xf32>
      %broadcast_in_dim3A_1263 = vector.shape_cast %exp3A_1262 : vector<16x1xf32> to vector<16x1xf32>
      %broadcast_in_dim3A_1264 = vector.broadcast %broadcast_in_dim3A_1263 : vector<16x1xf32> to vector<16x64xf32>
      %select_n3A_1265 = arith.select %eq3A_1260, %broadcast_in_dim3A_1264, %select_n3A_1235 : vector<16x64xi1>, vector<16x64xf32>
      %eq3A_1266 = vector.broadcast %broadcast_in_dim3A_1251 : vector<16x1xi32> to vector<16x2048xi32>
      %eq3A_1267 = arith.cmpi eq, %iota3A_152, %eq3A_1266 : vector<16x2048xi32>
      %jit3A_1268 = arith.constant 0xFF800000 : f32
      %broadcast_in_dim3A_1269 = vector.broadcast %jit3A_1268 : f32 to vector<16x2048xf32>
      %select_n3A_1270 = arith.select %eq3A_1267, %broadcast_in_dim3A_1269, %select_n3A_1240 : vector<16x2048xi1>, vector<16x2048xf32>
      %reduce_max3A_1271 = arith.constant dense<0xFF800000> : vector<16xf32>
      %reduce_max3A_1272 = vector.multi_reduction <maximumf>, %select_n3A_1270, %reduce_max3A_1271 [1] : vector<16x2048xf32> to vector<16xf32>
      %broadcast_in_dim3A_1273 = vector.shape_cast %reduce_max3A_1272 : vector<16xf32> to vector<16x1xf32>
      %eq3A_1274 = vector.broadcast %broadcast_in_dim3A_1273 : vector<16x1xf32> to vector<16x2048xf32>
      %eq3A_1275 = arith.cmpf oeq, %select_n3A_1270, %eq3A_1274 : vector<16x2048xf32>
      %jit3A_1276 = arith.constant 2048 : i32
      %broadcast_in_dim3A_1277 = vector.broadcast %jit3A_1276 : i32 to vector<16x2048xi32>
      %select_n3A_1278 = arith.select %eq3A_1275, %iota3A_152, %broadcast_in_dim3A_1277 : vector<16x2048xi1>, vector<16x2048xi32>
      %reduce_min3A_1279 = arith.constant dense<2147483647> : vector<16xi32>
      %reduce_min3A_1280 = vector.multi_reduction <minsi>, %select_n3A_1278, %reduce_min3A_1279 [1] : vector<16x2048xi32> to vector<16xi32>
      %broadcast_in_dim3A_1281 = vector.shape_cast %reduce_min3A_1280 : vector<16xi32> to vector<16x1xi32>
      %eq3A_1282 = arith.constant 37 : i32
      %eq3A_1283 = vector.broadcast %eq3A_1282 : i32 to vector<16x64xi32>
      %eq3A_1284 = arith.cmpi eq, %iota3A_153, %eq3A_1283 : vector<16x64xi32>
      %broadcast_in_dim3A_1285 = vector.shape_cast %broadcast_in_dim3A_1281 : vector<16x1xi32> to vector<16x1xi32>
      %broadcast_in_dim3A_1286 = vector.broadcast %broadcast_in_dim3A_1285 : vector<16x1xi32> to vector<16x64xi32>
      %select_n3A_1287 = arith.select %eq3A_1284, %broadcast_in_dim3A_1286, %select_n3A_1257 : vector<16x64xi1>, vector<16x64xi32>
      %eq3A_1288 = arith.constant 37 : i32
      %eq3A_1289 = vector.broadcast %eq3A_1288 : i32 to vector<16x64xi32>
      %eq3A_1290 = arith.cmpi eq, %iota3A_153, %eq3A_1289 : vector<16x64xi32>
      %sub3A_1291 = arith.subf %broadcast_in_dim3A_1273, %broadcast_in_dim3A_147 : vector<16x1xf32>
      %exp3A_1292 = math.exp %sub3A_1291 : vector<16x1xf32>
      %broadcast_in_dim3A_1293 = vector.shape_cast %exp3A_1292 : vector<16x1xf32> to vector<16x1xf32>
      %broadcast_in_dim3A_1294 = vector.broadcast %broadcast_in_dim3A_1293 : vector<16x1xf32> to vector<16x64xf32>
      %select_n3A_1295 = arith.select %eq3A_1290, %broadcast_in_dim3A_1294, %select_n3A_1265 : vector<16x64xi1>, vector<16x64xf32>
      %eq3A_1296 = vector.broadcast %broadcast_in_dim3A_1281 : vector<16x1xi32> to vector<16x2048xi32>
      %eq3A_1297 = arith.cmpi eq, %iota3A_152, %eq3A_1296 : vector<16x2048xi32>
      %jit3A_1298 = arith.constant 0xFF800000 : f32
      %broadcast_in_dim3A_1299 = vector.broadcast %jit3A_1298 : f32 to vector<16x2048xf32>
      %select_n3A_1300 = arith.select %eq3A_1297, %broadcast_in_dim3A_1299, %select_n3A_1270 : vector<16x2048xi1>, vector<16x2048xf32>
      %reduce_max3A_1301 = arith.constant dense<0xFF800000> : vector<16xf32>
      %reduce_max3A_1302 = vector.multi_reduction <maximumf>, %select_n3A_1300, %reduce_max3A_1301 [1] : vector<16x2048xf32> to vector<16xf32>
      %broadcast_in_dim3A_1303 = vector.shape_cast %reduce_max3A_1302 : vector<16xf32> to vector<16x1xf32>
      %eq3A_1304 = vector.broadcast %broadcast_in_dim3A_1303 : vector<16x1xf32> to vector<16x2048xf32>
      %eq3A_1305 = arith.cmpf oeq, %select_n3A_1300, %eq3A_1304 : vector<16x2048xf32>
      %jit3A_1306 = arith.constant 2048 : i32
      %broadcast_in_dim3A_1307 = vector.broadcast %jit3A_1306 : i32 to vector<16x2048xi32>
      %select_n3A_1308 = arith.select %eq3A_1305, %iota3A_152, %broadcast_in_dim3A_1307 : vector<16x2048xi1>, vector<16x2048xi32>
      %reduce_min3A_1309 = arith.constant dense<2147483647> : vector<16xi32>
      %reduce_min3A_1310 = vector.multi_reduction <minsi>, %select_n3A_1308, %reduce_min3A_1309 [1] : vector<16x2048xi32> to vector<16xi32>
      %broadcast_in_dim3A_1311 = vector.shape_cast %reduce_min3A_1310 : vector<16xi32> to vector<16x1xi32>
      %eq3A_1312 = arith.constant 38 : i32
      %eq3A_1313 = vector.broadcast %eq3A_1312 : i32 to vector<16x64xi32>
      %eq3A_1314 = arith.cmpi eq, %iota3A_153, %eq3A_1313 : vector<16x64xi32>
      %broadcast_in_dim3A_1315 = vector.shape_cast %broadcast_in_dim3A_1311 : vector<16x1xi32> to vector<16x1xi32>
      %broadcast_in_dim3A_1316 = vector.broadcast %broadcast_in_dim3A_1315 : vector<16x1xi32> to vector<16x64xi32>
      %select_n3A_1317 = arith.select %eq3A_1314, %broadcast_in_dim3A_1316, %select_n3A_1287 : vector<16x64xi1>, vector<16x64xi32>
      %eq3A_1318 = arith.constant 38 : i32
      %eq3A_1319 = vector.broadcast %eq3A_1318 : i32 to vector<16x64xi32>
      %eq3A_1320 = arith.cmpi eq, %iota3A_153, %eq3A_1319 : vector<16x64xi32>
      %sub3A_1321 = arith.subf %broadcast_in_dim3A_1303, %broadcast_in_dim3A_147 : vector<16x1xf32>
      %exp3A_1322 = math.exp %sub3A_1321 : vector<16x1xf32>
      %broadcast_in_dim3A_1323 = vector.shape_cast %exp3A_1322 : vector<16x1xf32> to vector<16x1xf32>
      %broadcast_in_dim3A_1324 = vector.broadcast %broadcast_in_dim3A_1323 : vector<16x1xf32> to vector<16x64xf32>
      %select_n3A_1325 = arith.select %eq3A_1320, %broadcast_in_dim3A_1324, %select_n3A_1295 : vector<16x64xi1>, vector<16x64xf32>
      %eq3A_1326 = vector.broadcast %broadcast_in_dim3A_1311 : vector<16x1xi32> to vector<16x2048xi32>
      %eq3A_1327 = arith.cmpi eq, %iota3A_152, %eq3A_1326 : vector<16x2048xi32>
      %jit3A_1328 = arith.constant 0xFF800000 : f32
      %broadcast_in_dim3A_1329 = vector.broadcast %jit3A_1328 : f32 to vector<16x2048xf32>
      %select_n3A_1330 = arith.select %eq3A_1327, %broadcast_in_dim3A_1329, %select_n3A_1300 : vector<16x2048xi1>, vector<16x2048xf32>
      %reduce_max3A_1331 = arith.constant dense<0xFF800000> : vector<16xf32>
      %reduce_max3A_1332 = vector.multi_reduction <maximumf>, %select_n3A_1330, %reduce_max3A_1331 [1] : vector<16x2048xf32> to vector<16xf32>
      %broadcast_in_dim3A_1333 = vector.shape_cast %reduce_max3A_1332 : vector<16xf32> to vector<16x1xf32>
      %eq3A_1334 = vector.broadcast %broadcast_in_dim3A_1333 : vector<16x1xf32> to vector<16x2048xf32>
      %eq3A_1335 = arith.cmpf oeq, %select_n3A_1330, %eq3A_1334 : vector<16x2048xf32>
      %jit3A_1336 = arith.constant 2048 : i32
      %broadcast_in_dim3A_1337 = vector.broadcast %jit3A_1336 : i32 to vector<16x2048xi32>
      %select_n3A_1338 = arith.select %eq3A_1335, %iota3A_152, %broadcast_in_dim3A_1337 : vector<16x2048xi1>, vector<16x2048xi32>
      %reduce_min3A_1339 = arith.constant dense<2147483647> : vector<16xi32>
      %reduce_min3A_1340 = vector.multi_reduction <minsi>, %select_n3A_1338, %reduce_min3A_1339 [1] : vector<16x2048xi32> to vector<16xi32>
      %broadcast_in_dim3A_1341 = vector.shape_cast %reduce_min3A_1340 : vector<16xi32> to vector<16x1xi32>
      %eq3A_1342 = arith.constant 39 : i32
      %eq3A_1343 = vector.broadcast %eq3A_1342 : i32 to vector<16x64xi32>
      %eq3A_1344 = arith.cmpi eq, %iota3A_153, %eq3A_1343 : vector<16x64xi32>
      %broadcast_in_dim3A_1345 = vector.shape_cast %broadcast_in_dim3A_1341 : vector<16x1xi32> to vector<16x1xi32>
      %broadcast_in_dim3A_1346 = vector.broadcast %broadcast_in_dim3A_1345 : vector<16x1xi32> to vector<16x64xi32>
      %select_n3A_1347 = arith.select %eq3A_1344, %broadcast_in_dim3A_1346, %select_n3A_1317 : vector<16x64xi1>, vector<16x64xi32>
      %eq3A_1348 = arith.constant 39 : i32
      %eq3A_1349 = vector.broadcast %eq3A_1348 : i32 to vector<16x64xi32>
      %eq3A_1350 = arith.cmpi eq, %iota3A_153, %eq3A_1349 : vector<16x64xi32>
      %sub3A_1351 = arith.subf %broadcast_in_dim3A_1333, %broadcast_in_dim3A_147 : vector<16x1xf32>
      %exp3A_1352 = math.exp %sub3A_1351 : vector<16x1xf32>
      %broadcast_in_dim3A_1353 = vector.shape_cast %exp3A_1352 : vector<16x1xf32> to vector<16x1xf32>
      %broadcast_in_dim3A_1354 = vector.broadcast %broadcast_in_dim3A_1353 : vector<16x1xf32> to vector<16x64xf32>
      %select_n3A_1355 = arith.select %eq3A_1350, %broadcast_in_dim3A_1354, %select_n3A_1325 : vector<16x64xi1>, vector<16x64xf32>
      %eq3A_1356 = vector.broadcast %broadcast_in_dim3A_1341 : vector<16x1xi32> to vector<16x2048xi32>
      %eq3A_1357 = arith.cmpi eq, %iota3A_152, %eq3A_1356 : vector<16x2048xi32>
      %jit3A_1358 = arith.constant 0xFF800000 : f32
      %broadcast_in_dim3A_1359 = vector.broadcast %jit3A_1358 : f32 to vector<16x2048xf32>
      %select_n3A_1360 = arith.select %eq3A_1357, %broadcast_in_dim3A_1359, %select_n3A_1330 : vector<16x2048xi1>, vector<16x2048xf32>
      %reduce_max3A_1361 = arith.constant dense<0xFF800000> : vector<16xf32>
      %reduce_max3A_1362 = vector.multi_reduction <maximumf>, %select_n3A_1360, %reduce_max3A_1361 [1] : vector<16x2048xf32> to vector<16xf32>
      %broadcast_in_dim3A_1363 = vector.shape_cast %reduce_max3A_1362 : vector<16xf32> to vector<16x1xf32>
      %eq3A_1364 = vector.broadcast %broadcast_in_dim3A_1363 : vector<16x1xf32> to vector<16x2048xf32>
      %eq3A_1365 = arith.cmpf oeq, %select_n3A_1360, %eq3A_1364 : vector<16x2048xf32>
      %jit3A_1366 = arith.constant 2048 : i32
      %broadcast_in_dim3A_1367 = vector.broadcast %jit3A_1366 : i32 to vector<16x2048xi32>
      %select_n3A_1368 = arith.select %eq3A_1365, %iota3A_152, %broadcast_in_dim3A_1367 : vector<16x2048xi1>, vector<16x2048xi32>
      %reduce_min3A_1369 = arith.constant dense<2147483647> : vector<16xi32>
      %reduce_min3A_1370 = vector.multi_reduction <minsi>, %select_n3A_1368, %reduce_min3A_1369 [1] : vector<16x2048xi32> to vector<16xi32>
      %broadcast_in_dim3A_1371 = vector.shape_cast %reduce_min3A_1370 : vector<16xi32> to vector<16x1xi32>
      %eq3A_1372 = arith.constant 40 : i32
      %eq3A_1373 = vector.broadcast %eq3A_1372 : i32 to vector<16x64xi32>
      %eq3A_1374 = arith.cmpi eq, %iota3A_153, %eq3A_1373 : vector<16x64xi32>
      %broadcast_in_dim3A_1375 = vector.shape_cast %broadcast_in_dim3A_1371 : vector<16x1xi32> to vector<16x1xi32>
      %broadcast_in_dim3A_1376 = vector.broadcast %broadcast_in_dim3A_1375 : vector<16x1xi32> to vector<16x64xi32>
      %select_n3A_1377 = arith.select %eq3A_1374, %broadcast_in_dim3A_1376, %select_n3A_1347 : vector<16x64xi1>, vector<16x64xi32>
      %eq3A_1378 = arith.constant 40 : i32
      %eq3A_1379 = vector.broadcast %eq3A_1378 : i32 to vector<16x64xi32>
      %eq3A_1380 = arith.cmpi eq, %iota3A_153, %eq3A_1379 : vector<16x64xi32>
      %sub3A_1381 = arith.subf %broadcast_in_dim3A_1363, %broadcast_in_dim3A_147 : vector<16x1xf32>
      %exp3A_1382 = math.exp %sub3A_1381 : vector<16x1xf32>
      %broadcast_in_dim3A_1383 = vector.shape_cast %exp3A_1382 : vector<16x1xf32> to vector<16x1xf32>
      %broadcast_in_dim3A_1384 = vector.broadcast %broadcast_in_dim3A_1383 : vector<16x1xf32> to vector<16x64xf32>
      %select_n3A_1385 = arith.select %eq3A_1380, %broadcast_in_dim3A_1384, %select_n3A_1355 : vector<16x64xi1>, vector<16x64xf32>
      %eq3A_1386 = vector.broadcast %broadcast_in_dim3A_1371 : vector<16x1xi32> to vector<16x2048xi32>
      %eq3A_1387 = arith.cmpi eq, %iota3A_152, %eq3A_1386 : vector<16x2048xi32>
      %jit3A_1388 = arith.constant 0xFF800000 : f32
      %broadcast_in_dim3A_1389 = vector.broadcast %jit3A_1388 : f32 to vector<16x2048xf32>
      %select_n3A_1390 = arith.select %eq3A_1387, %broadcast_in_dim3A_1389, %select_n3A_1360 : vector<16x2048xi1>, vector<16x2048xf32>
      %reduce_max3A_1391 = arith.constant dense<0xFF800000> : vector<16xf32>
      %reduce_max3A_1392 = vector.multi_reduction <maximumf>, %select_n3A_1390, %reduce_max3A_1391 [1] : vector<16x2048xf32> to vector<16xf32>
      %broadcast_in_dim3A_1393 = vector.shape_cast %reduce_max3A_1392 : vector<16xf32> to vector<16x1xf32>
      %eq3A_1394 = vector.broadcast %broadcast_in_dim3A_1393 : vector<16x1xf32> to vector<16x2048xf32>
      %eq3A_1395 = arith.cmpf oeq, %select_n3A_1390, %eq3A_1394 : vector<16x2048xf32>
      %jit3A_1396 = arith.constant 2048 : i32
      %broadcast_in_dim3A_1397 = vector.broadcast %jit3A_1396 : i32 to vector<16x2048xi32>
      %select_n3A_1398 = arith.select %eq3A_1395, %iota3A_152, %broadcast_in_dim3A_1397 : vector<16x2048xi1>, vector<16x2048xi32>
      %reduce_min3A_1399 = arith.constant dense<2147483647> : vector<16xi32>
      %reduce_min3A_1400 = vector.multi_reduction <minsi>, %select_n3A_1398, %reduce_min3A_1399 [1] : vector<16x2048xi32> to vector<16xi32>
      %broadcast_in_dim3A_1401 = vector.shape_cast %reduce_min3A_1400 : vector<16xi32> to vector<16x1xi32>
      %eq3A_1402 = arith.constant 41 : i32
      %eq3A_1403 = vector.broadcast %eq3A_1402 : i32 to vector<16x64xi32>
      %eq3A_1404 = arith.cmpi eq, %iota3A_153, %eq3A_1403 : vector<16x64xi32>
      %broadcast_in_dim3A_1405 = vector.shape_cast %broadcast_in_dim3A_1401 : vector<16x1xi32> to vector<16x1xi32>
      %broadcast_in_dim3A_1406 = vector.broadcast %broadcast_in_dim3A_1405 : vector<16x1xi32> to vector<16x64xi32>
      %select_n3A_1407 = arith.select %eq3A_1404, %broadcast_in_dim3A_1406, %select_n3A_1377 : vector<16x64xi1>, vector<16x64xi32>
      %eq3A_1408 = arith.constant 41 : i32
      %eq3A_1409 = vector.broadcast %eq3A_1408 : i32 to vector<16x64xi32>
      %eq3A_1410 = arith.cmpi eq, %iota3A_153, %eq3A_1409 : vector<16x64xi32>
      %sub3A_1411 = arith.subf %broadcast_in_dim3A_1393, %broadcast_in_dim3A_147 : vector<16x1xf32>
      %exp3A_1412 = math.exp %sub3A_1411 : vector<16x1xf32>
      %broadcast_in_dim3A_1413 = vector.shape_cast %exp3A_1412 : vector<16x1xf32> to vector<16x1xf32>
      %broadcast_in_dim3A_1414 = vector.broadcast %broadcast_in_dim3A_1413 : vector<16x1xf32> to vector<16x64xf32>
      %select_n3A_1415 = arith.select %eq3A_1410, %broadcast_in_dim3A_1414, %select_n3A_1385 : vector<16x64xi1>, vector<16x64xf32>
      %eq3A_1416 = vector.broadcast %broadcast_in_dim3A_1401 : vector<16x1xi32> to vector<16x2048xi32>
      %eq3A_1417 = arith.cmpi eq, %iota3A_152, %eq3A_1416 : vector<16x2048xi32>
      %jit3A_1418 = arith.constant 0xFF800000 : f32
      %broadcast_in_dim3A_1419 = vector.broadcast %jit3A_1418 : f32 to vector<16x2048xf32>
      %select_n3A_1420 = arith.select %eq3A_1417, %broadcast_in_dim3A_1419, %select_n3A_1390 : vector<16x2048xi1>, vector<16x2048xf32>
      %reduce_max3A_1421 = arith.constant dense<0xFF800000> : vector<16xf32>
      %reduce_max3A_1422 = vector.multi_reduction <maximumf>, %select_n3A_1420, %reduce_max3A_1421 [1] : vector<16x2048xf32> to vector<16xf32>
      %broadcast_in_dim3A_1423 = vector.shape_cast %reduce_max3A_1422 : vector<16xf32> to vector<16x1xf32>
      %eq3A_1424 = vector.broadcast %broadcast_in_dim3A_1423 : vector<16x1xf32> to vector<16x2048xf32>
      %eq3A_1425 = arith.cmpf oeq, %select_n3A_1420, %eq3A_1424 : vector<16x2048xf32>
      %jit3A_1426 = arith.constant 2048 : i32
      %broadcast_in_dim3A_1427 = vector.broadcast %jit3A_1426 : i32 to vector<16x2048xi32>
      %select_n3A_1428 = arith.select %eq3A_1425, %iota3A_152, %broadcast_in_dim3A_1427 : vector<16x2048xi1>, vector<16x2048xi32>
      %reduce_min3A_1429 = arith.constant dense<2147483647> : vector<16xi32>
      %reduce_min3A_1430 = vector.multi_reduction <minsi>, %select_n3A_1428, %reduce_min3A_1429 [1] : vector<16x2048xi32> to vector<16xi32>
      %broadcast_in_dim3A_1431 = vector.shape_cast %reduce_min3A_1430 : vector<16xi32> to vector<16x1xi32>
      %eq3A_1432 = arith.constant 42 : i32
      %eq3A_1433 = vector.broadcast %eq3A_1432 : i32 to vector<16x64xi32>
      %eq3A_1434 = arith.cmpi eq, %iota3A_153, %eq3A_1433 : vector<16x64xi32>
      %broadcast_in_dim3A_1435 = vector.shape_cast %broadcast_in_dim3A_1431 : vector<16x1xi32> to vector<16x1xi32>
      %broadcast_in_dim3A_1436 = vector.broadcast %broadcast_in_dim3A_1435 : vector<16x1xi32> to vector<16x64xi32>
      %select_n3A_1437 = arith.select %eq3A_1434, %broadcast_in_dim3A_1436, %select_n3A_1407 : vector<16x64xi1>, vector<16x64xi32>
      %eq3A_1438 = arith.constant 42 : i32
      %eq3A_1439 = vector.broadcast %eq3A_1438 : i32 to vector<16x64xi32>
      %eq3A_1440 = arith.cmpi eq, %iota3A_153, %eq3A_1439 : vector<16x64xi32>
      %sub3A_1441 = arith.subf %broadcast_in_dim3A_1423, %broadcast_in_dim3A_147 : vector<16x1xf32>
      %exp3A_1442 = math.exp %sub3A_1441 : vector<16x1xf32>
      %broadcast_in_dim3A_1443 = vector.shape_cast %exp3A_1442 : vector<16x1xf32> to vector<16x1xf32>
      %broadcast_in_dim3A_1444 = vector.broadcast %broadcast_in_dim3A_1443 : vector<16x1xf32> to vector<16x64xf32>
      %select_n3A_1445 = arith.select %eq3A_1440, %broadcast_in_dim3A_1444, %select_n3A_1415 : vector<16x64xi1>, vector<16x64xf32>
      %eq3A_1446 = vector.broadcast %broadcast_in_dim3A_1431 : vector<16x1xi32> to vector<16x2048xi32>
      %eq3A_1447 = arith.cmpi eq, %iota3A_152, %eq3A_1446 : vector<16x2048xi32>
      %jit3A_1448 = arith.constant 0xFF800000 : f32
      %broadcast_in_dim3A_1449 = vector.broadcast %jit3A_1448 : f32 to vector<16x2048xf32>
      %select_n3A_1450 = arith.select %eq3A_1447, %broadcast_in_dim3A_1449, %select_n3A_1420 : vector<16x2048xi1>, vector<16x2048xf32>
      %reduce_max3A_1451 = arith.constant dense<0xFF800000> : vector<16xf32>
      %reduce_max3A_1452 = vector.multi_reduction <maximumf>, %select_n3A_1450, %reduce_max3A_1451 [1] : vector<16x2048xf32> to vector<16xf32>
      %broadcast_in_dim3A_1453 = vector.shape_cast %reduce_max3A_1452 : vector<16xf32> to vector<16x1xf32>
      %eq3A_1454 = vector.broadcast %broadcast_in_dim3A_1453 : vector<16x1xf32> to vector<16x2048xf32>
      %eq3A_1455 = arith.cmpf oeq, %select_n3A_1450, %eq3A_1454 : vector<16x2048xf32>
      %jit3A_1456 = arith.constant 2048 : i32
      %broadcast_in_dim3A_1457 = vector.broadcast %jit3A_1456 : i32 to vector<16x2048xi32>
      %select_n3A_1458 = arith.select %eq3A_1455, %iota3A_152, %broadcast_in_dim3A_1457 : vector<16x2048xi1>, vector<16x2048xi32>
      %reduce_min3A_1459 = arith.constant dense<2147483647> : vector<16xi32>
      %reduce_min3A_1460 = vector.multi_reduction <minsi>, %select_n3A_1458, %reduce_min3A_1459 [1] : vector<16x2048xi32> to vector<16xi32>
      %broadcast_in_dim3A_1461 = vector.shape_cast %reduce_min3A_1460 : vector<16xi32> to vector<16x1xi32>
      %eq3A_1462 = arith.constant 43 : i32
      %eq3A_1463 = vector.broadcast %eq3A_1462 : i32 to vector<16x64xi32>
      %eq3A_1464 = arith.cmpi eq, %iota3A_153, %eq3A_1463 : vector<16x64xi32>
      %broadcast_in_dim3A_1465 = vector.shape_cast %broadcast_in_dim3A_1461 : vector<16x1xi32> to vector<16x1xi32>
      %broadcast_in_dim3A_1466 = vector.broadcast %broadcast_in_dim3A_1465 : vector<16x1xi32> to vector<16x64xi32>
      %select_n3A_1467 = arith.select %eq3A_1464, %broadcast_in_dim3A_1466, %select_n3A_1437 : vector<16x64xi1>, vector<16x64xi32>
      %eq3A_1468 = arith.constant 43 : i32
      %eq3A_1469 = vector.broadcast %eq3A_1468 : i32 to vector<16x64xi32>
      %eq3A_1470 = arith.cmpi eq, %iota3A_153, %eq3A_1469 : vector<16x64xi32>
      %sub3A_1471 = arith.subf %broadcast_in_dim3A_1453, %broadcast_in_dim3A_147 : vector<16x1xf32>
      %exp3A_1472 = math.exp %sub3A_1471 : vector<16x1xf32>
      %broadcast_in_dim3A_1473 = vector.shape_cast %exp3A_1472 : vector<16x1xf32> to vector<16x1xf32>
      %broadcast_in_dim3A_1474 = vector.broadcast %broadcast_in_dim3A_1473 : vector<16x1xf32> to vector<16x64xf32>
      %select_n3A_1475 = arith.select %eq3A_1470, %broadcast_in_dim3A_1474, %select_n3A_1445 : vector<16x64xi1>, vector<16x64xf32>
      %eq3A_1476 = vector.broadcast %broadcast_in_dim3A_1461 : vector<16x1xi32> to vector<16x2048xi32>
      %eq3A_1477 = arith.cmpi eq, %iota3A_152, %eq3A_1476 : vector<16x2048xi32>
      %jit3A_1478 = arith.constant 0xFF800000 : f32
      %broadcast_in_dim3A_1479 = vector.broadcast %jit3A_1478 : f32 to vector<16x2048xf32>
      %select_n3A_1480 = arith.select %eq3A_1477, %broadcast_in_dim3A_1479, %select_n3A_1450 : vector<16x2048xi1>, vector<16x2048xf32>
      %reduce_max3A_1481 = arith.constant dense<0xFF800000> : vector<16xf32>
      %reduce_max3A_1482 = vector.multi_reduction <maximumf>, %select_n3A_1480, %reduce_max3A_1481 [1] : vector<16x2048xf32> to vector<16xf32>
      %broadcast_in_dim3A_1483 = vector.shape_cast %reduce_max3A_1482 : vector<16xf32> to vector<16x1xf32>
      %eq3A_1484 = vector.broadcast %broadcast_in_dim3A_1483 : vector<16x1xf32> to vector<16x2048xf32>
      %eq3A_1485 = arith.cmpf oeq, %select_n3A_1480, %eq3A_1484 : vector<16x2048xf32>
      %jit3A_1486 = arith.constant 2048 : i32
      %broadcast_in_dim3A_1487 = vector.broadcast %jit3A_1486 : i32 to vector<16x2048xi32>
      %select_n3A_1488 = arith.select %eq3A_1485, %iota3A_152, %broadcast_in_dim3A_1487 : vector<16x2048xi1>, vector<16x2048xi32>
      %reduce_min3A_1489 = arith.constant dense<2147483647> : vector<16xi32>
      %reduce_min3A_1490 = vector.multi_reduction <minsi>, %select_n3A_1488, %reduce_min3A_1489 [1] : vector<16x2048xi32> to vector<16xi32>
      %broadcast_in_dim3A_1491 = vector.shape_cast %reduce_min3A_1490 : vector<16xi32> to vector<16x1xi32>
      %eq3A_1492 = arith.constant 44 : i32
      %eq3A_1493 = vector.broadcast %eq3A_1492 : i32 to vector<16x64xi32>
      %eq3A_1494 = arith.cmpi eq, %iota3A_153, %eq3A_1493 : vector<16x64xi32>
      %broadcast_in_dim3A_1495 = vector.shape_cast %broadcast_in_dim3A_1491 : vector<16x1xi32> to vector<16x1xi32>
      %broadcast_in_dim3A_1496 = vector.broadcast %broadcast_in_dim3A_1495 : vector<16x1xi32> to vector<16x64xi32>
      %select_n3A_1497 = arith.select %eq3A_1494, %broadcast_in_dim3A_1496, %select_n3A_1467 : vector<16x64xi1>, vector<16x64xi32>
      %eq3A_1498 = arith.constant 44 : i32
      %eq3A_1499 = vector.broadcast %eq3A_1498 : i32 to vector<16x64xi32>
      %eq3A_1500 = arith.cmpi eq, %iota3A_153, %eq3A_1499 : vector<16x64xi32>
      %sub3A_1501 = arith.subf %broadcast_in_dim3A_1483, %broadcast_in_dim3A_147 : vector<16x1xf32>
      %exp3A_1502 = math.exp %sub3A_1501 : vector<16x1xf32>
      %broadcast_in_dim3A_1503 = vector.shape_cast %exp3A_1502 : vector<16x1xf32> to vector<16x1xf32>
      %broadcast_in_dim3A_1504 = vector.broadcast %broadcast_in_dim3A_1503 : vector<16x1xf32> to vector<16x64xf32>
      %select_n3A_1505 = arith.select %eq3A_1500, %broadcast_in_dim3A_1504, %select_n3A_1475 : vector<16x64xi1>, vector<16x64xf32>
      %eq3A_1506 = vector.broadcast %broadcast_in_dim3A_1491 : vector<16x1xi32> to vector<16x2048xi32>
      %eq3A_1507 = arith.cmpi eq, %iota3A_152, %eq3A_1506 : vector<16x2048xi32>
      %jit3A_1508 = arith.constant 0xFF800000 : f32
      %broadcast_in_dim3A_1509 = vector.broadcast %jit3A_1508 : f32 to vector<16x2048xf32>
      %select_n3A_1510 = arith.select %eq3A_1507, %broadcast_in_dim3A_1509, %select_n3A_1480 : vector<16x2048xi1>, vector<16x2048xf32>
      %reduce_max3A_1511 = arith.constant dense<0xFF800000> : vector<16xf32>
      %reduce_max3A_1512 = vector.multi_reduction <maximumf>, %select_n3A_1510, %reduce_max3A_1511 [1] : vector<16x2048xf32> to vector<16xf32>
      %broadcast_in_dim3A_1513 = vector.shape_cast %reduce_max3A_1512 : vector<16xf32> to vector<16x1xf32>
      %eq3A_1514 = vector.broadcast %broadcast_in_dim3A_1513 : vector<16x1xf32> to vector<16x2048xf32>
      %eq3A_1515 = arith.cmpf oeq, %select_n3A_1510, %eq3A_1514 : vector<16x2048xf32>
      %jit3A_1516 = arith.constant 2048 : i32
      %broadcast_in_dim3A_1517 = vector.broadcast %jit3A_1516 : i32 to vector<16x2048xi32>
      %select_n3A_1518 = arith.select %eq3A_1515, %iota3A_152, %broadcast_in_dim3A_1517 : vector<16x2048xi1>, vector<16x2048xi32>
      %reduce_min3A_1519 = arith.constant dense<2147483647> : vector<16xi32>
      %reduce_min3A_1520 = vector.multi_reduction <minsi>, %select_n3A_1518, %reduce_min3A_1519 [1] : vector<16x2048xi32> to vector<16xi32>
      %broadcast_in_dim3A_1521 = vector.shape_cast %reduce_min3A_1520 : vector<16xi32> to vector<16x1xi32>
      %eq3A_1522 = arith.constant 45 : i32
      %eq3A_1523 = vector.broadcast %eq3A_1522 : i32 to vector<16x64xi32>
      %eq3A_1524 = arith.cmpi eq, %iota3A_153, %eq3A_1523 : vector<16x64xi32>
      %broadcast_in_dim3A_1525 = vector.shape_cast %broadcast_in_dim3A_1521 : vector<16x1xi32> to vector<16x1xi32>
      %broadcast_in_dim3A_1526 = vector.broadcast %broadcast_in_dim3A_1525 : vector<16x1xi32> to vector<16x64xi32>
      %select_n3A_1527 = arith.select %eq3A_1524, %broadcast_in_dim3A_1526, %select_n3A_1497 : vector<16x64xi1>, vector<16x64xi32>
      %eq3A_1528 = arith.constant 45 : i32
      %eq3A_1529 = vector.broadcast %eq3A_1528 : i32 to vector<16x64xi32>
      %eq3A_1530 = arith.cmpi eq, %iota3A_153, %eq3A_1529 : vector<16x64xi32>
      %sub3A_1531 = arith.subf %broadcast_in_dim3A_1513, %broadcast_in_dim3A_147 : vector<16x1xf32>
      %exp3A_1532 = math.exp %sub3A_1531 : vector<16x1xf32>
      %broadcast_in_dim3A_1533 = vector.shape_cast %exp3A_1532 : vector<16x1xf32> to vector<16x1xf32>
      %broadcast_in_dim3A_1534 = vector.broadcast %broadcast_in_dim3A_1533 : vector<16x1xf32> to vector<16x64xf32>
      %select_n3A_1535 = arith.select %eq3A_1530, %broadcast_in_dim3A_1534, %select_n3A_1505 : vector<16x64xi1>, vector<16x64xf32>
      %eq3A_1536 = vector.broadcast %broadcast_in_dim3A_1521 : vector<16x1xi32> to vector<16x2048xi32>
      %eq3A_1537 = arith.cmpi eq, %iota3A_152, %eq3A_1536 : vector<16x2048xi32>
      %jit3A_1538 = arith.constant 0xFF800000 : f32
      %broadcast_in_dim3A_1539 = vector.broadcast %jit3A_1538 : f32 to vector<16x2048xf32>
      %select_n3A_1540 = arith.select %eq3A_1537, %broadcast_in_dim3A_1539, %select_n3A_1510 : vector<16x2048xi1>, vector<16x2048xf32>
      %reduce_max3A_1541 = arith.constant dense<0xFF800000> : vector<16xf32>
      %reduce_max3A_1542 = vector.multi_reduction <maximumf>, %select_n3A_1540, %reduce_max3A_1541 [1] : vector<16x2048xf32> to vector<16xf32>
      %broadcast_in_dim3A_1543 = vector.shape_cast %reduce_max3A_1542 : vector<16xf32> to vector<16x1xf32>
      %eq3A_1544 = vector.broadcast %broadcast_in_dim3A_1543 : vector<16x1xf32> to vector<16x2048xf32>
      %eq3A_1545 = arith.cmpf oeq, %select_n3A_1540, %eq3A_1544 : vector<16x2048xf32>
      %jit3A_1546 = arith.constant 2048 : i32
      %broadcast_in_dim3A_1547 = vector.broadcast %jit3A_1546 : i32 to vector<16x2048xi32>
      %select_n3A_1548 = arith.select %eq3A_1545, %iota3A_152, %broadcast_in_dim3A_1547 : vector<16x2048xi1>, vector<16x2048xi32>
      %reduce_min3A_1549 = arith.constant dense<2147483647> : vector<16xi32>
      %reduce_min3A_1550 = vector.multi_reduction <minsi>, %select_n3A_1548, %reduce_min3A_1549 [1] : vector<16x2048xi32> to vector<16xi32>
      %broadcast_in_dim3A_1551 = vector.shape_cast %reduce_min3A_1550 : vector<16xi32> to vector<16x1xi32>
      %eq3A_1552 = arith.constant 46 : i32
      %eq3A_1553 = vector.broadcast %eq3A_1552 : i32 to vector<16x64xi32>
      %eq3A_1554 = arith.cmpi eq, %iota3A_153, %eq3A_1553 : vector<16x64xi32>
      %broadcast_in_dim3A_1555 = vector.shape_cast %broadcast_in_dim3A_1551 : vector<16x1xi32> to vector<16x1xi32>
      %broadcast_in_dim3A_1556 = vector.broadcast %broadcast_in_dim3A_1555 : vector<16x1xi32> to vector<16x64xi32>
      %select_n3A_1557 = arith.select %eq3A_1554, %broadcast_in_dim3A_1556, %select_n3A_1527 : vector<16x64xi1>, vector<16x64xi32>
      %eq3A_1558 = arith.constant 46 : i32
      %eq3A_1559 = vector.broadcast %eq3A_1558 : i32 to vector<16x64xi32>
      %eq3A_1560 = arith.cmpi eq, %iota3A_153, %eq3A_1559 : vector<16x64xi32>
      %sub3A_1561 = arith.subf %broadcast_in_dim3A_1543, %broadcast_in_dim3A_147 : vector<16x1xf32>
      %exp3A_1562 = math.exp %sub3A_1561 : vector<16x1xf32>
      %broadcast_in_dim3A_1563 = vector.shape_cast %exp3A_1562 : vector<16x1xf32> to vector<16x1xf32>
      %broadcast_in_dim3A_1564 = vector.broadcast %broadcast_in_dim3A_1563 : vector<16x1xf32> to vector<16x64xf32>
      %select_n3A_1565 = arith.select %eq3A_1560, %broadcast_in_dim3A_1564, %select_n3A_1535 : vector<16x64xi1>, vector<16x64xf32>
      %eq3A_1566 = vector.broadcast %broadcast_in_dim3A_1551 : vector<16x1xi32> to vector<16x2048xi32>
      %eq3A_1567 = arith.cmpi eq, %iota3A_152, %eq3A_1566 : vector<16x2048xi32>
      %jit3A_1568 = arith.constant 0xFF800000 : f32
      %broadcast_in_dim3A_1569 = vector.broadcast %jit3A_1568 : f32 to vector<16x2048xf32>
      %select_n3A_1570 = arith.select %eq3A_1567, %broadcast_in_dim3A_1569, %select_n3A_1540 : vector<16x2048xi1>, vector<16x2048xf32>
      %reduce_max3A_1571 = arith.constant dense<0xFF800000> : vector<16xf32>
      %reduce_max3A_1572 = vector.multi_reduction <maximumf>, %select_n3A_1570, %reduce_max3A_1571 [1] : vector<16x2048xf32> to vector<16xf32>
      %broadcast_in_dim3A_1573 = vector.shape_cast %reduce_max3A_1572 : vector<16xf32> to vector<16x1xf32>
      %eq3A_1574 = vector.broadcast %broadcast_in_dim3A_1573 : vector<16x1xf32> to vector<16x2048xf32>
      %eq3A_1575 = arith.cmpf oeq, %select_n3A_1570, %eq3A_1574 : vector<16x2048xf32>
      %jit3A_1576 = arith.constant 2048 : i32
      %broadcast_in_dim3A_1577 = vector.broadcast %jit3A_1576 : i32 to vector<16x2048xi32>
      %select_n3A_1578 = arith.select %eq3A_1575, %iota3A_152, %broadcast_in_dim3A_1577 : vector<16x2048xi1>, vector<16x2048xi32>
      %reduce_min3A_1579 = arith.constant dense<2147483647> : vector<16xi32>
      %reduce_min3A_1580 = vector.multi_reduction <minsi>, %select_n3A_1578, %reduce_min3A_1579 [1] : vector<16x2048xi32> to vector<16xi32>
      %broadcast_in_dim3A_1581 = vector.shape_cast %reduce_min3A_1580 : vector<16xi32> to vector<16x1xi32>
      %eq3A_1582 = arith.constant 47 : i32
      %eq3A_1583 = vector.broadcast %eq3A_1582 : i32 to vector<16x64xi32>
      %eq3A_1584 = arith.cmpi eq, %iota3A_153, %eq3A_1583 : vector<16x64xi32>
      %broadcast_in_dim3A_1585 = vector.shape_cast %broadcast_in_dim3A_1581 : vector<16x1xi32> to vector<16x1xi32>
      %broadcast_in_dim3A_1586 = vector.broadcast %broadcast_in_dim3A_1585 : vector<16x1xi32> to vector<16x64xi32>
      %select_n3A_1587 = arith.select %eq3A_1584, %broadcast_in_dim3A_1586, %select_n3A_1557 : vector<16x64xi1>, vector<16x64xi32>
      %eq3A_1588 = arith.constant 47 : i32
      %eq3A_1589 = vector.broadcast %eq3A_1588 : i32 to vector<16x64xi32>
      %eq3A_1590 = arith.cmpi eq, %iota3A_153, %eq3A_1589 : vector<16x64xi32>
      %sub3A_1591 = arith.subf %broadcast_in_dim3A_1573, %broadcast_in_dim3A_147 : vector<16x1xf32>
      %exp3A_1592 = math.exp %sub3A_1591 : vector<16x1xf32>
      %broadcast_in_dim3A_1593 = vector.shape_cast %exp3A_1592 : vector<16x1xf32> to vector<16x1xf32>
      %broadcast_in_dim3A_1594 = vector.broadcast %broadcast_in_dim3A_1593 : vector<16x1xf32> to vector<16x64xf32>
      %select_n3A_1595 = arith.select %eq3A_1590, %broadcast_in_dim3A_1594, %select_n3A_1565 : vector<16x64xi1>, vector<16x64xf32>
      %eq3A_1596 = vector.broadcast %broadcast_in_dim3A_1581 : vector<16x1xi32> to vector<16x2048xi32>
      %eq3A_1597 = arith.cmpi eq, %iota3A_152, %eq3A_1596 : vector<16x2048xi32>
      %jit3A_1598 = arith.constant 0xFF800000 : f32
      %broadcast_in_dim3A_1599 = vector.broadcast %jit3A_1598 : f32 to vector<16x2048xf32>
      %select_n3A_1600 = arith.select %eq3A_1597, %broadcast_in_dim3A_1599, %select_n3A_1570 : vector<16x2048xi1>, vector<16x2048xf32>
      %reduce_max3A_1601 = arith.constant dense<0xFF800000> : vector<16xf32>
      %reduce_max3A_1602 = vector.multi_reduction <maximumf>, %select_n3A_1600, %reduce_max3A_1601 [1] : vector<16x2048xf32> to vector<16xf32>
      %broadcast_in_dim3A_1603 = vector.shape_cast %reduce_max3A_1602 : vector<16xf32> to vector<16x1xf32>
      %eq3A_1604 = vector.broadcast %broadcast_in_dim3A_1603 : vector<16x1xf32> to vector<16x2048xf32>
      %eq3A_1605 = arith.cmpf oeq, %select_n3A_1600, %eq3A_1604 : vector<16x2048xf32>
      %jit3A_1606 = arith.constant 2048 : i32
      %broadcast_in_dim3A_1607 = vector.broadcast %jit3A_1606 : i32 to vector<16x2048xi32>
      %select_n3A_1608 = arith.select %eq3A_1605, %iota3A_152, %broadcast_in_dim3A_1607 : vector<16x2048xi1>, vector<16x2048xi32>
      %reduce_min3A_1609 = arith.constant dense<2147483647> : vector<16xi32>
      %reduce_min3A_1610 = vector.multi_reduction <minsi>, %select_n3A_1608, %reduce_min3A_1609 [1] : vector<16x2048xi32> to vector<16xi32>
      %broadcast_in_dim3A_1611 = vector.shape_cast %reduce_min3A_1610 : vector<16xi32> to vector<16x1xi32>
      %eq3A_1612 = arith.constant 48 : i32
      %eq3A_1613 = vector.broadcast %eq3A_1612 : i32 to vector<16x64xi32>
      %eq3A_1614 = arith.cmpi eq, %iota3A_153, %eq3A_1613 : vector<16x64xi32>
      %broadcast_in_dim3A_1615 = vector.shape_cast %broadcast_in_dim3A_1611 : vector<16x1xi32> to vector<16x1xi32>
      %broadcast_in_dim3A_1616 = vector.broadcast %broadcast_in_dim3A_1615 : vector<16x1xi32> to vector<16x64xi32>
      %select_n3A_1617 = arith.select %eq3A_1614, %broadcast_in_dim3A_1616, %select_n3A_1587 : vector<16x64xi1>, vector<16x64xi32>
      %eq3A_1618 = arith.constant 48 : i32
      %eq3A_1619 = vector.broadcast %eq3A_1618 : i32 to vector<16x64xi32>
      %eq3A_1620 = arith.cmpi eq, %iota3A_153, %eq3A_1619 : vector<16x64xi32>
      %sub3A_1621 = arith.subf %broadcast_in_dim3A_1603, %broadcast_in_dim3A_147 : vector<16x1xf32>
      %exp3A_1622 = math.exp %sub3A_1621 : vector<16x1xf32>
      %broadcast_in_dim3A_1623 = vector.shape_cast %exp3A_1622 : vector<16x1xf32> to vector<16x1xf32>
      %broadcast_in_dim3A_1624 = vector.broadcast %broadcast_in_dim3A_1623 : vector<16x1xf32> to vector<16x64xf32>
      %select_n3A_1625 = arith.select %eq3A_1620, %broadcast_in_dim3A_1624, %select_n3A_1595 : vector<16x64xi1>, vector<16x64xf32>
      %eq3A_1626 = vector.broadcast %broadcast_in_dim3A_1611 : vector<16x1xi32> to vector<16x2048xi32>
      %eq3A_1627 = arith.cmpi eq, %iota3A_152, %eq3A_1626 : vector<16x2048xi32>
      %jit3A_1628 = arith.constant 0xFF800000 : f32
      %broadcast_in_dim3A_1629 = vector.broadcast %jit3A_1628 : f32 to vector<16x2048xf32>
      %select_n3A_1630 = arith.select %eq3A_1627, %broadcast_in_dim3A_1629, %select_n3A_1600 : vector<16x2048xi1>, vector<16x2048xf32>
      %reduce_max3A_1631 = arith.constant dense<0xFF800000> : vector<16xf32>
      %reduce_max3A_1632 = vector.multi_reduction <maximumf>, %select_n3A_1630, %reduce_max3A_1631 [1] : vector<16x2048xf32> to vector<16xf32>
      %broadcast_in_dim3A_1633 = vector.shape_cast %reduce_max3A_1632 : vector<16xf32> to vector<16x1xf32>
      %eq3A_1634 = vector.broadcast %broadcast_in_dim3A_1633 : vector<16x1xf32> to vector<16x2048xf32>
      %eq3A_1635 = arith.cmpf oeq, %select_n3A_1630, %eq3A_1634 : vector<16x2048xf32>
      %jit3A_1636 = arith.constant 2048 : i32
      %broadcast_in_dim3A_1637 = vector.broadcast %jit3A_1636 : i32 to vector<16x2048xi32>
      %select_n3A_1638 = arith.select %eq3A_1635, %iota3A_152, %broadcast_in_dim3A_1637 : vector<16x2048xi1>, vector<16x2048xi32>
      %reduce_min3A_1639 = arith.constant dense<2147483647> : vector<16xi32>
      %reduce_min3A_1640 = vector.multi_reduction <minsi>, %select_n3A_1638, %reduce_min3A_1639 [1] : vector<16x2048xi32> to vector<16xi32>
      %broadcast_in_dim3A_1641 = vector.shape_cast %reduce_min3A_1640 : vector<16xi32> to vector<16x1xi32>
      %eq3A_1642 = arith.constant 49 : i32
      %eq3A_1643 = vector.broadcast %eq3A_1642 : i32 to vector<16x64xi32>
      %eq3A_1644 = arith.cmpi eq, %iota3A_153, %eq3A_1643 : vector<16x64xi32>
      %broadcast_in_dim3A_1645 = vector.shape_cast %broadcast_in_dim3A_1641 : vector<16x1xi32> to vector<16x1xi32>
      %broadcast_in_dim3A_1646 = vector.broadcast %broadcast_in_dim3A_1645 : vector<16x1xi32> to vector<16x64xi32>
      %select_n3A_1647 = arith.select %eq3A_1644, %broadcast_in_dim3A_1646, %select_n3A_1617 : vector<16x64xi1>, vector<16x64xi32>
      %eq3A_1648 = arith.constant 49 : i32
      %eq3A_1649 = vector.broadcast %eq3A_1648 : i32 to vector<16x64xi32>
      %eq3A_1650 = arith.cmpi eq, %iota3A_153, %eq3A_1649 : vector<16x64xi32>
      %sub3A_1651 = arith.subf %broadcast_in_dim3A_1633, %broadcast_in_dim3A_147 : vector<16x1xf32>
      %exp3A_1652 = math.exp %sub3A_1651 : vector<16x1xf32>
      %broadcast_in_dim3A_1653 = vector.shape_cast %exp3A_1652 : vector<16x1xf32> to vector<16x1xf32>
      %broadcast_in_dim3A_1654 = vector.broadcast %broadcast_in_dim3A_1653 : vector<16x1xf32> to vector<16x64xf32>
      %select_n3A_1655 = arith.select %eq3A_1650, %broadcast_in_dim3A_1654, %select_n3A_1625 : vector<16x64xi1>, vector<16x64xf32>
      %eq3A_1656 = vector.broadcast %broadcast_in_dim3A_1641 : vector<16x1xi32> to vector<16x2048xi32>
      %eq3A_1657 = arith.cmpi eq, %iota3A_152, %eq3A_1656 : vector<16x2048xi32>
      %jit3A_1658 = arith.constant 0xFF800000 : f32
      %broadcast_in_dim3A_1659 = vector.broadcast %jit3A_1658 : f32 to vector<16x2048xf32>
      %select_n3A_1660 = arith.select %eq3A_1657, %broadcast_in_dim3A_1659, %select_n3A_1630 : vector<16x2048xi1>, vector<16x2048xf32>
      %reduce_max3A_1661 = arith.constant dense<0xFF800000> : vector<16xf32>
      %reduce_max3A_1662 = vector.multi_reduction <maximumf>, %select_n3A_1660, %reduce_max3A_1661 [1] : vector<16x2048xf32> to vector<16xf32>
      %broadcast_in_dim3A_1663 = vector.shape_cast %reduce_max3A_1662 : vector<16xf32> to vector<16x1xf32>
      %eq3A_1664 = vector.broadcast %broadcast_in_dim3A_1663 : vector<16x1xf32> to vector<16x2048xf32>
      %eq3A_1665 = arith.cmpf oeq, %select_n3A_1660, %eq3A_1664 : vector<16x2048xf32>
      %jit3A_1666 = arith.constant 2048 : i32
      %broadcast_in_dim3A_1667 = vector.broadcast %jit3A_1666 : i32 to vector<16x2048xi32>
      %select_n3A_1668 = arith.select %eq3A_1665, %iota3A_152, %broadcast_in_dim3A_1667 : vector<16x2048xi1>, vector<16x2048xi32>
      %reduce_min3A_1669 = arith.constant dense<2147483647> : vector<16xi32>
      %reduce_min3A_1670 = vector.multi_reduction <minsi>, %select_n3A_1668, %reduce_min3A_1669 [1] : vector<16x2048xi32> to vector<16xi32>
      %broadcast_in_dim3A_1671 = vector.shape_cast %reduce_min3A_1670 : vector<16xi32> to vector<16x1xi32>
      %eq3A_1672 = arith.constant 50 : i32
      %eq3A_1673 = vector.broadcast %eq3A_1672 : i32 to vector<16x64xi32>
      %eq3A_1674 = arith.cmpi eq, %iota3A_153, %eq3A_1673 : vector<16x64xi32>
      %broadcast_in_dim3A_1675 = vector.shape_cast %broadcast_in_dim3A_1671 : vector<16x1xi32> to vector<16x1xi32>
      %broadcast_in_dim3A_1676 = vector.broadcast %broadcast_in_dim3A_1675 : vector<16x1xi32> to vector<16x64xi32>
      %select_n3A_1677 = arith.select %eq3A_1674, %broadcast_in_dim3A_1676, %select_n3A_1647 : vector<16x64xi1>, vector<16x64xi32>
      %eq3A_1678 = arith.constant 50 : i32
      %eq3A_1679 = vector.broadcast %eq3A_1678 : i32 to vector<16x64xi32>
      %eq3A_1680 = arith.cmpi eq, %iota3A_153, %eq3A_1679 : vector<16x64xi32>
      %sub3A_1681 = arith.subf %broadcast_in_dim3A_1663, %broadcast_in_dim3A_147 : vector<16x1xf32>
      %exp3A_1682 = math.exp %sub3A_1681 : vector<16x1xf32>
      %broadcast_in_dim3A_1683 = vector.shape_cast %exp3A_1682 : vector<16x1xf32> to vector<16x1xf32>
      %broadcast_in_dim3A_1684 = vector.broadcast %broadcast_in_dim3A_1683 : vector<16x1xf32> to vector<16x64xf32>
      %select_n3A_1685 = arith.select %eq3A_1680, %broadcast_in_dim3A_1684, %select_n3A_1655 : vector<16x64xi1>, vector<16x64xf32>
      %eq3A_1686 = vector.broadcast %broadcast_in_dim3A_1671 : vector<16x1xi32> to vector<16x2048xi32>
      %eq3A_1687 = arith.cmpi eq, %iota3A_152, %eq3A_1686 : vector<16x2048xi32>
      %jit3A_1688 = arith.constant 0xFF800000 : f32
      %broadcast_in_dim3A_1689 = vector.broadcast %jit3A_1688 : f32 to vector<16x2048xf32>
      %select_n3A_1690 = arith.select %eq3A_1687, %broadcast_in_dim3A_1689, %select_n3A_1660 : vector<16x2048xi1>, vector<16x2048xf32>
      %reduce_max3A_1691 = arith.constant dense<0xFF800000> : vector<16xf32>
      %reduce_max3A_1692 = vector.multi_reduction <maximumf>, %select_n3A_1690, %reduce_max3A_1691 [1] : vector<16x2048xf32> to vector<16xf32>
      %broadcast_in_dim3A_1693 = vector.shape_cast %reduce_max3A_1692 : vector<16xf32> to vector<16x1xf32>
      %eq3A_1694 = vector.broadcast %broadcast_in_dim3A_1693 : vector<16x1xf32> to vector<16x2048xf32>
      %eq3A_1695 = arith.cmpf oeq, %select_n3A_1690, %eq3A_1694 : vector<16x2048xf32>
      %jit3A_1696 = arith.constant 2048 : i32
      %broadcast_in_dim3A_1697 = vector.broadcast %jit3A_1696 : i32 to vector<16x2048xi32>
      %select_n3A_1698 = arith.select %eq3A_1695, %iota3A_152, %broadcast_in_dim3A_1697 : vector<16x2048xi1>, vector<16x2048xi32>
      %reduce_min3A_1699 = arith.constant dense<2147483647> : vector<16xi32>
      %reduce_min3A_1700 = vector.multi_reduction <minsi>, %select_n3A_1698, %reduce_min3A_1699 [1] : vector<16x2048xi32> to vector<16xi32>
      %broadcast_in_dim3A_1701 = vector.shape_cast %reduce_min3A_1700 : vector<16xi32> to vector<16x1xi32>
      %eq3A_1702 = arith.constant 51 : i32
      %eq3A_1703 = vector.broadcast %eq3A_1702 : i32 to vector<16x64xi32>
      %eq3A_1704 = arith.cmpi eq, %iota3A_153, %eq3A_1703 : vector<16x64xi32>
      %broadcast_in_dim3A_1705 = vector.shape_cast %broadcast_in_dim3A_1701 : vector<16x1xi32> to vector<16x1xi32>
      %broadcast_in_dim3A_1706 = vector.broadcast %broadcast_in_dim3A_1705 : vector<16x1xi32> to vector<16x64xi32>
      %select_n3A_1707 = arith.select %eq3A_1704, %broadcast_in_dim3A_1706, %select_n3A_1677 : vector<16x64xi1>, vector<16x64xi32>
      %eq3A_1708 = arith.constant 51 : i32
      %eq3A_1709 = vector.broadcast %eq3A_1708 : i32 to vector<16x64xi32>
      %eq3A_1710 = arith.cmpi eq, %iota3A_153, %eq3A_1709 : vector<16x64xi32>
      %sub3A_1711 = arith.subf %broadcast_in_dim3A_1693, %broadcast_in_dim3A_147 : vector<16x1xf32>
      %exp3A_1712 = math.exp %sub3A_1711 : vector<16x1xf32>
      %broadcast_in_dim3A_1713 = vector.shape_cast %exp3A_1712 : vector<16x1xf32> to vector<16x1xf32>
      %broadcast_in_dim3A_1714 = vector.broadcast %broadcast_in_dim3A_1713 : vector<16x1xf32> to vector<16x64xf32>
      %select_n3A_1715 = arith.select %eq3A_1710, %broadcast_in_dim3A_1714, %select_n3A_1685 : vector<16x64xi1>, vector<16x64xf32>
      %eq3A_1716 = vector.broadcast %broadcast_in_dim3A_1701 : vector<16x1xi32> to vector<16x2048xi32>
      %eq3A_1717 = arith.cmpi eq, %iota3A_152, %eq3A_1716 : vector<16x2048xi32>
      %jit3A_1718 = arith.constant 0xFF800000 : f32
      %broadcast_in_dim3A_1719 = vector.broadcast %jit3A_1718 : f32 to vector<16x2048xf32>
      %select_n3A_1720 = arith.select %eq3A_1717, %broadcast_in_dim3A_1719, %select_n3A_1690 : vector<16x2048xi1>, vector<16x2048xf32>
      %reduce_max3A_1721 = arith.constant dense<0xFF800000> : vector<16xf32>
      %reduce_max3A_1722 = vector.multi_reduction <maximumf>, %select_n3A_1720, %reduce_max3A_1721 [1] : vector<16x2048xf32> to vector<16xf32>
      %broadcast_in_dim3A_1723 = vector.shape_cast %reduce_max3A_1722 : vector<16xf32> to vector<16x1xf32>
      %eq3A_1724 = vector.broadcast %broadcast_in_dim3A_1723 : vector<16x1xf32> to vector<16x2048xf32>
      %eq3A_1725 = arith.cmpf oeq, %select_n3A_1720, %eq3A_1724 : vector<16x2048xf32>
      %jit3A_1726 = arith.constant 2048 : i32
      %broadcast_in_dim3A_1727 = vector.broadcast %jit3A_1726 : i32 to vector<16x2048xi32>
      %select_n3A_1728 = arith.select %eq3A_1725, %iota3A_152, %broadcast_in_dim3A_1727 : vector<16x2048xi1>, vector<16x2048xi32>
      %reduce_min3A_1729 = arith.constant dense<2147483647> : vector<16xi32>
      %reduce_min3A_1730 = vector.multi_reduction <minsi>, %select_n3A_1728, %reduce_min3A_1729 [1] : vector<16x2048xi32> to vector<16xi32>
      %broadcast_in_dim3A_1731 = vector.shape_cast %reduce_min3A_1730 : vector<16xi32> to vector<16x1xi32>
      %eq3A_1732 = arith.constant 52 : i32
      %eq3A_1733 = vector.broadcast %eq3A_1732 : i32 to vector<16x64xi32>
      %eq3A_1734 = arith.cmpi eq, %iota3A_153, %eq3A_1733 : vector<16x64xi32>
      %broadcast_in_dim3A_1735 = vector.shape_cast %broadcast_in_dim3A_1731 : vector<16x1xi32> to vector<16x1xi32>
      %broadcast_in_dim3A_1736 = vector.broadcast %broadcast_in_dim3A_1735 : vector<16x1xi32> to vector<16x64xi32>
      %select_n3A_1737 = arith.select %eq3A_1734, %broadcast_in_dim3A_1736, %select_n3A_1707 : vector<16x64xi1>, vector<16x64xi32>
      %eq3A_1738 = arith.constant 52 : i32
      %eq3A_1739 = vector.broadcast %eq3A_1738 : i32 to vector<16x64xi32>
      %eq3A_1740 = arith.cmpi eq, %iota3A_153, %eq3A_1739 : vector<16x64xi32>
      %sub3A_1741 = arith.subf %broadcast_in_dim3A_1723, %broadcast_in_dim3A_147 : vector<16x1xf32>
      %exp3A_1742 = math.exp %sub3A_1741 : vector<16x1xf32>
      %broadcast_in_dim3A_1743 = vector.shape_cast %exp3A_1742 : vector<16x1xf32> to vector<16x1xf32>
      %broadcast_in_dim3A_1744 = vector.broadcast %broadcast_in_dim3A_1743 : vector<16x1xf32> to vector<16x64xf32>
      %select_n3A_1745 = arith.select %eq3A_1740, %broadcast_in_dim3A_1744, %select_n3A_1715 : vector<16x64xi1>, vector<16x64xf32>
      %eq3A_1746 = vector.broadcast %broadcast_in_dim3A_1731 : vector<16x1xi32> to vector<16x2048xi32>
      %eq3A_1747 = arith.cmpi eq, %iota3A_152, %eq3A_1746 : vector<16x2048xi32>
      %jit3A_1748 = arith.constant 0xFF800000 : f32
      %broadcast_in_dim3A_1749 = vector.broadcast %jit3A_1748 : f32 to vector<16x2048xf32>
      %select_n3A_1750 = arith.select %eq3A_1747, %broadcast_in_dim3A_1749, %select_n3A_1720 : vector<16x2048xi1>, vector<16x2048xf32>
      %reduce_max3A_1751 = arith.constant dense<0xFF800000> : vector<16xf32>
      %reduce_max3A_1752 = vector.multi_reduction <maximumf>, %select_n3A_1750, %reduce_max3A_1751 [1] : vector<16x2048xf32> to vector<16xf32>
      %broadcast_in_dim3A_1753 = vector.shape_cast %reduce_max3A_1752 : vector<16xf32> to vector<16x1xf32>
      %eq3A_1754 = vector.broadcast %broadcast_in_dim3A_1753 : vector<16x1xf32> to vector<16x2048xf32>
      %eq3A_1755 = arith.cmpf oeq, %select_n3A_1750, %eq3A_1754 : vector<16x2048xf32>
      %jit3A_1756 = arith.constant 2048 : i32
      %broadcast_in_dim3A_1757 = vector.broadcast %jit3A_1756 : i32 to vector<16x2048xi32>
      %select_n3A_1758 = arith.select %eq3A_1755, %iota3A_152, %broadcast_in_dim3A_1757 : vector<16x2048xi1>, vector<16x2048xi32>
      %reduce_min3A_1759 = arith.constant dense<2147483647> : vector<16xi32>
      %reduce_min3A_1760 = vector.multi_reduction <minsi>, %select_n3A_1758, %reduce_min3A_1759 [1] : vector<16x2048xi32> to vector<16xi32>
      %broadcast_in_dim3A_1761 = vector.shape_cast %reduce_min3A_1760 : vector<16xi32> to vector<16x1xi32>
      %eq3A_1762 = arith.constant 53 : i32
      %eq3A_1763 = vector.broadcast %eq3A_1762 : i32 to vector<16x64xi32>
      %eq3A_1764 = arith.cmpi eq, %iota3A_153, %eq3A_1763 : vector<16x64xi32>
      %broadcast_in_dim3A_1765 = vector.shape_cast %broadcast_in_dim3A_1761 : vector<16x1xi32> to vector<16x1xi32>
      %broadcast_in_dim3A_1766 = vector.broadcast %broadcast_in_dim3A_1765 : vector<16x1xi32> to vector<16x64xi32>
      %select_n3A_1767 = arith.select %eq3A_1764, %broadcast_in_dim3A_1766, %select_n3A_1737 : vector<16x64xi1>, vector<16x64xi32>
      %eq3A_1768 = arith.constant 53 : i32
      %eq3A_1769 = vector.broadcast %eq3A_1768 : i32 to vector<16x64xi32>
      %eq3A_1770 = arith.cmpi eq, %iota3A_153, %eq3A_1769 : vector<16x64xi32>
      %sub3A_1771 = arith.subf %broadcast_in_dim3A_1753, %broadcast_in_dim3A_147 : vector<16x1xf32>
      %exp3A_1772 = math.exp %sub3A_1771 : vector<16x1xf32>
      %broadcast_in_dim3A_1773 = vector.shape_cast %exp3A_1772 : vector<16x1xf32> to vector<16x1xf32>
      %broadcast_in_dim3A_1774 = vector.broadcast %broadcast_in_dim3A_1773 : vector<16x1xf32> to vector<16x64xf32>
      %select_n3A_1775 = arith.select %eq3A_1770, %broadcast_in_dim3A_1774, %select_n3A_1745 : vector<16x64xi1>, vector<16x64xf32>
      %eq3A_1776 = vector.broadcast %broadcast_in_dim3A_1761 : vector<16x1xi32> to vector<16x2048xi32>
      %eq3A_1777 = arith.cmpi eq, %iota3A_152, %eq3A_1776 : vector<16x2048xi32>
      %jit3A_1778 = arith.constant 0xFF800000 : f32
      %broadcast_in_dim3A_1779 = vector.broadcast %jit3A_1778 : f32 to vector<16x2048xf32>
      %select_n3A_1780 = arith.select %eq3A_1777, %broadcast_in_dim3A_1779, %select_n3A_1750 : vector<16x2048xi1>, vector<16x2048xf32>
      %reduce_max3A_1781 = arith.constant dense<0xFF800000> : vector<16xf32>
      %reduce_max3A_1782 = vector.multi_reduction <maximumf>, %select_n3A_1780, %reduce_max3A_1781 [1] : vector<16x2048xf32> to vector<16xf32>
      %broadcast_in_dim3A_1783 = vector.shape_cast %reduce_max3A_1782 : vector<16xf32> to vector<16x1xf32>
      %eq3A_1784 = vector.broadcast %broadcast_in_dim3A_1783 : vector<16x1xf32> to vector<16x2048xf32>
      %eq3A_1785 = arith.cmpf oeq, %select_n3A_1780, %eq3A_1784 : vector<16x2048xf32>
      %jit3A_1786 = arith.constant 2048 : i32
      %broadcast_in_dim3A_1787 = vector.broadcast %jit3A_1786 : i32 to vector<16x2048xi32>
      %select_n3A_1788 = arith.select %eq3A_1785, %iota3A_152, %broadcast_in_dim3A_1787 : vector<16x2048xi1>, vector<16x2048xi32>
      %reduce_min3A_1789 = arith.constant dense<2147483647> : vector<16xi32>
      %reduce_min3A_1790 = vector.multi_reduction <minsi>, %select_n3A_1788, %reduce_min3A_1789 [1] : vector<16x2048xi32> to vector<16xi32>
      %broadcast_in_dim3A_1791 = vector.shape_cast %reduce_min3A_1790 : vector<16xi32> to vector<16x1xi32>
      %eq3A_1792 = arith.constant 54 : i32
      %eq3A_1793 = vector.broadcast %eq3A_1792 : i32 to vector<16x64xi32>
      %eq3A_1794 = arith.cmpi eq, %iota3A_153, %eq3A_1793 : vector<16x64xi32>
      %broadcast_in_dim3A_1795 = vector.shape_cast %broadcast_in_dim3A_1791 : vector<16x1xi32> to vector<16x1xi32>
      %broadcast_in_dim3A_1796 = vector.broadcast %broadcast_in_dim3A_1795 : vector<16x1xi32> to vector<16x64xi32>
      %select_n3A_1797 = arith.select %eq3A_1794, %broadcast_in_dim3A_1796, %select_n3A_1767 : vector<16x64xi1>, vector<16x64xi32>
      %eq3A_1798 = arith.constant 54 : i32
      %eq3A_1799 = vector.broadcast %eq3A_1798 : i32 to vector<16x64xi32>
      %eq3A_1800 = arith.cmpi eq, %iota3A_153, %eq3A_1799 : vector<16x64xi32>
      %sub3A_1801 = arith.subf %broadcast_in_dim3A_1783, %broadcast_in_dim3A_147 : vector<16x1xf32>
      %exp3A_1802 = math.exp %sub3A_1801 : vector<16x1xf32>
      %broadcast_in_dim3A_1803 = vector.shape_cast %exp3A_1802 : vector<16x1xf32> to vector<16x1xf32>
      %broadcast_in_dim3A_1804 = vector.broadcast %broadcast_in_dim3A_1803 : vector<16x1xf32> to vector<16x64xf32>
      %select_n3A_1805 = arith.select %eq3A_1800, %broadcast_in_dim3A_1804, %select_n3A_1775 : vector<16x64xi1>, vector<16x64xf32>
      %eq3A_1806 = vector.broadcast %broadcast_in_dim3A_1791 : vector<16x1xi32> to vector<16x2048xi32>
      %eq3A_1807 = arith.cmpi eq, %iota3A_152, %eq3A_1806 : vector<16x2048xi32>
      %jit3A_1808 = arith.constant 0xFF800000 : f32
      %broadcast_in_dim3A_1809 = vector.broadcast %jit3A_1808 : f32 to vector<16x2048xf32>
      %select_n3A_1810 = arith.select %eq3A_1807, %broadcast_in_dim3A_1809, %select_n3A_1780 : vector<16x2048xi1>, vector<16x2048xf32>
      %reduce_max3A_1811 = arith.constant dense<0xFF800000> : vector<16xf32>
      %reduce_max3A_1812 = vector.multi_reduction <maximumf>, %select_n3A_1810, %reduce_max3A_1811 [1] : vector<16x2048xf32> to vector<16xf32>
      %broadcast_in_dim3A_1813 = vector.shape_cast %reduce_max3A_1812 : vector<16xf32> to vector<16x1xf32>
      %eq3A_1814 = vector.broadcast %broadcast_in_dim3A_1813 : vector<16x1xf32> to vector<16x2048xf32>
      %eq3A_1815 = arith.cmpf oeq, %select_n3A_1810, %eq3A_1814 : vector<16x2048xf32>
      %jit3A_1816 = arith.constant 2048 : i32
      %broadcast_in_dim3A_1817 = vector.broadcast %jit3A_1816 : i32 to vector<16x2048xi32>
      %select_n3A_1818 = arith.select %eq3A_1815, %iota3A_152, %broadcast_in_dim3A_1817 : vector<16x2048xi1>, vector<16x2048xi32>
      %reduce_min3A_1819 = arith.constant dense<2147483647> : vector<16xi32>
      %reduce_min3A_1820 = vector.multi_reduction <minsi>, %select_n3A_1818, %reduce_min3A_1819 [1] : vector<16x2048xi32> to vector<16xi32>
      %broadcast_in_dim3A_1821 = vector.shape_cast %reduce_min3A_1820 : vector<16xi32> to vector<16x1xi32>
      %eq3A_1822 = arith.constant 55 : i32
      %eq3A_1823 = vector.broadcast %eq3A_1822 : i32 to vector<16x64xi32>
      %eq3A_1824 = arith.cmpi eq, %iota3A_153, %eq3A_1823 : vector<16x64xi32>
      %broadcast_in_dim3A_1825 = vector.shape_cast %broadcast_in_dim3A_1821 : vector<16x1xi32> to vector<16x1xi32>
      %broadcast_in_dim3A_1826 = vector.broadcast %broadcast_in_dim3A_1825 : vector<16x1xi32> to vector<16x64xi32>
      %select_n3A_1827 = arith.select %eq3A_1824, %broadcast_in_dim3A_1826, %select_n3A_1797 : vector<16x64xi1>, vector<16x64xi32>
      %eq3A_1828 = arith.constant 55 : i32
      %eq3A_1829 = vector.broadcast %eq3A_1828 : i32 to vector<16x64xi32>
      %eq3A_1830 = arith.cmpi eq, %iota3A_153, %eq3A_1829 : vector<16x64xi32>
      %sub3A_1831 = arith.subf %broadcast_in_dim3A_1813, %broadcast_in_dim3A_147 : vector<16x1xf32>
      %exp3A_1832 = math.exp %sub3A_1831 : vector<16x1xf32>
      %broadcast_in_dim3A_1833 = vector.shape_cast %exp3A_1832 : vector<16x1xf32> to vector<16x1xf32>
      %broadcast_in_dim3A_1834 = vector.broadcast %broadcast_in_dim3A_1833 : vector<16x1xf32> to vector<16x64xf32>
      %select_n3A_1835 = arith.select %eq3A_1830, %broadcast_in_dim3A_1834, %select_n3A_1805 : vector<16x64xi1>, vector<16x64xf32>
      %eq3A_1836 = vector.broadcast %broadcast_in_dim3A_1821 : vector<16x1xi32> to vector<16x2048xi32>
      %eq3A_1837 = arith.cmpi eq, %iota3A_152, %eq3A_1836 : vector<16x2048xi32>
      %jit3A_1838 = arith.constant 0xFF800000 : f32
      %broadcast_in_dim3A_1839 = vector.broadcast %jit3A_1838 : f32 to vector<16x2048xf32>
      %select_n3A_1840 = arith.select %eq3A_1837, %broadcast_in_dim3A_1839, %select_n3A_1810 : vector<16x2048xi1>, vector<16x2048xf32>
      %reduce_max3A_1841 = arith.constant dense<0xFF800000> : vector<16xf32>
      %reduce_max3A_1842 = vector.multi_reduction <maximumf>, %select_n3A_1840, %reduce_max3A_1841 [1] : vector<16x2048xf32> to vector<16xf32>
      %broadcast_in_dim3A_1843 = vector.shape_cast %reduce_max3A_1842 : vector<16xf32> to vector<16x1xf32>
      %eq3A_1844 = vector.broadcast %broadcast_in_dim3A_1843 : vector<16x1xf32> to vector<16x2048xf32>
      %eq3A_1845 = arith.cmpf oeq, %select_n3A_1840, %eq3A_1844 : vector<16x2048xf32>
      %jit3A_1846 = arith.constant 2048 : i32
      %broadcast_in_dim3A_1847 = vector.broadcast %jit3A_1846 : i32 to vector<16x2048xi32>
      %select_n3A_1848 = arith.select %eq3A_1845, %iota3A_152, %broadcast_in_dim3A_1847 : vector<16x2048xi1>, vector<16x2048xi32>
      %reduce_min3A_1849 = arith.constant dense<2147483647> : vector<16xi32>
      %reduce_min3A_1850 = vector.multi_reduction <minsi>, %select_n3A_1848, %reduce_min3A_1849 [1] : vector<16x2048xi32> to vector<16xi32>
      %broadcast_in_dim3A_1851 = vector.shape_cast %reduce_min3A_1850 : vector<16xi32> to vector<16x1xi32>
      %eq3A_1852 = arith.constant 56 : i32
      %eq3A_1853 = vector.broadcast %eq3A_1852 : i32 to vector<16x64xi32>
      %eq3A_1854 = arith.cmpi eq, %iota3A_153, %eq3A_1853 : vector<16x64xi32>
      %broadcast_in_dim3A_1855 = vector.shape_cast %broadcast_in_dim3A_1851 : vector<16x1xi32> to vector<16x1xi32>
      %broadcast_in_dim3A_1856 = vector.broadcast %broadcast_in_dim3A_1855 : vector<16x1xi32> to vector<16x64xi32>
      %select_n3A_1857 = arith.select %eq3A_1854, %broadcast_in_dim3A_1856, %select_n3A_1827 : vector<16x64xi1>, vector<16x64xi32>
      %eq3A_1858 = arith.constant 56 : i32
      %eq3A_1859 = vector.broadcast %eq3A_1858 : i32 to vector<16x64xi32>
      %eq3A_1860 = arith.cmpi eq, %iota3A_153, %eq3A_1859 : vector<16x64xi32>
      %sub3A_1861 = arith.subf %broadcast_in_dim3A_1843, %broadcast_in_dim3A_147 : vector<16x1xf32>
      %exp3A_1862 = math.exp %sub3A_1861 : vector<16x1xf32>
      %broadcast_in_dim3A_1863 = vector.shape_cast %exp3A_1862 : vector<16x1xf32> to vector<16x1xf32>
      %broadcast_in_dim3A_1864 = vector.broadcast %broadcast_in_dim3A_1863 : vector<16x1xf32> to vector<16x64xf32>
      %select_n3A_1865 = arith.select %eq3A_1860, %broadcast_in_dim3A_1864, %select_n3A_1835 : vector<16x64xi1>, vector<16x64xf32>
      %eq3A_1866 = vector.broadcast %broadcast_in_dim3A_1851 : vector<16x1xi32> to vector<16x2048xi32>
      %eq3A_1867 = arith.cmpi eq, %iota3A_152, %eq3A_1866 : vector<16x2048xi32>
      %jit3A_1868 = arith.constant 0xFF800000 : f32
      %broadcast_in_dim3A_1869 = vector.broadcast %jit3A_1868 : f32 to vector<16x2048xf32>
      %select_n3A_1870 = arith.select %eq3A_1867, %broadcast_in_dim3A_1869, %select_n3A_1840 : vector<16x2048xi1>, vector<16x2048xf32>
      %reduce_max3A_1871 = arith.constant dense<0xFF800000> : vector<16xf32>
      %reduce_max3A_1872 = vector.multi_reduction <maximumf>, %select_n3A_1870, %reduce_max3A_1871 [1] : vector<16x2048xf32> to vector<16xf32>
      %broadcast_in_dim3A_1873 = vector.shape_cast %reduce_max3A_1872 : vector<16xf32> to vector<16x1xf32>
      %eq3A_1874 = vector.broadcast %broadcast_in_dim3A_1873 : vector<16x1xf32> to vector<16x2048xf32>
      %eq3A_1875 = arith.cmpf oeq, %select_n3A_1870, %eq3A_1874 : vector<16x2048xf32>
      %jit3A_1876 = arith.constant 2048 : i32
      %broadcast_in_dim3A_1877 = vector.broadcast %jit3A_1876 : i32 to vector<16x2048xi32>
      %select_n3A_1878 = arith.select %eq3A_1875, %iota3A_152, %broadcast_in_dim3A_1877 : vector<16x2048xi1>, vector<16x2048xi32>
      %reduce_min3A_1879 = arith.constant dense<2147483647> : vector<16xi32>
      %reduce_min3A_1880 = vector.multi_reduction <minsi>, %select_n3A_1878, %reduce_min3A_1879 [1] : vector<16x2048xi32> to vector<16xi32>
      %broadcast_in_dim3A_1881 = vector.shape_cast %reduce_min3A_1880 : vector<16xi32> to vector<16x1xi32>
      %eq3A_1882 = arith.constant 57 : i32
      %eq3A_1883 = vector.broadcast %eq3A_1882 : i32 to vector<16x64xi32>
      %eq3A_1884 = arith.cmpi eq, %iota3A_153, %eq3A_1883 : vector<16x64xi32>
      %broadcast_in_dim3A_1885 = vector.shape_cast %broadcast_in_dim3A_1881 : vector<16x1xi32> to vector<16x1xi32>
      %broadcast_in_dim3A_1886 = vector.broadcast %broadcast_in_dim3A_1885 : vector<16x1xi32> to vector<16x64xi32>
      %select_n3A_1887 = arith.select %eq3A_1884, %broadcast_in_dim3A_1886, %select_n3A_1857 : vector<16x64xi1>, vector<16x64xi32>
      %eq3A_1888 = arith.constant 57 : i32
      %eq3A_1889 = vector.broadcast %eq3A_1888 : i32 to vector<16x64xi32>
      %eq3A_1890 = arith.cmpi eq, %iota3A_153, %eq3A_1889 : vector<16x64xi32>
      %sub3A_1891 = arith.subf %broadcast_in_dim3A_1873, %broadcast_in_dim3A_147 : vector<16x1xf32>
      %exp3A_1892 = math.exp %sub3A_1891 : vector<16x1xf32>
      %broadcast_in_dim3A_1893 = vector.shape_cast %exp3A_1892 : vector<16x1xf32> to vector<16x1xf32>
      %broadcast_in_dim3A_1894 = vector.broadcast %broadcast_in_dim3A_1893 : vector<16x1xf32> to vector<16x64xf32>
      %select_n3A_1895 = arith.select %eq3A_1890, %broadcast_in_dim3A_1894, %select_n3A_1865 : vector<16x64xi1>, vector<16x64xf32>
      %eq3A_1896 = vector.broadcast %broadcast_in_dim3A_1881 : vector<16x1xi32> to vector<16x2048xi32>
      %eq3A_1897 = arith.cmpi eq, %iota3A_152, %eq3A_1896 : vector<16x2048xi32>
      %jit3A_1898 = arith.constant 0xFF800000 : f32
      %broadcast_in_dim3A_1899 = vector.broadcast %jit3A_1898 : f32 to vector<16x2048xf32>
      %select_n3A_1900 = arith.select %eq3A_1897, %broadcast_in_dim3A_1899, %select_n3A_1870 : vector<16x2048xi1>, vector<16x2048xf32>
      %reduce_max3A_1901 = arith.constant dense<0xFF800000> : vector<16xf32>
      %reduce_max3A_1902 = vector.multi_reduction <maximumf>, %select_n3A_1900, %reduce_max3A_1901 [1] : vector<16x2048xf32> to vector<16xf32>
      %broadcast_in_dim3A_1903 = vector.shape_cast %reduce_max3A_1902 : vector<16xf32> to vector<16x1xf32>
      %eq3A_1904 = vector.broadcast %broadcast_in_dim3A_1903 : vector<16x1xf32> to vector<16x2048xf32>
      %eq3A_1905 = arith.cmpf oeq, %select_n3A_1900, %eq3A_1904 : vector<16x2048xf32>
      %jit3A_1906 = arith.constant 2048 : i32
      %broadcast_in_dim3A_1907 = vector.broadcast %jit3A_1906 : i32 to vector<16x2048xi32>
      %select_n3A_1908 = arith.select %eq3A_1905, %iota3A_152, %broadcast_in_dim3A_1907 : vector<16x2048xi1>, vector<16x2048xi32>
      %reduce_min3A_1909 = arith.constant dense<2147483647> : vector<16xi32>
      %reduce_min3A_1910 = vector.multi_reduction <minsi>, %select_n3A_1908, %reduce_min3A_1909 [1] : vector<16x2048xi32> to vector<16xi32>
      %broadcast_in_dim3A_1911 = vector.shape_cast %reduce_min3A_1910 : vector<16xi32> to vector<16x1xi32>
      %eq3A_1912 = arith.constant 58 : i32
      %eq3A_1913 = vector.broadcast %eq3A_1912 : i32 to vector<16x64xi32>
      %eq3A_1914 = arith.cmpi eq, %iota3A_153, %eq3A_1913 : vector<16x64xi32>
      %broadcast_in_dim3A_1915 = vector.shape_cast %broadcast_in_dim3A_1911 : vector<16x1xi32> to vector<16x1xi32>
      %broadcast_in_dim3A_1916 = vector.broadcast %broadcast_in_dim3A_1915 : vector<16x1xi32> to vector<16x64xi32>
      %select_n3A_1917 = arith.select %eq3A_1914, %broadcast_in_dim3A_1916, %select_n3A_1887 : vector<16x64xi1>, vector<16x64xi32>
      %eq3A_1918 = arith.constant 58 : i32
      %eq3A_1919 = vector.broadcast %eq3A_1918 : i32 to vector<16x64xi32>
      %eq3A_1920 = arith.cmpi eq, %iota3A_153, %eq3A_1919 : vector<16x64xi32>
      %sub3A_1921 = arith.subf %broadcast_in_dim3A_1903, %broadcast_in_dim3A_147 : vector<16x1xf32>
      %exp3A_1922 = math.exp %sub3A_1921 : vector<16x1xf32>
      %broadcast_in_dim3A_1923 = vector.shape_cast %exp3A_1922 : vector<16x1xf32> to vector<16x1xf32>
      %broadcast_in_dim3A_1924 = vector.broadcast %broadcast_in_dim3A_1923 : vector<16x1xf32> to vector<16x64xf32>
      %select_n3A_1925 = arith.select %eq3A_1920, %broadcast_in_dim3A_1924, %select_n3A_1895 : vector<16x64xi1>, vector<16x64xf32>
      %eq3A_1926 = vector.broadcast %broadcast_in_dim3A_1911 : vector<16x1xi32> to vector<16x2048xi32>
      %eq3A_1927 = arith.cmpi eq, %iota3A_152, %eq3A_1926 : vector<16x2048xi32>
      %jit3A_1928 = arith.constant 0xFF800000 : f32
      %broadcast_in_dim3A_1929 = vector.broadcast %jit3A_1928 : f32 to vector<16x2048xf32>
      %select_n3A_1930 = arith.select %eq3A_1927, %broadcast_in_dim3A_1929, %select_n3A_1900 : vector<16x2048xi1>, vector<16x2048xf32>
      %reduce_max3A_1931 = arith.constant dense<0xFF800000> : vector<16xf32>
      %reduce_max3A_1932 = vector.multi_reduction <maximumf>, %select_n3A_1930, %reduce_max3A_1931 [1] : vector<16x2048xf32> to vector<16xf32>
      %broadcast_in_dim3A_1933 = vector.shape_cast %reduce_max3A_1932 : vector<16xf32> to vector<16x1xf32>
      %eq3A_1934 = vector.broadcast %broadcast_in_dim3A_1933 : vector<16x1xf32> to vector<16x2048xf32>
      %eq3A_1935 = arith.cmpf oeq, %select_n3A_1930, %eq3A_1934 : vector<16x2048xf32>
      %jit3A_1936 = arith.constant 2048 : i32
      %broadcast_in_dim3A_1937 = vector.broadcast %jit3A_1936 : i32 to vector<16x2048xi32>
      %select_n3A_1938 = arith.select %eq3A_1935, %iota3A_152, %broadcast_in_dim3A_1937 : vector<16x2048xi1>, vector<16x2048xi32>
      %reduce_min3A_1939 = arith.constant dense<2147483647> : vector<16xi32>
      %reduce_min3A_1940 = vector.multi_reduction <minsi>, %select_n3A_1938, %reduce_min3A_1939 [1] : vector<16x2048xi32> to vector<16xi32>
      %broadcast_in_dim3A_1941 = vector.shape_cast %reduce_min3A_1940 : vector<16xi32> to vector<16x1xi32>
      %eq3A_1942 = arith.constant 59 : i32
      %eq3A_1943 = vector.broadcast %eq3A_1942 : i32 to vector<16x64xi32>
      %eq3A_1944 = arith.cmpi eq, %iota3A_153, %eq3A_1943 : vector<16x64xi32>
      %broadcast_in_dim3A_1945 = vector.shape_cast %broadcast_in_dim3A_1941 : vector<16x1xi32> to vector<16x1xi32>
      %broadcast_in_dim3A_1946 = vector.broadcast %broadcast_in_dim3A_1945 : vector<16x1xi32> to vector<16x64xi32>
      %select_n3A_1947 = arith.select %eq3A_1944, %broadcast_in_dim3A_1946, %select_n3A_1917 : vector<16x64xi1>, vector<16x64xi32>
      %eq3A_1948 = arith.constant 59 : i32
      %eq3A_1949 = vector.broadcast %eq3A_1948 : i32 to vector<16x64xi32>
      %eq3A_1950 = arith.cmpi eq, %iota3A_153, %eq3A_1949 : vector<16x64xi32>
      %sub3A_1951 = arith.subf %broadcast_in_dim3A_1933, %broadcast_in_dim3A_147 : vector<16x1xf32>
      %exp3A_1952 = math.exp %sub3A_1951 : vector<16x1xf32>
      %broadcast_in_dim3A_1953 = vector.shape_cast %exp3A_1952 : vector<16x1xf32> to vector<16x1xf32>
      %broadcast_in_dim3A_1954 = vector.broadcast %broadcast_in_dim3A_1953 : vector<16x1xf32> to vector<16x64xf32>
      %select_n3A_1955 = arith.select %eq3A_1950, %broadcast_in_dim3A_1954, %select_n3A_1925 : vector<16x64xi1>, vector<16x64xf32>
      %eq3A_1956 = vector.broadcast %broadcast_in_dim3A_1941 : vector<16x1xi32> to vector<16x2048xi32>
      %eq3A_1957 = arith.cmpi eq, %iota3A_152, %eq3A_1956 : vector<16x2048xi32>
      %jit3A_1958 = arith.constant 0xFF800000 : f32
      %broadcast_in_dim3A_1959 = vector.broadcast %jit3A_1958 : f32 to vector<16x2048xf32>
      %select_n3A_1960 = arith.select %eq3A_1957, %broadcast_in_dim3A_1959, %select_n3A_1930 : vector<16x2048xi1>, vector<16x2048xf32>
      %reduce_max3A_1961 = arith.constant dense<0xFF800000> : vector<16xf32>
      %reduce_max3A_1962 = vector.multi_reduction <maximumf>, %select_n3A_1960, %reduce_max3A_1961 [1] : vector<16x2048xf32> to vector<16xf32>
      %broadcast_in_dim3A_1963 = vector.shape_cast %reduce_max3A_1962 : vector<16xf32> to vector<16x1xf32>
      %eq3A_1964 = vector.broadcast %broadcast_in_dim3A_1963 : vector<16x1xf32> to vector<16x2048xf32>
      %eq3A_1965 = arith.cmpf oeq, %select_n3A_1960, %eq3A_1964 : vector<16x2048xf32>
      %jit3A_1966 = arith.constant 2048 : i32
      %broadcast_in_dim3A_1967 = vector.broadcast %jit3A_1966 : i32 to vector<16x2048xi32>
      %select_n3A_1968 = arith.select %eq3A_1965, %iota3A_152, %broadcast_in_dim3A_1967 : vector<16x2048xi1>, vector<16x2048xi32>
      %reduce_min3A_1969 = arith.constant dense<2147483647> : vector<16xi32>
      %reduce_min3A_1970 = vector.multi_reduction <minsi>, %select_n3A_1968, %reduce_min3A_1969 [1] : vector<16x2048xi32> to vector<16xi32>
      %broadcast_in_dim3A_1971 = vector.shape_cast %reduce_min3A_1970 : vector<16xi32> to vector<16x1xi32>
      %eq3A_1972 = arith.constant 60 : i32
      %eq3A_1973 = vector.broadcast %eq3A_1972 : i32 to vector<16x64xi32>
      %eq3A_1974 = arith.cmpi eq, %iota3A_153, %eq3A_1973 : vector<16x64xi32>
      %broadcast_in_dim3A_1975 = vector.shape_cast %broadcast_in_dim3A_1971 : vector<16x1xi32> to vector<16x1xi32>
      %broadcast_in_dim3A_1976 = vector.broadcast %broadcast_in_dim3A_1975 : vector<16x1xi32> to vector<16x64xi32>
      %select_n3A_1977 = arith.select %eq3A_1974, %broadcast_in_dim3A_1976, %select_n3A_1947 : vector<16x64xi1>, vector<16x64xi32>
      %eq3A_1978 = arith.constant 60 : i32
      %eq3A_1979 = vector.broadcast %eq3A_1978 : i32 to vector<16x64xi32>
      %eq3A_1980 = arith.cmpi eq, %iota3A_153, %eq3A_1979 : vector<16x64xi32>
      %sub3A_1981 = arith.subf %broadcast_in_dim3A_1963, %broadcast_in_dim3A_147 : vector<16x1xf32>
      %exp3A_1982 = math.exp %sub3A_1981 : vector<16x1xf32>
      %broadcast_in_dim3A_1983 = vector.shape_cast %exp3A_1982 : vector<16x1xf32> to vector<16x1xf32>
      %broadcast_in_dim3A_1984 = vector.broadcast %broadcast_in_dim3A_1983 : vector<16x1xf32> to vector<16x64xf32>
      %select_n3A_1985 = arith.select %eq3A_1980, %broadcast_in_dim3A_1984, %select_n3A_1955 : vector<16x64xi1>, vector<16x64xf32>
      %eq3A_1986 = vector.broadcast %broadcast_in_dim3A_1971 : vector<16x1xi32> to vector<16x2048xi32>
      %eq3A_1987 = arith.cmpi eq, %iota3A_152, %eq3A_1986 : vector<16x2048xi32>
      %jit3A_1988 = arith.constant 0xFF800000 : f32
      %broadcast_in_dim3A_1989 = vector.broadcast %jit3A_1988 : f32 to vector<16x2048xf32>
      %select_n3A_1990 = arith.select %eq3A_1987, %broadcast_in_dim3A_1989, %select_n3A_1960 : vector<16x2048xi1>, vector<16x2048xf32>
      %reduce_max3A_1991 = arith.constant dense<0xFF800000> : vector<16xf32>
      %reduce_max3A_1992 = vector.multi_reduction <maximumf>, %select_n3A_1990, %reduce_max3A_1991 [1] : vector<16x2048xf32> to vector<16xf32>
      %broadcast_in_dim3A_1993 = vector.shape_cast %reduce_max3A_1992 : vector<16xf32> to vector<16x1xf32>
      %eq3A_1994 = vector.broadcast %broadcast_in_dim3A_1993 : vector<16x1xf32> to vector<16x2048xf32>
      %eq3A_1995 = arith.cmpf oeq, %select_n3A_1990, %eq3A_1994 : vector<16x2048xf32>
      %jit3A_1996 = arith.constant 2048 : i32
      %broadcast_in_dim3A_1997 = vector.broadcast %jit3A_1996 : i32 to vector<16x2048xi32>
      %select_n3A_1998 = arith.select %eq3A_1995, %iota3A_152, %broadcast_in_dim3A_1997 : vector<16x2048xi1>, vector<16x2048xi32>
      %reduce_min3A_1999 = arith.constant dense<2147483647> : vector<16xi32>
      %reduce_min3A_2000 = vector.multi_reduction <minsi>, %select_n3A_1998, %reduce_min3A_1999 [1] : vector<16x2048xi32> to vector<16xi32>
      %broadcast_in_dim3A_2001 = vector.shape_cast %reduce_min3A_2000 : vector<16xi32> to vector<16x1xi32>
      %eq3A_2002 = arith.constant 61 : i32
      %eq3A_2003 = vector.broadcast %eq3A_2002 : i32 to vector<16x64xi32>
      %eq3A_2004 = arith.cmpi eq, %iota3A_153, %eq3A_2003 : vector<16x64xi32>
      %broadcast_in_dim3A_2005 = vector.shape_cast %broadcast_in_dim3A_2001 : vector<16x1xi32> to vector<16x1xi32>
      %broadcast_in_dim3A_2006 = vector.broadcast %broadcast_in_dim3A_2005 : vector<16x1xi32> to vector<16x64xi32>
      %select_n3A_2007 = arith.select %eq3A_2004, %broadcast_in_dim3A_2006, %select_n3A_1977 : vector<16x64xi1>, vector<16x64xi32>
      %eq3A_2008 = arith.constant 61 : i32
      %eq3A_2009 = vector.broadcast %eq3A_2008 : i32 to vector<16x64xi32>
      %eq3A_2010 = arith.cmpi eq, %iota3A_153, %eq3A_2009 : vector<16x64xi32>
      %sub3A_2011 = arith.subf %broadcast_in_dim3A_1993, %broadcast_in_dim3A_147 : vector<16x1xf32>
      %exp3A_2012 = math.exp %sub3A_2011 : vector<16x1xf32>
      %broadcast_in_dim3A_2013 = vector.shape_cast %exp3A_2012 : vector<16x1xf32> to vector<16x1xf32>
      %broadcast_in_dim3A_2014 = vector.broadcast %broadcast_in_dim3A_2013 : vector<16x1xf32> to vector<16x64xf32>
      %select_n3A_2015 = arith.select %eq3A_2010, %broadcast_in_dim3A_2014, %select_n3A_1985 : vector<16x64xi1>, vector<16x64xf32>
      %eq3A_2016 = vector.broadcast %broadcast_in_dim3A_2001 : vector<16x1xi32> to vector<16x2048xi32>
      %eq3A_2017 = arith.cmpi eq, %iota3A_152, %eq3A_2016 : vector<16x2048xi32>
      %jit3A_2018 = arith.constant 0xFF800000 : f32
      %broadcast_in_dim3A_2019 = vector.broadcast %jit3A_2018 : f32 to vector<16x2048xf32>
      %select_n3A_2020 = arith.select %eq3A_2017, %broadcast_in_dim3A_2019, %select_n3A_1990 : vector<16x2048xi1>, vector<16x2048xf32>
      %reduce_max3A_2021 = arith.constant dense<0xFF800000> : vector<16xf32>
      %reduce_max3A_2022 = vector.multi_reduction <maximumf>, %select_n3A_2020, %reduce_max3A_2021 [1] : vector<16x2048xf32> to vector<16xf32>
      %broadcast_in_dim3A_2023 = vector.shape_cast %reduce_max3A_2022 : vector<16xf32> to vector<16x1xf32>
      %eq3A_2024 = vector.broadcast %broadcast_in_dim3A_2023 : vector<16x1xf32> to vector<16x2048xf32>
      %eq3A_2025 = arith.cmpf oeq, %select_n3A_2020, %eq3A_2024 : vector<16x2048xf32>
      %jit3A_2026 = arith.constant 2048 : i32
      %broadcast_in_dim3A_2027 = vector.broadcast %jit3A_2026 : i32 to vector<16x2048xi32>
      %select_n3A_2028 = arith.select %eq3A_2025, %iota3A_152, %broadcast_in_dim3A_2027 : vector<16x2048xi1>, vector<16x2048xi32>
      %reduce_min3A_2029 = arith.constant dense<2147483647> : vector<16xi32>
      %reduce_min3A_2030 = vector.multi_reduction <minsi>, %select_n3A_2028, %reduce_min3A_2029 [1] : vector<16x2048xi32> to vector<16xi32>
      %broadcast_in_dim3A_2031 = vector.shape_cast %reduce_min3A_2030 : vector<16xi32> to vector<16x1xi32>
      %eq3A_2032 = arith.constant 62 : i32
      %eq3A_2033 = vector.broadcast %eq3A_2032 : i32 to vector<16x64xi32>
      %eq3A_2034 = arith.cmpi eq, %iota3A_153, %eq3A_2033 : vector<16x64xi32>
      %broadcast_in_dim3A_2035 = vector.shape_cast %broadcast_in_dim3A_2031 : vector<16x1xi32> to vector<16x1xi32>
      %broadcast_in_dim3A_2036 = vector.broadcast %broadcast_in_dim3A_2035 : vector<16x1xi32> to vector<16x64xi32>
      %select_n3A_2037 = arith.select %eq3A_2034, %broadcast_in_dim3A_2036, %select_n3A_2007 : vector<16x64xi1>, vector<16x64xi32>
      %eq3A_2038 = arith.constant 62 : i32
      %eq3A_2039 = vector.broadcast %eq3A_2038 : i32 to vector<16x64xi32>
      %eq3A_2040 = arith.cmpi eq, %iota3A_153, %eq3A_2039 : vector<16x64xi32>
      %sub3A_2041 = arith.subf %broadcast_in_dim3A_2023, %broadcast_in_dim3A_147 : vector<16x1xf32>
      %exp3A_2042 = math.exp %sub3A_2041 : vector<16x1xf32>
      %broadcast_in_dim3A_2043 = vector.shape_cast %exp3A_2042 : vector<16x1xf32> to vector<16x1xf32>
      %broadcast_in_dim3A_2044 = vector.broadcast %broadcast_in_dim3A_2043 : vector<16x1xf32> to vector<16x64xf32>
      %select_n3A_2045 = arith.select %eq3A_2040, %broadcast_in_dim3A_2044, %select_n3A_2015 : vector<16x64xi1>, vector<16x64xf32>
      %eq3A_2046 = vector.broadcast %broadcast_in_dim3A_2031 : vector<16x1xi32> to vector<16x2048xi32>
      %eq3A_2047 = arith.cmpi eq, %iota3A_152, %eq3A_2046 : vector<16x2048xi32>
      %jit3A_2048 = arith.constant 0xFF800000 : f32
      %broadcast_in_dim3A_2049 = vector.broadcast %jit3A_2048 : f32 to vector<16x2048xf32>
      %select_n3A_2050 = arith.select %eq3A_2047, %broadcast_in_dim3A_2049, %select_n3A_2020 : vector<16x2048xi1>, vector<16x2048xf32>
      %reduce_max3A_2051 = arith.constant dense<0xFF800000> : vector<16xf32>
      %reduce_max3A_2052 = vector.multi_reduction <maximumf>, %select_n3A_2050, %reduce_max3A_2051 [1] : vector<16x2048xf32> to vector<16xf32>
      %broadcast_in_dim3A_2053 = vector.shape_cast %reduce_max3A_2052 : vector<16xf32> to vector<16x1xf32>
      %eq3A_2054 = vector.broadcast %broadcast_in_dim3A_2053 : vector<16x1xf32> to vector<16x2048xf32>
      %eq3A_2055 = arith.cmpf oeq, %select_n3A_2050, %eq3A_2054 : vector<16x2048xf32>
      %jit3A_2056 = arith.constant 2048 : i32
      %broadcast_in_dim3A_2057 = vector.broadcast %jit3A_2056 : i32 to vector<16x2048xi32>
      %select_n3A_2058 = arith.select %eq3A_2055, %iota3A_152, %broadcast_in_dim3A_2057 : vector<16x2048xi1>, vector<16x2048xi32>
      %reduce_min3A_2059 = arith.constant dense<2147483647> : vector<16xi32>
      %reduce_min3A_2060 = vector.multi_reduction <minsi>, %select_n3A_2058, %reduce_min3A_2059 [1] : vector<16x2048xi32> to vector<16xi32>
      %broadcast_in_dim3A_2061 = vector.shape_cast %reduce_min3A_2060 : vector<16xi32> to vector<16x1xi32>
      %eq3A_2062 = arith.constant 63 : i32
      %eq3A_2063 = vector.broadcast %eq3A_2062 : i32 to vector<16x64xi32>
      %eq3A_2064 = arith.cmpi eq, %iota3A_153, %eq3A_2063 : vector<16x64xi32>
      %broadcast_in_dim3A_2065 = vector.shape_cast %broadcast_in_dim3A_2061 : vector<16x1xi32> to vector<16x1xi32>
      %broadcast_in_dim3A_2066 = vector.broadcast %broadcast_in_dim3A_2065 : vector<16x1xi32> to vector<16x64xi32>
      %select_n3A_2067 = arith.select %eq3A_2064, %broadcast_in_dim3A_2066, %select_n3A_2037 : vector<16x64xi1>, vector<16x64xi32>
      %eq3A_2068 = arith.constant 63 : i32
      %eq3A_2069 = vector.broadcast %eq3A_2068 : i32 to vector<16x64xi32>
      %eq3A_2070 = arith.cmpi eq, %iota3A_153, %eq3A_2069 : vector<16x64xi32>
      %sub3A_2071 = arith.subf %broadcast_in_dim3A_2053, %broadcast_in_dim3A_147 : vector<16x1xf32>
      %exp3A_2072 = math.exp %sub3A_2071 : vector<16x1xf32>
      %broadcast_in_dim3A_2073 = vector.shape_cast %exp3A_2072 : vector<16x1xf32> to vector<16x1xf32>
      %broadcast_in_dim3A_2074 = vector.broadcast %broadcast_in_dim3A_2073 : vector<16x1xf32> to vector<16x64xf32>
      %select_n3A_2075 = arith.select %eq3A_2070, %broadcast_in_dim3A_2074, %select_n3A_2045 : vector<16x64xi1>, vector<16x64xf32>
      %add3A_2076 = arith.addi %select_n3A_2067, %mul3A_157 : vector<16x64xi32>
      %swap3A_2077 = arith.constant 0 : index
      %swap3A_2078 = arith.constant 0 : index
      %swap3A_2079 = vector.load %arg16[%swap3A_2077, %swap3A_2078] : memref<16x64xi32, #tpu.memory_space<vmem>>, vector<16x64xi32>
      tpu.vector_store %arg16[%swap3A_2077, %swap3A_2078], %add3A_2076 {strides = array<i32>} : memref<16x64xi32, #tpu.memory_space<vmem>>, vector<16x64xi32>,
      %div3A = vector.broadcast %broadcast_in_dim3A_151 : vector<16x1xf32> to vector<16x64xf32>
      %div3A_2080 = arith.divf %select_n3A_2075, %div3A : vector<16x64xf32>
      %swap3A_2081 = arith.constant 0 : index
      %swap3A_2082 = arith.constant 0 : index
      %swap3A_2083 = arith.constant 0 : index
      %swap3A_2084 = vector.load %arg17[%swap3A_2081, %swap3A_2082, %swap3A_2083] : memref<16x1x64xf32, #tpu.memory_space<vmem>>, vector<16x1x64xf32>
      %swap3A_2085 = vector.shape_cast %swap3A_2084 : vector<16x1x64xf32> to vector<16x64xf32>
      %swap3A_2086 = vector.shape_cast %div3A_2080 : vector<16x64xf32> to vector<16x1x64xf32>
      tpu.vector_store %arg17[%swap3A_2081, %swap3A_2082, %swap3A_2083], %swap3A_2086 {strides = array<i32>} : memref<16x1x64xf32, #tpu.memory_space<vmem>>, vector<16x1x64xf32>,
    } else {
    }
    return
  }
  func.func @transform_0(%arg0: i32, %arg1: i32) -> (i32, i32, i32) {
    %c0_i32 = arith.constant 0 : i32
    %c0_i32_0 = arith.constant 0 : i32
    return %arg0, %arg1, %c0_i32 : i32, i32, i32
  }
  func.func @transform_1(%arg0: i32, %arg1: i32) -> (i32, i32, i32) {
    %c0_i32 = arith.constant 0 : i32
    %c0_i32_0 = arith.constant 0 : i32
    return %arg0, %arg1, %c0_i32 : i32, i32, i32
  }
  func.func @transform_2(%arg0: i32, %arg1: i32) -> (i32, i32, i32) {
    %c0_i32 = arith.constant 0 : i32
    %c0_i32_0 = arith.constant 0 : i32
    %c0_i32_1 = arith.constant 0 : i32
    return %arg0, %c0_i32, %c0_i32_0 : i32, i32, i32
  }
  func.func @transform_3(%arg0: i32, %arg1: i32) -> (i32, i32, i32) {
    %c0_i32 = arith.constant 0 : i32
    %c0_i32_0 = arith.constant 0 : i32
    %c0_i32_1 = arith.constant 0 : i32
    return %arg0, %c0_i32, %c0_i32_0 : i32, i32, i32
  }
  func.func @transform_4(%arg0: i32, %arg1: i32) -> (i32, i32) {
    %c0_i32 = arith.constant 0 : i32
    %c0_i32_0 = arith.constant 0 : i32
    %c0_i32_1 = arith.constant 0 : i32
    return %c0_i32, %c0_i32_0 : i32, i32
  }
  func.func @transform_5(%arg0: i32, %arg1: i32) -> (i32, i32) {
    %c0_i32 = arith.constant 0 : i32
    %c0_i32_0 = arith.constant 0 : i32
    %c0_i32_1 = arith.constant 0 : i32
    return %c0_i32, %c0_i32_0 : i32, i32
  }
  func.func @transform_6(%arg0: i32, %arg1: i32) -> (i32, i32) {
    %c0_i32 = arith.constant 0 : i32
    %c0_i32_0 = arith.constant 0 : i32
    %c0_i32_1 = arith.constant 0 : i32
    return %c0_i32, %c0_i32_0 : i32, i32
  }
  func.func @transform_7(%arg0: i32, %arg1: i32) -> (i32, i32) {
    %c0_i32 = arith.constant 0 : i32
    %c0_i32_0 = arith.constant 0 : i32
    %c0_i32_1 = arith.constant 0 : i32
    return %c0_i32, %c0_i32_0 : i32, i32
  }
  func.func @transform_8(%arg0: i32, %arg1: i32) -> (i32, i32) {
    %c0_i32 = arith.constant 0 : i32
    %c0_i32_0 = arith.constant 0 : i32
    %c0_i32_1 = arith.constant 0 : i32
    return %c0_i32, %c0_i32_0 : i32, i32
  }
  func.func @transform_9(%arg0: i32, %arg1: i32) -> (i32, i32) {
    %c0_i32 = arith.constant 0 : i32
    %c0_i32_0 = arith.constant 0 : i32
    %c0_i32_1 = arith.constant 0 : i32
    return %c0_i32, %c0_i32_0 : i32, i32
  }
  func.func @transform_10(%arg0: i32, %arg1: i32) -> (i32, i32) {
    %c0_i32 = arith.constant 0 : i32
    %c0_i32_0 = arith.constant 0 : i32
    %c0_i32_1 = arith.constant 0 : i32
    return %c0_i32, %c0_i32_0 : i32, i32
  }
  func.func @transform_11(%arg0: i32, %arg1: i32) -> (i32, i32) {
    %c0_i32 = arith.constant 0 : i32
    %c0_i32_0 = arith.constant 0 : i32
    %c0_i32_1 = arith.constant 0 : i32
    return %c0_i32, %c0_i32_0 : i32, i32
  }
  func.func @transform_12(%arg0: i32, %arg1: i32) -> (i32, i32) {
    %c0_i32 = arith.constant 0 : i32
    %c0_i32_0 = arith.constant 0 : i32
    %c0_i32_1 = arith.constant 0 : i32
    return %c0_i32, %c0_i32_0 : i32, i32
  }
  func.func @transform_13(%arg0: i32, %arg1: i32) -> (i32, i32) {
    %c0_i32 = arith.constant 0 : i32
    %c0_i32_0 = arith.constant 0 : i32
    %c0_i32_1 = arith.constant 0 : i32
    return %c0_i32, %c0_i32_0 : i32, i32
  }
  func.func @transform_14(%arg0: i32, %arg1: i32) -> (i32, i32) {
    %c0_i32 = arith.constant 0 : i32
    %c0_i32_0 = arith.constant 0 : i32
    %c0_i32_1 = arith.constant 0 : i32
    return %c0_i32, %c0_i32_0 : i32, i32
  }
  func.func @transform_15(%arg0: i32, %arg1: i32) -> (i32, i32, i32) {
    %c0_i32 = arith.constant 0 : i32
    %c0_i32_0 = arith.constant 0 : i32
    %c0_i32_1 = arith.constant 0 : i32
    %c0_i32_2 = arith.constant 0 : i32
    return %c0_i32, %c0_i32_0, %c0_i32_1 : i32, i32, i32
  }
}

</mosaic_0001>

<sc_bundles>
// kernel: kernel.5.cloned.1.call-start
scs
__scs_entry_jumppad:
0x0: {  	(pc) =	sbr.rel $0x88, $3  }
0x1: {  	(tag) =	ssettag $0x0;
	lr =	simm.s32 $0x1  }
0x2: {  	[smem:$0x3F85] =	sst lr;
	_ =	strace $0xD0000000  }
0x3: {  	_ = 	snop  }
0x4: {  	_ = 	snop  }
0x5: {  	_ = 	snop  }
0x6: {  	_ = 	snop  }
0x7: {  	_ = 	snop  }
__scs_overlays_trampoline_lowered:
0x8: {  	[smem:$0x3F94] =	sst s0  }
0x9: {  	[smem:$0x3F95] =	sst s1  }
0xa: {  	[smem:$0x3F96] =	sst s2  }
0xb: {  	[smem:$0x3F97] =	sst s3  }
0xc: {  	[smem:$0x3F98] =	sst s4  }
0xd: {  	[smem:$0x3F99] =	sst s5  }
0xe: {  	[smem:$0x3F9A] =	sst s6  }
0xf: {  	[smem:$0x3F9B] =	sst s7  }
0x10: {  	[smem:$0x3F9C] =	sst s8  }
0x11: {  	[smem:$0x3F9D] =	sst s9;
	s0 =	simm.s32 @!p0 $0x0  }
0x12: {  	s1 =	sld [smem:$0x3F83];
	s0 =	simm.s32 @p0 $0x1  }
0x13: {  	[smem:$0x3F9E] =	sst s0;
	s0 =	simm.s32 @!p1 $0x0  }
0x14: {  	s2 =	sld [smem:$0x3F82];
	s0 =	simm.s32 @p1 $0x1  }
0x15: {  	[smem:$0x3F9F] =	sst s0;
	s0 =	simm.s32 @!p2 $0x0  }
0x16: {  	s3 =	sld [smem:$0x3FDB];
	s0 =	simm.s32 @p2 $0x1  }
0x17: {  	s4 =	simm.s32 $0x1BF5;
	[smem:$0x3FA1] =	sst s0  }
0x18: {  	s0 =	sld [smem:$0x3F84];
	_ =	swait.ge [sflag:s4], $0x0  }
0x19: {  	s7 =	sld [smem:$0x3F85]  }
0x1a: {  	s8 =	sadd.s32 $0xFFFFE003, lr  }
0x1b: {  	s9 =	sadd.s32 $0xFFFFFEF7, lr;
	s5 =	simm.s32 $0xFFFFFFFF;
	p2 =	slt.u32 s8, $0xFFFFF086  }
0x1c: {  	p1 =	slt.u32 s9, $0xF7A;
	s5 =	simm.s32 @!p2 $0x0  }
0x1d: {  	s5 =	simm.s32 @p1 $0x1;
	p0 =	seq.s32 s7, s2  }
0x1e: {  	s7 =	smul.u32 @!p0 $0xF7A, s2;
	p2 =	seq.s32 @!p0 s5, $0x0  }
0x1f: {  	s9 =	smul.u32 $0xF7A, s1;
	s8 =	simm.s32 @!p0 $0x1BF5;
	p2 =	por !p2, p0  }
0x20: {  	[sflag:s8] =	ssyncset.s32 @!p0 $0xFFFFF086;
	s6 =	sadd.s32 @!p0 s3, s7;
	s7 =	simm.s32 @!p0 $0x108  }
0x21: {  	s3 =	sadd.s32 s3, s9;
	s6 =	sadd.s32 @!p0 $0x88, s6;
	s7 =	simm.s32 @p2 $0x1082  }
0x22: {  	[simem:s7], [sflag:s8] =	dma.local @!p0 [hbm:s6], $0xF7A  }
0x23: {  	s9 =	sor.u32 $0xD0000000, s2;
	s6 =	simm.s32 $0x108;
	_ =	swait.ge @!p0 [sflag:s8], $0x0  }
0x24: {  	s3 =	sadd.s32 $0x88, s3;
	s6 =	simm.s32 @!p1 $0x1082;
	[sflag:s4] =	ssyncset.s32 $0xFFFFF086  }
0x25: {  	[simem:s6], [sflag:s4] =	dma.local [hbm:s3], $0xF7A  }
0x26: {  	[smem:$0x3F85] =	sst s1;
	(tag) =	ssettag s2;
	_ =	strace s9  }
0x27: {  	s1 =	sld [smem:$0x3F95]  }
0x28: {  	s2 =	sld [smem:$0x3F96]  }
0x29: {  	s4 =	sld [smem:$0x3F98]  }
0x2a: {  	p0 =	seq.s32 s5, $0x0;
	s5 =	sld [smem:$0x3F99]  }
0x2b: {  	s6 =	sld [smem:$0x3F9A]  }
0x2c: {  	s7 =	sld [smem:$0x3F9B]  }
0x2d: {  	s3 =	simm.s32 $0x108;
	s8 =	sld [smem:$0x3F9C]  }
0x2e: {  	s3 =	simm.s32 @!p0 $0x1082;
	s9 =	sld [smem:$0x3F9D]  }
0x2f: {  	lr =	sadd.s32 s0, s3;
	s0 =	sld [smem:$0x3F94]  }
0x30: {  	s3 =	sld [smem:$0x3F97]  }
0x31: {  	[smem:$0x3FA0] =	sst s10  }
0x32: {  	s10 =	sld [smem:$0x3F9E];
	_ =	sdelay $0x3  }
0x33: {  	p0 =	seq.s32 s10, $0x1;
	s10 =	sld [smem:$0x3FA0];
	_ =	sdelay $0x3  }
0x34: {  	[smem:$0x3FA0] =	sst s10  }
0x35: {  	s10 =	sld [smem:$0x3F9F];
	_ =	sdelay $0x3  }
0x36: {  	p1 =	seq.s32 s10, $0x1;
	s10 =	sld [smem:$0x3FA0];
	_ =	sdelay $0x3  }
0x37: {  	[smem:$0x3FA0] =	sst s10  }
0x38: {  	s10 =	sld [smem:$0x3FA1]  }
0x39: {  	_ = 	snop;
	(pc) =	sbr.ind lr, $3  }
0x3a: {  	_ = 	snop  }
0x3b: {  	_ = 	snop  }
0x3c: {  	p2 =	seq.s32 s10, $0x1;
	s10 =	sld [smem:$0x3FA0]  }
0x3d: {  	_ =	shalt  }
0x3e: {  	_ =	shalt  }
0x3f: {  	_ =	shalt  }
0x40: {  	_ =	shalt  }
0x41: {  	_ =	shalt  }
0x42: {  	_ =	shalt  }
0x43: {  	_ =	shalt  }
0x44: {  	_ =	shalt  }
0x45: {  	_ =	shalt  }
0x46: {  	_ =	shalt  }
0x47: {  	_ =	shalt  }
0x48: {  	_ =	shalt  }
0x49: {  	_ =	shalt  }
0x4a: {  	_ =	shalt  }
0x4b: {  	_ =	shalt  }
0x4c: {  	_ =	shalt  }
0x4d: {  	_ =	shalt  }
0x4e: {  	_ =	shalt  }
0x4f: {  	_ =	shalt  }
0x50: {  	_ =	shalt  }
0x51: {  	_ =	shalt  }
0x52: {  	_ =	shalt  }
0x53: {  	_ =	shalt  }
0x54: {  	_ =	shalt  }
0x55: {  	_ =	shalt  }
0x56: {  	_ =	shalt  }
0x57: {  	_ =	shalt  }
0x58: {  	_ =	shalt  }
0x59: {  	_ =	shalt  }
0x5a: {  	_ =	shalt  }
0x5b: {  	_ =	shalt  }
0x5c: {  	_ =	shalt  }
0x5d: {  	_ =	shalt  }
0x5e: {  	_ =	shalt  }
0x5f: {  	_ =	shalt  }
0x60: {  	_ =	shalt  }
0x61: {  	_ =	shalt  }
0x62: {  	_ =	shalt  }
0x63: {  	_ =	shalt  }
0x64: {  	_ =	shalt  }
0x65: {  	_ =	shalt  }
0x66: {  	_ =	shalt  }
0x67: {  	_ =	shalt  }
0x68: {  	_ =	shalt  }
0x69: {  	_ =	shalt  }
0x6a: {  	_ =	shalt  }
0x6b: {  	_ =	shalt  }
0x6c: {  	_ =	shalt  }
0x6d: {  	_ =	shalt  }
0x6e: {  	_ =	shalt  }
0x6f: {  	_ =	shalt  }
0x70: {  	_ =	shalt  }
0x71: {  	_ =	shalt  }
0x72: {  	_ =	shalt  }
0x73: {  	_ =	shalt  }
0x74: {  	_ =	shalt  }
0x75: {  	_ =	shalt  }
0x76: {  	_ =	shalt  }
0x77: {  	_ =	shalt  }
0x78: {  	_ =	shalt  }
0x79: {  	_ =	shalt  }
0x7a: {  	_ =	shalt  }
0x7b: {  	_ =	shalt  }
0x7c: {  	_ =	shalt  }
0x7d: {  	_ =	shalt  }
0x7e: {  	_ =	shalt  }
0x7f: {  	_ =	shalt  }
0x80: {  	_ =	shalt  }
0x81: {  	_ =	shalt  }
0x82: {  	_ =	shalt  }
0x83: {  	_ =	shalt  }
0x84: {  	_ =	shalt  }
0x85: {  	_ =	shalt  }
0x86: {  	_ =	shalt  }
0x87: {  	_ =	shalt  }
.Lfunc_end0:
.L_simem_size_0:
called_computation_lowered:
.L_overlay_start_0:
0x88: {  	s2 =	sld [smem:$0x3FD9]  }
0x89: {  	s3 =	sld [smem:$0x3FFE];
	_ =	sdelay $0x1  }
0x8a: {  	s1 =	srdreg.scid  }
0x8b: {  	s0 =	sand.u32 $0x1, s1  }
0x8c: {  	s17 =	sshll.u32 s0, $0xA;
	s2 =	sadd.s32 s3, s2  }
0x8d: {  	s2 =	sadd.s32 s2, s17  }
0x8e: {  	[smem:$0x3FAC] =	sst s2  }
0x8f: {  	_ = 	snop  }
0x90: {  	s2 =	sld [smem:$0x3FC8]  }
0x91: {  	s18 =	sld [smem:$0x3FC7];
	(tm) =	ssettm $0x1  }
0x92: {  	s4 =	sld [smem:$0x3FFB];
	_ =	sdelay $0x3  }
0x93: {  	_ =	strace s4  }
0x94: {  	s4 =	sld [smem:$0x3FFC];
	_ =	sdelay $0x3  }
0x95: {  	_ =	strace s4  }
0x96: {  	s4 =	sld [smem:$0x3FFD];
	_ =	sdelay $0x3  }
0x97: {  	_ =	strace s4  }
0x98: {  	_ =	strace $0x8FFFFFFF  }
0x99: {  	s19 =	sld [smem:$0x3FDB];
	_ =	sdelay $0x1  }
0x9a: {  	s5 =	simm.s32 $_scs_section_size  }
0x9b: {  	s6 =	simm.s32 $_size__tile_overlayer_lowered;
	s7 =	simm.s32 $_tile_overlayer_lowered  }
0x9c: {  	s22 =	simm.s32 $0x1BFF;
	s21 =	sshll.u32 s7, $0x1;
	s4 =	sadd.s32 s5, s19  }
0x9d: {  	s8 =	simm.s32 $0x0;
	s20 =	sshll.u32 s6, $0x1;
	s6 =	sadd.s32 s21, s4  }
0x9e: {  	[timem:s8], [sflag:s22] =	dma.local [hbm:s6], s20  }
0x9f: {  	_ =	swait.ge [sflag:s22], s20  }
0xa0: {  	s5 =	ssub.s32 $0x0, s20;
	[sflag:s22] =	ssyncset.done $0x0  }
0xa1: {  	[sflag:s22] =	ssyncadd.s32 s5;
	_ =	sdelay $0x1  }
0xa2: {  	s23 =	simm.s32 $0x1B8B  }
0xa3: {  	_ =	swait.ge [sflag:s23], $0x1  }
0xa4: {  	[sflag:s23] =	ssyncset.done $0x0  }
0xa5: {  	s25 =	simm.s32 $0x1B8E;
	s24 =	sld [smem:$0x3FFE];
	[sflag:s23] =	ssyncadd.s32 $0xFFFFFFFF  }
0xa6: {  	s26 =	simm.s32 $execute0_lowered;
	[smem:$0x3FD2] =	sst s25  }
0xa7: {  	s6 =	sshll.u32 s26, $0x1;
	_ =	strace $0x80000046;
	[dreg:$0x1] =	wrdreg $0xFFFFFFFF  }
0xa8: {  	s28 =	simm.s32 $_size_execute0_lowered;
	s4 =	sadd.s32 s4, s6;
	[dreg:$0x0] =	wrdreg $0x0  }
0xa9: {  	s6 =	sshll.u32 s28, $0x1;
	[dreg:$0x2] =	wrdreg s4  }
0xaa: {  	[dreg:$0x3] =	wrdreg s6  }
0xab: {  	[dreg:$0x4] =	wrdreg $0xC0  }
0xac: {  	_ =	task [dreg:s8], $0x5FFFF  }
0xad: {  	[dreg:$0x1] =	wrdreg $0xFFFFFFFF  }
0xae: {  	[dreg:$0x0] =	wrdreg $0x60  }
0xaf: {  	[dreg:$0x2] =	wrdreg s18  }
0xb0: {  	[dreg:$0x3] =	wrdreg s2  }
0xb1: {  	[dreg:$0x4] =	wrdreg s24  }
0xb2: {  	[dreg:$0x5] =	wrdreg $0x9  }
0xb3: {  	_ =	task.clear_ibuf [dreg:s8], $0x6FFFF;
	_ =	strace $0x90000046  }
0xb4: {  	s29 =	simm.s32 $0x9;
	_ =	strace $0x80000048  }
0xb5: {  	_ =	swait.ge [sflag:s29], $0x1  }
0xb6: {  	[sflag:s29] =	ssyncadd.s32 $0xFFFFFFFF  }
0xb7: {  	_ =	strace $0x90000048  }
0xb8: {  	_ =	sfence  }
0xb9: {  	s30 =	sld [smem:$0x0];
	_ =	sdelay $0x2  }
0xba: {  	s31 =	sshll.u32 s1, $0xD;
	s1 =	sshrl.u32 s1, $0x2  }
0xbb: {  	s3 =	sand.u32 $0x4000, s31;
	s1 =	sadd.s32 s1, s30  }
0xbc: {  	s0 =	sor.u32 s3, s0;
	s1 =	sshll.u32 s1, $0x11  }
0xbd: {  	s0 =	sor.u32 s1, s0  }
0xbe: {  	s0 =	sadd.s32 $0x8F2B, s0  }
0xbf: {  	[sflag:s0] =	ssyncadd.remote.s32 $0x1  }
0xc0: {  	_ =	sfence.sel $0xFFFF  }
0xc1: {  	[dreg:$0x0] =	wrdreg $0xFFFFFFFF;
	(pc) =	sbr.abs _section_cstart, $3  }
0xc2: {  	[dreg:$0x1] =	wrdreg $0xFFFFFFFF  }
0xc3: {  	_ =	task.clear_ibuf [dreg:s8], $0x2FFFF;
	_ =	strace $0x9FFFFFFF  }
0xc4: {  	(tm) =	ssettm $0x7FFFFFFF  }
0xc5: {  	_ =	shalt  }
tec
execute0_lowered:
.L_overlay_start_1:
0x0: {  	(tag) =	ssettag $0x1  }
0x1: {  	s1 =	rddreg [dreg:$0x0]  }
0x2: {  	s2 =	srdreg.scid;
	s3 =	rddreg [dreg:$0x1]  }
0x3: {  	s0 =	stileid.u32;
	s6 =	rddreg [dreg:$0x2];
	s16 =	simm.s32 $0x880  }
0x4: {  	s17 =	simm.s32 $0x1080;
	s18 =	simm.s32 $0x1880;
	s2 =	sand.u32 $0x1, s2  }
0x5: {  	s19 =	simm.s32 $0x2080;
	s4 =	sshll.u32 s0, $0x6;
	s5 =	sshll.u32 s2, $0x5  }
0x6: {  	s20 =	simm.s32 $0x2880;
	s5 =	sor.u32 s5, s4;
	s4 =	simm.s32 $0x0  }
0x7: {  	s21 =	simm.s32 $0x3080;
	s23 =	simm.s32 $0x3880;
	[smem:$0x7FF] =	sst s4  }
0x8: {  	s24 =	simm.s32 $0x4080;
	_ =	strace $0x80000047;
	[dreg:$0x7] =	wrdreg s16  }
0x9: {  	s25 =	simm.s32 $0x4880;
	s8 =	simm.s32 $0x5080;
	[dreg:$0x8] =	wrdreg s17  }
0xa: {  	s9 =	simm.s32 $0x5880;
	s10 =	simm.s32 $0x6080;
	[dreg:$0x9] =	wrdreg s18  }
0xb: {  	s11 =	simm.s32 $0x6880;
	s12 =	simm.s32 $0x7080;
	[dreg:$0xa] =	wrdreg s19  }
0xc: {  	s26 =	simm.s32 $0x7880;
	s13 =	simm.s32 $0x80;
	[dreg:$0xb] =	wrdreg s20  }
0xd: {  	s28 =	simm.s32 $0xE880;
	s29 =	simm.s32 $0xF080;
	[dreg:$0xc] =	wrdreg s21  }
0xe: {  	s30 =	simm.s32 $0xF880;
	s2 =	ssub.s32 $0x2, s2;
	[dreg:$0xd] =	wrdreg s23  }
0xf: {  	s31 =	simm.s32 $0x1;
	s22 =	sshrl.u32 s2, $0x1;
	[dreg:$0xe] =	wrdreg s24  }
0x10: {  	s7 =	sshrl.u32 s5, $0x3;
	s5 =	sshll.u32 s5, $0x7;
	[dreg:$0xf] =	wrdreg s25  }
0x11: {  	s2 =	ssub.s32 s2, s22;
	s22 =	simm.s32 $0xC080;
	[dreg:$0x10] =	wrdreg s8  }
0x12: {  	s7 =	sadd.s32 s7, s6;
	s5 =	sadd.s32 s5, s6;
	[dreg:$0x11] =	wrdreg s9  }
0x13: {  	s6 =	sadd.s32 $0x200, s1;
	s8 =	sadd.s32 $0x100, s3;
	[dreg:$0x12] =	wrdreg s10  }
0x14: {  	s9 =	sadd.s32 $0x200, s3;
	s10 =	sadd.s32 $0x300, s3;
	[dreg:$0x13] =	wrdreg s11  }
0x15: {  	s11 =	smax.u32 s2, $0x1;
	[dreg:$0x14] =	wrdreg s12;
	s12 =	simm.s32 $0x3  }
0x16: {  	[dreg:$0x15] =	wrdreg s26;
	s16 =	simm.s32 $0x9080;
	s17 =	simm.s32 $0x9880  }
0x17: {  	s18 =	simm.s32 $0xA080;
	s19 =	simm.s32 $0xA880;
	s20 =	simm.s32 $0xB080  }
0x18: {  	s21 =	simm.s32 $0xB880;
	s23 =	simm.s32 $0xC880;
	s24 =	simm.s32 $0xD080  }
0x19: {  	s25 =	simm.s32 $0xD880;
	s26 =	simm.s32 $0xE080;
	s14 =	sadd.s32 $0x3C00, s7  }
0x1a: {  	v2 =	vlaneseq.u32;
	s2 =	simm.s32 $0x2;
	s15 =	sadd.s32 $0x3E00, s5;
	[dreg:$0x4] =	wrdreg s14  }
0x1b: {  	vm0 =	vmmov $0xffff;
	v1 =	vshrl.u32 v2, $0x3;
	s5 =	sadd.s32 $0x23E00, s5;
	s7 =	sadd.s32 $0x300, s1;
	[dreg:$0x5] =	wrdreg s15  }
0x1c: {  	v0 =	vand.u32 $0x7, v2;
	v2 =	vor.u32 $0x8, v2;
	v1 =	vmul.u32 $0x8, v1;
	[dreg:$0x6] =	wrdreg s5;
	s5 =	sadd.s32 $0x100, s1;
	s14 =	simm.s32 $0x8080  }
.LBB2_1:
0x1d: {  	s0 =	rddreg [dreg:$0x4]  }
0x1e: {  	[tilespmem:s4], [sflag:$0x3] =	stream.linear.gather [hbm4b:s0+s4], $0x20, $0x38;
	[tilespmem:$0x10080] =	vst v63  }
0x1f: {  	_ =	swait.ge [sflag:s12], $0x20  }
0x20: {  	[sflag:s12] =	ssyncset.done $0x0  }
0x21: {  	[sflag:s12] =	ssyncadd.s32 $0xFFFFFFE0  }
0x22: {  	v3 =	vld [tilespmem:$0x0];
	_ =	sdelay $0x4  }
0x23: {  	v4 =	vshll.u32 v3, $0x3  }
0x24: {  	v3 =	vand.u32 $0x7, v3;
	v4 =	vand.u32 $0xFFFFFFC0, v4  }
0x25: {  	v3 =	vor.u32 v3, v4  }
0x26: {  	v4 =	vperm.xlane v3, v0;
	_ =	sdelay $0x1  }
0x27: {  	v4 =	vadd.s32 v1, v4;
	_ =	sdelay $0x4  }
0x28: {  	[tilespmem:s13], [sflag:$0x1] =	stream.indirect_vreg.gather [hbm4b:s1+s4], $0x80, v4, vm0, $0xb8;
	[tilespmem:$0x10080] =	vst v63  }
0x29: {  	s0 =	rddreg [dreg:$0x7];
	v3 =	vperm.xlane v3, v2  }
0x2a: {  	[tilespmem:s0], [sflag:$0x1] =	stream.indirect_vreg.gather [hbm4b:s5+s4], $0x80, v4, vm0, $0xb8;
	[tilespmem:$0x10080] =	vst v63  }
0x2b: {  	s15 =	rddreg [dreg:$0x8];
	v3 =	vadd.s32 v1, v3  }
0x2c: {  	[tilespmem:s15], [sflag:$0x1] =	stream.indirect_vreg.gather [hbm4b:s6+s4], $0x80, v4, vm0, $0xb8;
	[tilespmem:$0x10080] =	vst v63  }
0x2d: {  	s0 =	rddreg [dreg:$0x9]  }
0x2e: {  	[tilespmem:s0], [sflag:$0x1] =	stream.indirect_vreg.gather [hbm4b:s7+s4], $0x80, v4, vm0, $0xb8;
	[tilespmem:$0x10080] =	vst v63  }
0x2f: {  	s15 =	rddreg [dreg:$0xa]  }
0x30: {  	[tilespmem:s15], [sflag:$0x1] =	stream.indirect_vreg.gather [hbm4b:s1+s4], $0x80, v3, vm0, $0xb8;
	[tilespmem:$0x10080] =	vst v63  }
0x31: {  	s0 =	rddreg [dreg:$0xb]  }
0x32: {  	[tilespmem:s0], [sflag:$0x1] =	stream.indirect_vreg.gather [hbm4b:s5+s4], $0x80, v3, vm0, $0xb8;
	[tilespmem:$0x10080] =	vst v63  }
0x33: {  	s15 =	rddreg [dreg:$0xc]  }
0x34: {  	[tilespmem:s15], [sflag:$0x1] =	stream.indirect_vreg.gather [hbm4b:s6+s4], $0x80, v3, vm0, $0xb8;
	[tilespmem:$0x10080] =	vst v63  }
0x35: {  	s0 =	rddreg [dreg:$0xd]  }
0x36: {  	[tilespmem:s0], [sflag:$0x1] =	stream.indirect_vreg.gather [hbm4b:s7+s4], $0x80, v3, vm0, $0xb8;
	[tilespmem:$0x10080] =	vst v63  }
0x37: {  	v3 =	vld [tilespmem:$0x10];
	_ =	sdelay $0x4  }
0x38: {  	v61 =	vshll.u32 v3, $0x3  }
0x39: {  	v3 =	vand.u32 $0x7, v3;
	v4 =	vand.u32 $0xFFFFFFC0, v61  }
0x3a: {  	v3 =	vor.u32 v3, v4  }
0x3b: {  	v4 =	vperm.xlane v3, v0;
	_ =	sdelay $0x1  }
0x3c: {  	v4 =	vadd.s32 v1, v4;
	_ =	sdelay $0x3  }
0x3d: {  	s0 =	rddreg [dreg:$0xe]  }
0x3e: {  	[tilespmem:s0], [sflag:$0x1] =	stream.indirect_vreg.gather [hbm4b:s1+s4], $0x80, v4, vm0, $0xb8;
	[tilespmem:$0x10080] =	vst v63  }
0x3f: {  	s15 =	rddreg [dreg:$0xf];
	v3 =	vperm.xlane v3, v2  }
0x40: {  	[tilespmem:s15], [sflag:$0x1] =	stream.indirect_vreg.gather [hbm4b:s5+s4], $0x80, v4, vm0, $0xb8;
	[tilespmem:$0x10080] =	vst v63  }
0x41: {  	v3 =	vadd.s32 v1, v3;
	s0 =	rddreg [dreg:$0x10]  }
0x42: {  	[tilespmem:s0], [sflag:$0x1] =	stream.indirect_vreg.gather [hbm4b:s6+s4], $0x80, v4, vm0, $0xb8;
	[tilespmem:$0x10080] =	vst v63  }
0x43: {  	s15 =	rddreg [dreg:$0x11]  }
0x44: {  	[tilespmem:s15], [sflag:$0x1] =	stream.indirect_vreg.gather [hbm4b:s7+s4], $0x80, v4, vm0, $0xb8;
	[tilespmem:$0x10080] =	vst v63  }
0x45: {  	s0 =	rddreg [dreg:$0x12]  }
0x46: {  	[tilespmem:s0], [sflag:$0x1] =	stream.indirect_vreg.gather [hbm4b:s1+s4], $0x80, v3, vm0, $0xb8;
	[tilespmem:$0x10080] =	vst v63  }
0x47: {  	s15 =	rddreg [dreg:$0x13]  }
0x48: {  	[tilespmem:s15], [sflag:$0x1] =	stream.indirect_vreg.gather [hbm4b:s5+s4], $0x80, v3, vm0, $0xb8;
	[tilespmem:$0x10080] =	vst v63  }
0x49: {  	s0 =	rddreg [dreg:$0x14]  }
0x4a: {  	[tilespmem:s0], [sflag:$0x1] =	stream.indirect_vreg.gather [hbm4b:s6+s4], $0x80, v3, vm0, $0xb8;
	[tilespmem:$0x10080] =	vst v63  }
0x4b: {  	s15 =	rddreg [dreg:$0x15]  }
0x4c: {  	[tilespmem:s15], [sflag:$0x1] =	stream.indirect_vreg.gather [hbm4b:s7+s4], $0x80, v3, vm0, $0xb8;
	[tilespmem:$0x10080] =	vst v63  }
0x4d: {  	v3 =	vld [tilespmem:$0x0];
	_ =	sdelay $0x4  }
0x4e: {  	v62 =	vshll.u32 v3, $0x3  }
0x4f: {  	v3 =	vand.u32 $0x7, v3;
	v4 =	vand.u32 $0xFFFFFFC0, v62  }
0x50: {  	v3 =	vor.u32 v3, v4  }
0x51: {  	v4 =	vperm.xlane v3, v0;
	_ =	sdelay $0x1  }
0x52: {  	v4 =	vadd.s32 v1, v4;
	_ =	sdelay $0x4  }
0x53: {  	[tilespmem:s14], [sflag:$0x2] =	stream.indirect_vreg.gather [hbm4b:s3+s4], $0x80, v4, vm0, $0xb8;
	[tilespmem:$0x10080] =	vst v63  }
0x54: {  	s15 =	simm.s32 $0x8880;
	v3 =	vperm.xlane v3, v2  }
0x55: {  	[tilespmem:s15], [sflag:$0x2] =	stream.indirect_vreg.gather [hbm4b:s8+s4], $0x80, v4, vm0, $0xb8;
	[tilespmem:$0x10080] =	vst v63  }
0x56: {  	v3 =	vadd.s32 v1, v3  }
0x57: {  	[tilespmem:s16], [sflag:$0x2] =	stream.indirect_vreg.gather [hbm4b:s9+s4], $0x80, v4, vm0, $0xb8;
	[tilespmem:$0x10080] =	vst v63  }
0x58: {  	_ = 	snop  }
0x59: {  	[tilespmem:s17], [sflag:$0x2] =	stream.indirect_vreg.gather [hbm4b:s10+s4], $0x80, v4, vm0, $0xb8;
	[tilespmem:$0x10080] =	vst v63  }
0x5a: {  	_ = 	snop  }
0x5b: {  	[tilespmem:s18], [sflag:$0x2] =	stream.indirect_vreg.gather [hbm4b:s3+s4], $0x80, v3, vm0, $0xb8;
	[tilespmem:$0x10080] =	vst v63  }
0x5c: {  	_ = 	snop  }
0x5d: {  	[tilespmem:s19], [sflag:$0x2] =	stream.indirect_vreg.gather [hbm4b:s8+s4], $0x80, v3, vm0, $0xb8;
	[tilespmem:$0x10080] =	vst v63  }
0x5e: {  	_ = 	snop  }
0x5f: {  	[tilespmem:s20], [sflag:$0x2] =	stream.indirect_vreg.gather [hbm4b:s9+s4], $0x80, v3, vm0, $0xb8;
	[tilespmem:$0x10080] =	vst v63  }
0x60: {  	_ = 	snop  }
0x61: {  	[tilespmem:s21], [sflag:$0x2] =	stream.indirect_vreg.gather [hbm4b:s10+s4], $0x80, v3, vm0, $0xb8;
	[tilespmem:$0x10080] =	vst v63  }
0x62: {  	v3 =	vld [tilespmem:$0x10];
	_ =	sdelay $0x4  }
0x63: {  	v63 =	vshll.u32 v3, $0x3  }
0x64: {  	v3 =	vand.u32 $0x7, v3;
	v4 =	vand.u32 $0xFFFFFFC0, v63  }
0x65: {  	v3 =	vor.u32 v3, v4  }
0x66: {  	v4 =	vperm.xlane v3, v0;
	_ =	sdelay $0x1  }
0x67: {  	v4 =	vadd.s32 v1, v4;
	_ =	sdelay $0x4  }
0x68: {  	[tilespmem:s22], [sflag:$0x2] =	stream.indirect_vreg.gather [hbm4b:s3+s4], $0x80, v4, vm0, $0xb8;
	[tilespmem:$0x10080] =	vst v63  }
0x69: {  	v3 =	vperm.xlane v3, v2  }
0x6a: {  	[tilespmem:s23], [sflag:$0x2] =	stream.indirect_vreg.gather [hbm4b:s8+s4], $0x80, v4, vm0, $0xb8;
	[tilespmem:$0x10080] =	vst v63  }
0x6b: {  	v3 =	vadd.s32 v1, v3  }
0x6c: {  	[tilespmem:s24], [sflag:$0x2] =	stream.indirect_vreg.gather [hbm4b:s9+s4], $0x80, v4, vm0, $0xb8;
	[tilespmem:$0x10080] =	vst v63  }
0x6d: {  	_ = 	snop  }
0x6e: {  	[tilespmem:s25], [sflag:$0x2] =	stream.indirect_vreg.gather [hbm4b:s10+s4], $0x80, v4, vm0, $0xb8;
	[tilespmem:$0x10080] =	vst v63  }
0x6f: {  	_ = 	snop  }
0x70: {  	[tilespmem:s26], [sflag:$0x2] =	stream.indirect_vreg.gather [hbm4b:s3+s4], $0x80, v3, vm0, $0xb8;
	[tilespmem:$0x10080] =	vst v63  }
0x71: {  	_ = 	snop  }
0x72: {  	[tilespmem:s28], [sflag:$0x2] =	stream.indirect_vreg.gather [hbm4b:s8+s4], $0x80, v3, vm0, $0xb8;
	[tilespmem:$0x10080] =	vst v63  }
0x73: {  	_ = 	snop  }
0x74: {  	[tilespmem:s29], [sflag:$0x2] =	stream.indirect_vreg.gather [hbm4b:s9+s4], $0x80, v3, vm0, $0xb8;
	[tilespmem:$0x10080] =	vst v63  }
0x75: {  	_ = 	snop  }
0x76: {  	[tilespmem:s30], [sflag:$0x2] =	stream.indirect_vreg.gather [hbm4b:s10+s4], $0x80, v3, vm0, $0xb8;
	[tilespmem:$0x10080] =	vst v63  }
0x77: {  	_ =	swait.ge [sflag:s31], $0x8000  }
0x78: {  	[sflag:s31] =	ssyncset.done $0x0  }
0x79: {  	s15 =	rddreg [dreg:$0x5];
	[sflag:s31] =	ssyncadd.s32 $0xFFFF8000  }
0x7a: {  	[hbm4b:s15+s4] =	stream.linear.scatter [tilespmem:s13], [sflag:$0x3], $0x8000, $0x38;
	[tilespmem:$0x10080] =	vst v63  }
0x7b: {  	_ =	swait.ge [sflag:s12], $0x8000  }
0x7c: {  	[sflag:s12] =	ssyncset.done $0x0  }
0x7d: {  	[sflag:s12] =	ssyncadd.s32 $0xFFFF8000  }
0x7e: {  	_ =	swait.ge [sflag:s2], $0x8000  }
0x7f: {  	p0 =	sne.s32 s11, $0x1;
	[sflag:s2] =	ssyncset.done $0x0  }
.Ltmp0:
0x80: {  	s15 =	rddreg [dreg:$0x6];
	[sflag:s2] =	ssyncadd.s32 $0xFFFF8000;
	(pc) =	sbr.rel @p0 .LBB2_1-.Ltmp0, $4  }
0x81: {  	[hbm4b:s15+s4] =	stream.linear.scatter [tilespmem:s14], [sflag:$0x3], $0x8000, $0x38;
	[tilespmem:$0x10080] =	vst v63  }
0x82: {  	_ =	swait.ge [sflag:s12], $0x8000  }
0x83: {  	[sflag:s12] =	ssyncset.done $0x0  }
0x84: {  	s11 =	sadd.s32 $0xFFFFFFFF, s11;
	[sflag:s12] =	ssyncadd.s32 $0xFFFF8000  }
0x85: {  	_ =	sfence.sel $0x180000  }
0x86: {  	[bflag:$0x0] =	sbarrier.arrive $0xFFFF  }
0x87: {  	_ =	strace $0x90000047  }
0x88: {  	s0 =	stileid.u32;
	[bflag:$0x2] =	sbarrier.arrive $0xFFFF  }
0x89: {  	p0 =	sne.s32 s0, $0x0;
	s0 =	rddreg [dreg:$0x3]  }
0x8a: {  	s0 =	sadd.s32 @!p0 $0x100000, s0  }
0x8b: {  	[sflag:s0] =	ssyncadd.tile.s32 @!p0 $0x1;
	_ =	shalt  }
.Lfunc_end2:
_tile_overlayer_lowered:
.L_overlay_start_2:
0x8c: {  	(tag) =	ssettag $0x2  }
0x8d: {  	s0 =	rddreg [dreg:$0x0];
	s2 =	stileid.u32  }
0x8e: {  	s1 =	rddreg [dreg:$0x1];
	p0 =	sne.s32 s2, $0x0  }
0x8f: {  	s3 =	rddreg [dreg:$0x2];
	[bflag:$0x3] =	sbarrier.arrive $0xFFFF;
	s2 =	simm.s32 @!p0 $0x1C03  }
0x90: {  	[timem:s3], [sflag:s2] =	dma.local @!p0 [hbm:s0], s1  }
0x91: {  	s0 =	simm.s32 @!p0 $0x3  }
0x92: {  	_ =	swait.ge @!p0 [sflag:s0], s1  }
0x93: {  	s1 =	ssub.s32 @!p0 $0x0, s1;
	[sflag:s0] =	ssyncset.done @!p0 $0x0  }
0x94: {  	[sflag:s0] =	ssyncadd.s32 @!p0 s1  }
0x95: {  	[bflag:$0x3] =	sbarrier.arrive $0xFFFF  }
0x96: {  	_ =	shalt  }

</sc_bundles>
